<compile_context>
chip_gen: v7x
topology: tpu7x:2x2x1
jax: 0.10.2.dev20260603
libtpu: 0.0.44.dev20260713+nightly
codegen_flags: <defaults>
</compile_context>

<pallas_src>
import functools

import jax
import jax.numpy as jnp
from jax import lax
from jax.experimental import pallas as pl
from jax.experimental.pallas import tpu as pltpu
from jax.experimental.pallas import tpu_sc as plsc

_info = plsc.get_sparse_core_info()
_NC, _NS = _info.num_cores, _info.num_subcores
_NW = _NC * _NS

_CHUNK = 128
_NBUF = 3


def _make_gather(b, s, d2):
    d_half = d2 // 2
    work = (b * s) // _NW
    n_chunks = work // _CHUNK
    wpr = s // work
    mesh = plsc.VectorSubcoreMesh(core_axis_name="c", subcore_axis_name="s")

    @functools.partial(
        pl.kernel,
        out_type=(
            jax.ShapeDtypeStruct((b, s, d_half), jnp.float32),
            jax.ShapeDtypeStruct((b, s, d_half), jnp.float32),
        ),
        mesh=mesh,
        scratch_types=[
            pltpu.VMEM((work,), jnp.int32),
            [pltpu.VMEM((_CHUNK, d2), jnp.float32) for _ in range(_NBUF)],
            [pltpu.SemaphoreType.DMA for _ in range(_NBUF)],
            [pltpu.SemaphoreType.DMA for _ in range(_NBUF)],
        ],
    )
    def gather_kernel(table_hbm, idx_hbm, cos_hbm, sin_hbm,
                      idx_v, rows, sem_g, sem_s):
        wid = lax.axis_index("s") * _NC + lax.axis_index("c")
        row = wid // wpr
        col0 = (wid % wpr) * work
        pltpu.sync_copy(idx_hbm.at[row, pl.ds(col0, work)], idx_v)

        def start_gather(c):
            buf = c % _NBUF
            return pltpu.async_copy(
                table_hbm.at[idx_v.at[pl.ds(c * _CHUNK, _CHUNK)]],
                rows[buf], sem_g[buf])

        gather = [None] * _NBUF
        scatter = [None] * _NBUF
        for c in range(min(_NBUF, n_chunks)):
            gather[c % _NBUF] = start_gather(c)
        for c in range(n_chunks):
            buf = c % _NBUF
            col = col0 + c * _CHUNK
            gather[buf].wait()
            scatter[buf] = (
                pltpu.async_copy(rows[buf].at[:, pl.ds(0, d_half)],
                                 cos_hbm.at[row, pl.ds(col, _CHUNK), :],
                                 sem_s[buf]),
                pltpu.async_copy(rows[buf].at[:, pl.ds(d_half, d_half)],
                                 sin_hbm.at[row, pl.ds(col, _CHUNK), :],
                                 sem_s[buf]),
            )
            nxt = c + _NBUF
            if nxt < n_chunks:
                nb = nxt % _NBUF
                sc = scatter[nb]
                if sc is not None:
                    sc[0].wait()
                    sc[1].wait()
                gather[nb] = start_gather(nxt)
        for buf in range(min(_NBUF, n_chunks)):
            sc = scatter[buf]
            if sc is not None:
                sc[0].wait()
                sc[1].wait()

    return gather_kernel


def kernel(x, position_ids, cos_sin_cache):
    if position_ids.ndim == 3:
        position_ids = position_ids[0]
    b, s = position_ids.shape
    d2 = cos_sin_cache.shape[-1]
    return _make_gather(b, s, d2)(cos_sin_cache, position_ids)

# --- scband reference (transcript-rebuilt; emitter-appended) ---
"""Pipeline reference for scband-caching-rotary-emb-77060303224850 (READ-ONLY COPY).

The authoritative reference and input builder live on the scoring server;
editing this copy changes nothing except your own understanding.
"""

import jax, jax.numpy as jnp
import numpy as np

MAX_POS = 32768
ROT_DIM = 128
B, S = 4, 8192


def _build_cos_sin_cache():
    # Standard RoPE precompute, mirroring what the wrapped rotary_emb module
    # produces: cat([cos, sin], dim=-1) squeezed -> [MAX_POS, 2*ROT_DIM]
    inv_freq = 1.0 / (10000.0 ** (np.arange(0, ROT_DIM, 2, dtype=np.float32) / ROT_DIM))
    pos = np.arange(MAX_POS, dtype=np.float32)
    freqs = np.outer(pos, inv_freq)  # [MAX_POS, ROT_DIM//2]
    emb = np.concatenate([freqs, freqs], axis=-1)  # [MAX_POS, ROT_DIM]
    cache = np.concatenate([np.cos(emb), np.sin(emb)], axis=-1)  # [MAX_POS, 2*ROT_DIM]
    return jnp.asarray(cache, dtype=jnp.float32)


def setup_inputs(seed: int = 0) -> dict:
    key = jax.random.key(seed)
    k1, k2 = jax.random.split(key)
    x = jax.random.normal(k1, (B, S, ROT_DIM), dtype=jnp.float32)
    position_ids = jax.random.randint(k2, (B, S), 0, MAX_POS, dtype=jnp.int32)
    cos_sin_cache = _build_cos_sin_cache()
    return {"x": x, "position_ids": position_ids, "cos_sin_cache": cos_sin_cache}


def reference(x, position_ids, cos_sin_cache):
    # Cached fast path of CachingRotaryEmb.forward
    if position_ids.ndim == 3:
        position_ids = position_ids[0]
    flat = position_ids.reshape(-1)
    sel = jnp.take(cos_sin_cache, flat, axis=0)  # index_select -> gather
    sel = sel.reshape(position_ids.shape[0], -1, cos_sin_cache.shape[-1])
    cos, sin = jnp.split(sel, 2, axis=-1)  # chunk(2, dim=-1)
    return (cos, sin)

if __name__ == "__main__":
    import jax
    _d = setup_inputs()
    print(jax.jit(kernel)(*tuple(_d.values())))

</pallas_src>

<mosaic_0001>
#map = affine_map<(d0, d1) -> (0, 0)>
#map1 = affine_map<(d0, d1) -> (0, 0, 0)>
module attributes {stable_mosaic.version = 14 : i64} {
  func.func @gather_kernel(%arg0: i32, %arg1: i32, %arg2: memref<32768x256xf32, #tpu.memory_space<hbm>>, %arg3: memref<4x8192xi32, #tpu.memory_space<hbm>>, %arg4: memref<4x8192x128xf32, #tpu.memory_space<hbm>>, %arg5: memref<4x8192x128xf32, #tpu.memory_space<hbm>>, %arg6: memref<1024xi32, #tpu.memory_space<vmem>>, %arg7: memref<128x256xf32, #tpu.memory_space<vmem>>, %arg8: memref<128x256xf32, #tpu.memory_space<vmem>>, %arg9: memref<128x256xf32, #tpu.memory_space<vmem>>, %arg10: memref<!tpu.dma_semaphore, #tpu.memory_space<semaphore_mem>>, %arg11: memref<!tpu.dma_semaphore, #tpu.memory_space<semaphore_mem>>, %arg12: memref<!tpu.dma_semaphore, #tpu.memory_space<semaphore_mem>>, %arg13: memref<!tpu.dma_semaphore, #tpu.memory_space<semaphore_mem>>, %arg14: memref<!tpu.dma_semaphore, #tpu.memory_space<semaphore_mem>>, %arg15: memref<!tpu.dma_semaphore, #tpu.memory_space<semaphore_mem>>) attributes {dimension_semantics = [#tpu.dimension_semantics<core_parallel>, #tpu.dimension_semantics<subcore_parallel>], iteration_bounds = array<i64: 2, 16>, scalar_prefetch = 0 : i64, scratch_operands = 10 : i64, tpu.core_type = #tpu.core_type<sc_vector_subcore>, window_params = [{transform_indices = #map}, {transform_indices = #map}, {transform_indices = #map1}, {transform_indices = #map1}]} {
    %mul3A = arith.constant 2 : i32
    %mul3A_0 = arith.muli %arg1, %mul3A : i32
    %add3A = arith.addi %mul3A_0, %arg0 : i32
    %jit3A = arith.constant 8 : i32
    %div3A = arith.divsi %add3A, %jit3A : i32
    %sign3A = arith.constant 0 : i32
    %sign3A_1 = arith.cmpi sgt, %add3A, %sign3A : i32
    %sign3A_2 = arith.extui %sign3A_1 : i1 to i32
    %sign3A_3 = arith.constant 0 : i32
    %sign3A_4 = arith.cmpi slt, %add3A, %sign3A_3 : i32
    %sign3A_5 = arith.extui %sign3A_4 : i1 to i32
    %sign3A_6 = arith.subi %sign3A_2, %sign3A_5 : i32
    %sign3A_7 = arith.constant 0 : i32
    %sign3A_8 = arith.cmpi sgt, %jit3A, %sign3A_7 : i32
    %sign3A_9 = arith.extui %sign3A_8 : i1 to i32
    %sign3A_10 = arith.constant 0 : i32
    %sign3A_11 = arith.cmpi slt, %jit3A, %sign3A_10 : i32
    %sign3A_12 = arith.extui %sign3A_11 : i1 to i32
    %sign3A_13 = arith.subi %sign3A_9, %sign3A_12 : i32
    %ne3A = arith.cmpi ne, %sign3A_6, %sign3A_13 : i32
    %rem3A = arith.remsi %add3A, %jit3A : i32
    %ne3A_14 = arith.constant 0 : i32
    %ne3A_15 = arith.cmpi ne, %rem3A, %ne3A_14 : i32
    %and3A = arith.andi %ne3A, %ne3A_15 : i1
    %sub3A = arith.constant 1 : i32
    %sub3A_16 = arith.subi %div3A, %sub3A : i32
    %select_n3A = arith.select %and3A, %sub3A_16, %div3A : i32
    %jit3A_17 = arith.constant 8 : i32
    %eq3A = arith.constant 0 : i32
    %eq3A_18 = arith.cmpi eq, %jit3A_17, %eq3A : i32
    %jit3A_19 = arith.constant 1 : i32
    %select_n3A_20 = arith.select %eq3A_18, %jit3A_19, %jit3A_17 : i32
    %rem3A_21 = arith.remsi %add3A, %select_n3A_20 : i32
    %ne3A_22 = arith.constant 0 : i32
    %ne3A_23 = arith.cmpi ne, %rem3A_21, %ne3A_22 : i32
    %lt3A = arith.constant 0 : i32
    %lt3A_24 = arith.cmpi slt, %rem3A_21, %lt3A : i32
    %lt3A_25 = arith.constant 0 : i32
    %lt3A_26 = arith.cmpi slt, %select_n3A_20, %lt3A_25 : i32
    %ne3A_27 = arith.xori %lt3A_24, %lt3A_26 : i1
    %and3A_28 = arith.andi %ne3A_27, %ne3A_23 : i1
    %add3A_29 = arith.addi %rem3A_21, %select_n3A_20 : i32
    %select_n3A_30 = arith.select %and3A_28, %add3A_29, %rem3A_21 : i32
    %mul3A_31 = arith.constant 1024 : i32
    %mul3A_32 = arith.muli %select_n3A_30, %mul3A_31 : i32
    "tpu.region"() ({
      %run_scoped3A = tpu.sem_alloc : memref<!tpu.dma_semaphore, #tpu.memory_space<semaphore_mem>>
      %dma_start3A_511 = tpu.memref_slice %arg3[%select_n3A, %mul3A_32] : memref<4x8192xi32, #tpu.memory_space<hbm>> -> memref<1x1024xi32, #tpu.memory_space<hbm>>
      %dma_start3A_512 = tpu.memref_squeeze %dma_start3A_511 : memref<1x1024xi32, #tpu.memory_space<hbm>> -> memref<1024xi32, #tpu.memory_space<hbm>>
      %dma_start3A_513 = tpu.memref_slice %arg3[%select_n3A, %mul3A_32] : memref<4x8192xi32, #tpu.memory_space<hbm>> -> memref<1x1024xi32, #tpu.memory_space<hbm>>
      %dma_start3A_514 = tpu.memref_squeeze %dma_start3A_513 : memref<1x1024xi32, #tpu.memory_space<hbm>> -> memref<1024xi32, #tpu.memory_space<hbm>>
      tpu.enqueue_dma source(%dma_start3A_514 : memref<1024xi32, #tpu.memory_space<hbm>>) target(%arg6 : memref<1024xi32, #tpu.memory_space<vmem>>) target_semaphore(%run_scoped3A : memref<!tpu.dma_semaphore, #tpu.memory_space<semaphore_mem>>)
      %dma_wait3A_515 = tpu.memref_slice %arg3[%select_n3A, %mul3A_32] : memref<4x8192xi32, #tpu.memory_space<hbm>> -> memref<1x1024xi32, #tpu.memory_space<hbm>>
      %dma_wait3A_516 = tpu.memref_squeeze %dma_wait3A_515 : memref<1x1024xi32, #tpu.memory_space<hbm>> -> memref<1024xi32, #tpu.memory_space<hbm>>
      %dma_wait3A_517 = tpu.memref_slice %arg3[%select_n3A, %mul3A_32] : memref<4x8192xi32, #tpu.memory_space<hbm>> -> memref<1x1024xi32, #tpu.memory_space<hbm>>
      %dma_wait3A_518 = tpu.memref_squeeze %dma_wait3A_517 : memref<1x1024xi32, #tpu.memory_space<hbm>> -> memref<1024xi32, #tpu.memory_space<hbm>>
      tpu.wait_dma2 semaphore(%run_scoped3A : memref<!tpu.dma_semaphore, #tpu.memory_space<semaphore_mem>>) src(%dma_wait3A_518 : memref<1024xi32, #tpu.memory_space<hbm>>) dst(%arg6 : memref<1024xi32, #tpu.memory_space<vmem>>)
      tpu.yield
    }) : () -> ()
    %dma_start3A = arith.constant 0 : i32
    %dma_start3A_33 = tpu.memref_slice %arg6[%dma_start3A] : memref<1024xi32, #tpu.memory_space<vmem>> -> memref<128xi32, #tpu.memory_space<vmem>>
    %dma_start3A_34 = arith.constant 0 : i32
    %dma_start3A_35 = arith.constant 0 : i32
    %dma_start3A_36 = tpu.memref_slice %arg2[%dma_start3A_34, %dma_start3A_35] : memref<32768x256xf32, #tpu.memory_space<hbm>> -> memref<32768x256xf32, #tpu.memory_space<hbm>>
    tpu.enqueue_indirect_dma source(%dma_start3A_36 : memref<32768x256xf32, #tpu.memory_space<hbm>>) target(%arg7 : memref<128x256xf32, #tpu.memory_space<vmem>>) offsets(%dma_start3A_33 : memref<128xi32, #tpu.memory_space<vmem>>) semaphore(%arg10 : memref<!tpu.dma_semaphore, #tpu.memory_space<semaphore_mem>>)
    %dma_start3A_37 = arith.constant 128 : i32
    %dma_start3A_38 = tpu.memref_slice %arg6[%dma_start3A_37] : memref<1024xi32, #tpu.memory_space<vmem>> -> memref<128xi32, #tpu.memory_space<vmem>>
    %dma_start3A_39 = arith.constant 0 : i32
    %dma_start3A_40 = arith.constant 0 : i32
    %dma_start3A_41 = tpu.memref_slice %arg2[%dma_start3A_39, %dma_start3A_40] : memref<32768x256xf32, #tpu.memory_space<hbm>> -> memref<32768x256xf32, #tpu.memory_space<hbm>>
    tpu.enqueue_indirect_dma source(%dma_start3A_41 : memref<32768x256xf32, #tpu.memory_space<hbm>>) target(%arg8 : memref<128x256xf32, #tpu.memory_space<vmem>>) offsets(%dma_start3A_38 : memref<128xi32, #tpu.memory_space<vmem>>) semaphore(%arg11 : memref<!tpu.dma_semaphore, #tpu.memory_space<semaphore_mem>>)
    %dma_start3A_42 = arith.constant 256 : i32
    %dma_start3A_43 = tpu.memref_slice %arg6[%dma_start3A_42] : memref<1024xi32, #tpu.memory_space<vmem>> -> memref<128xi32, #tpu.memory_space<vmem>>
    %dma_start3A_44 = arith.constant 0 : i32
    %dma_start3A_45 = arith.constant 0 : i32
    %dma_start3A_46 = tpu.memref_slice %arg2[%dma_start3A_44, %dma_start3A_45] : memref<32768x256xf32, #tpu.memory_space<hbm>> -> memref<32768x256xf32, #tpu.memory_space<hbm>>
    tpu.enqueue_indirect_dma source(%dma_start3A_46 : memref<32768x256xf32, #tpu.memory_space<hbm>>) target(%arg9 : memref<128x256xf32, #tpu.memory_space<vmem>>) offsets(%dma_start3A_43 : memref<128xi32, #tpu.memory_space<vmem>>) semaphore(%arg12 : memref<!tpu.dma_semaphore, #tpu.memory_space<semaphore_mem>>)
    %add3A_47 = arith.constant 0 : i32
    %add3A_48 = arith.addi %mul3A_32, %add3A_47 : i32
    %dma_wait3A = arith.constant 0 : i32
    %dma_wait3A_49 = tpu.memref_slice %arg6[%dma_wait3A] : memref<1024xi32, #tpu.memory_space<vmem>> -> memref<128xi32, #tpu.memory_space<vmem>>
    %dma_wait3A_50 = arith.constant 0 : i32
    %dma_wait3A_51 = arith.constant 0 : i32
    %dma_wait3A_52 = tpu.memref_slice %arg2[%dma_wait3A_50, %dma_wait3A_51] : memref<32768x256xf32, #tpu.memory_space<hbm>> -> memref<32768x256xf32, #tpu.memory_space<hbm>>
    tpu.wait_indirect_dma semaphore(%arg10 : memref<!tpu.dma_semaphore, #tpu.memory_space<semaphore_mem>>) src(%dma_wait3A_52 : memref<32768x256xf32, #tpu.memory_space<hbm>>) dst(%arg7 : memref<128x256xf32, #tpu.memory_space<vmem>>)
    %dma_start3A_53 = arith.constant 0 : i32
    %dma_start3A_54 = arith.constant 0 : i32
    %dma_start3A_55 = tpu.memref_slice %arg7[%dma_start3A_53, %dma_start3A_54] : memref<128x256xf32, #tpu.memory_space<vmem>> -> memref<128x128xf32, #tpu.memory_space<vmem>>
    %dma_start3A_56 = arith.constant 0 : i32
    %dma_start3A_57 = tpu.memref_slice %arg4[%select_n3A, %add3A_48, %dma_start3A_56] : memref<4x8192x128xf32, #tpu.memory_space<hbm>> -> memref<1x128x128xf32, #tpu.memory_space<hbm>>
    %dma_start3A_58 = tpu.memref_squeeze %dma_start3A_57 : memref<1x128x128xf32, #tpu.memory_space<hbm>> -> memref<128x128xf32, #tpu.memory_space<hbm>>
    %dma_start3A_59 = arith.constant 0 : i32
    %dma_start3A_60 = tpu.memref_slice %arg4[%select_n3A, %add3A_48, %dma_start3A_59] : memref<4x8192x128xf32, #tpu.memory_space<hbm>> -> memref<1x128x128xf32, #tpu.memory_space<hbm>>
    %dma_start3A_61 = tpu.memref_squeeze %dma_start3A_60 : memref<1x128x128xf32, #tpu.memory_space<hbm>> -> memref<128x128xf32, #tpu.memory_space<hbm>>
    %dma_start3A_62 = arith.constant 0 : i32
    %dma_start3A_63 = arith.constant 0 : i32
    %dma_start3A_64 = tpu.memref_slice %arg7[%dma_start3A_62, %dma_start3A_63] : memref<128x256xf32, #tpu.memory_space<vmem>> -> memref<128x128xf32, #tpu.memory_space<vmem>>
    tpu.enqueue_dma source(%dma_start3A_64 : memref<128x128xf32, #tpu.memory_space<vmem>>) target(%dma_start3A_61 : memref<128x128xf32, #tpu.memory_space<hbm>>) target_semaphore(%arg13 : memref<!tpu.dma_semaphore, #tpu.memory_space<semaphore_mem>>)
    %dma_start3A_65 = arith.constant 0 : i32
    %dma_start3A_66 = arith.constant 128 : i32
    %dma_start3A_67 = tpu.memref_slice %arg7[%dma_start3A_65, %dma_start3A_66] : memref<128x256xf32, #tpu.memory_space<vmem>> -> memref<128x128xf32, #tpu.memory_space<vmem>>
    %dma_start3A_68 = arith.constant 0 : i32
    %dma_start3A_69 = tpu.memref_slice %arg5[%select_n3A, %add3A_48, %dma_start3A_68] : memref<4x8192x128xf32, #tpu.memory_space<hbm>> -> memref<1x128x128xf32, #tpu.memory_space<hbm>>
    %dma_start3A_70 = tpu.memref_squeeze %dma_start3A_69 : memref<1x128x128xf32, #tpu.memory_space<hbm>> -> memref<128x128xf32, #tpu.memory_space<hbm>>
    %dma_start3A_71 = arith.constant 0 : i32
    %dma_start3A_72 = tpu.memref_slice %arg5[%select_n3A, %add3A_48, %dma_start3A_71] : memref<4x8192x128xf32, #tpu.memory_space<hbm>> -> memref<1x128x128xf32, #tpu.memory_space<hbm>>
    %dma_start3A_73 = tpu.memref_squeeze %dma_start3A_72 : memref<1x128x128xf32, #tpu.memory_space<hbm>> -> memref<128x128xf32, #tpu.memory_space<hbm>>
    %dma_start3A_74 = arith.constant 0 : i32
    %dma_start3A_75 = arith.constant 128 : i32
    %dma_start3A_76 = tpu.memref_slice %arg7[%dma_start3A_74, %dma_start3A_75] : memref<128x256xf32, #tpu.memory_space<vmem>> -> memref<128x128xf32, #tpu.memory_space<vmem>>
    tpu.enqueue_dma source(%dma_start3A_76 : memref<128x128xf32, #tpu.memory_space<vmem>>) target(%dma_start3A_73 : memref<128x128xf32, #tpu.memory_space<hbm>>) target_semaphore(%arg13 : memref<!tpu.dma_semaphore, #tpu.memory_space<semaphore_mem>>)
    %dma_wait3A_77 = arith.constant 0 : i32
    %dma_wait3A_78 = arith.constant 0 : i32
    %dma_wait3A_79 = tpu.memref_slice %arg7[%dma_wait3A_77, %dma_wait3A_78] : memref<128x256xf32, #tpu.memory_space<vmem>> -> memref<128x128xf32, #tpu.memory_space<vmem>>
    %dma_wait3A_80 = arith.constant 0 : i32
    %dma_wait3A_81 = tpu.memref_slice %arg4[%select_n3A, %add3A_48, %dma_wait3A_80] : memref<4x8192x128xf32, #tpu.memory_space<hbm>> -> memref<1x128x128xf32, #tpu.memory_space<hbm>>
    %dma_wait3A_82 = tpu.memref_squeeze %dma_wait3A_81 : memref<1x128x128xf32, #tpu.memory_space<hbm>> -> memref<128x128xf32, #tpu.memory_space<hbm>>
    %dma_wait3A_83 = arith.constant 0 : i32
    %dma_wait3A_84 = tpu.memref_slice %arg4[%select_n3A, %add3A_48, %dma_wait3A_83] : memref<4x8192x128xf32, #tpu.memory_space<hbm>> -> memref<1x128x128xf32, #tpu.memory_space<hbm>>
    %dma_wait3A_85 = tpu.memref_squeeze %dma_wait3A_84 : memref<1x128x128xf32, #tpu.memory_space<hbm>> -> memref<128x128xf32, #tpu.memory_space<hbm>>
    %dma_wait3A_86 = arith.constant 0 : i32
    %dma_wait3A_87 = arith.constant 0 : i32
    %dma_wait3A_88 = tpu.memref_slice %arg7[%dma_wait3A_86, %dma_wait3A_87] : memref<128x256xf32, #tpu.memory_space<vmem>> -> memref<128x128xf32, #tpu.memory_space<vmem>>
    tpu.wait_dma2 semaphore(%arg13 : memref<!tpu.dma_semaphore, #tpu.memory_space<semaphore_mem>>) src(%dma_wait3A_88 : memref<128x128xf32, #tpu.memory_space<vmem>>) dst(%dma_wait3A_85 : memref<128x128xf32, #tpu.memory_space<hbm>>)
    %dma_wait3A_89 = arith.constant 0 : i32
    %dma_wait3A_90 = arith.constant 128 : i32
    %dma_wait3A_91 = tpu.memref_slice %arg7[%dma_wait3A_89, %dma_wait3A_90] : memref<128x256xf32, #tpu.memory_space<vmem>> -> memref<128x128xf32, #tpu.memory_space<vmem>>
    %dma_wait3A_92 = arith.constant 0 : i32
    %dma_wait3A_93 = tpu.memref_slice %arg5[%select_n3A, %add3A_48, %dma_wait3A_92] : memref<4x8192x128xf32, #tpu.memory_space<hbm>> -> memref<1x128x128xf32, #tpu.memory_space<hbm>>
    %dma_wait3A_94 = tpu.memref_squeeze %dma_wait3A_93 : memref<1x128x128xf32, #tpu.memory_space<hbm>> -> memref<128x128xf32, #tpu.memory_space<hbm>>
    %dma_wait3A_95 = arith.constant 0 : i32
    %dma_wait3A_96 = tpu.memref_slice %arg5[%select_n3A, %add3A_48, %dma_wait3A_95] : memref<4x8192x128xf32, #tpu.memory_space<hbm>> -> memref<1x128x128xf32, #tpu.memory_space<hbm>>
    %dma_wait3A_97 = tpu.memref_squeeze %dma_wait3A_96 : memref<1x128x128xf32, #tpu.memory_space<hbm>> -> memref<128x128xf32, #tpu.memory_space<hbm>>
    %dma_wait3A_98 = arith.constant 0 : i32
    %dma_wait3A_99 = arith.constant 128 : i32
    %dma_wait3A_100 = tpu.memref_slice %arg7[%dma_wait3A_98, %dma_wait3A_99] : memref<128x256xf32, #tpu.memory_space<vmem>> -> memref<128x128xf32, #tpu.memory_space<vmem>>
    tpu.wait_dma2 semaphore(%arg13 : memref<!tpu.dma_semaphore, #tpu.memory_space<semaphore_mem>>) src(%dma_wait3A_100 : memref<128x128xf32, #tpu.memory_space<vmem>>) dst(%dma_wait3A_97 : memref<128x128xf32, #tpu.memory_space<hbm>>)
    %dma_start3A_101 = arith.constant 384 : i32
    %dma_start3A_102 = tpu.memref_slice %arg6[%dma_start3A_101] : memref<1024xi32, #tpu.memory_space<vmem>> -> memref<128xi32, #tpu.memory_space<vmem>>
    %dma_start3A_103 = arith.constant 0 : i32
    %dma_start3A_104 = arith.constant 0 : i32
    %dma_start3A_105 = tpu.memref_slice %arg2[%dma_start3A_103, %dma_start3A_104] : memref<32768x256xf32, #tpu.memory_space<hbm>> -> memref<32768x256xf32, #tpu.memory_space<hbm>>
    tpu.enqueue_indirect_dma source(%dma_start3A_105 : memref<32768x256xf32, #tpu.memory_space<hbm>>) target(%arg7 : memref<128x256xf32, #tpu.memory_space<vmem>>) offsets(%dma_start3A_102 : memref<128xi32, #tpu.memory_space<vmem>>) semaphore(%arg10 : memref<!tpu.dma_semaphore, #tpu.memory_space<semaphore_mem>>)
    %add3A_106 = arith.constant 128 : i32
    %add3A_107 = arith.addi %mul3A_32, %add3A_106 : i32
    %dma_wait3A_108 = arith.constant 128 : i32
    %dma_wait3A_109 = tpu.memref_slice %arg6[%dma_wait3A_108] : memref<1024xi32, #tpu.memory_space<vmem>> -> memref<128xi32, #tpu.memory_space<vmem>>
    %dma_wait3A_110 = arith.constant 0 : i32
    %dma_wait3A_111 = arith.constant 0 : i32
    %dma_wait3A_112 = tpu.memref_slice %arg2[%dma_wait3A_110, %dma_wait3A_111] : memref<32768x256xf32, #tpu.memory_space<hbm>> -> memref<32768x256xf32, #tpu.memory_space<hbm>>
    tpu.wait_indirect_dma semaphore(%arg11 : memref<!tpu.dma_semaphore, #tpu.memory_space<semaphore_mem>>) src(%dma_wait3A_112 : memref<32768x256xf32, #tpu.memory_space<hbm>>) dst(%arg8 : memref<128x256xf32, #tpu.memory_space<vmem>>)
    %dma_start3A_113 = arith.constant 0 : i32
    %dma_start3A_114 = arith.constant 0 : i32
    %dma_start3A_115 = tpu.memref_slice %arg8[%dma_start3A_113, %dma_start3A_114] : memref<128x256xf32, #tpu.memory_space<vmem>> -> memref<128x128xf32, #tpu.memory_space<vmem>>
    %dma_start3A_116 = arith.constant 0 : i32
    %dma_start3A_117 = tpu.memref_slice %arg4[%select_n3A, %add3A_107, %dma_start3A_116] : memref<4x8192x128xf32, #tpu.memory_space<hbm>> -> memref<1x128x128xf32, #tpu.memory_space<hbm>>
    %dma_start3A_118 = tpu.memref_squeeze %dma_start3A_117 : memref<1x128x128xf32, #tpu.memory_space<hbm>> -> memref<128x128xf32, #tpu.memory_space<hbm>>
    %dma_start3A_119 = arith.constant 0 : i32
    %dma_start3A_120 = tpu.memref_slice %arg4[%select_n3A, %add3A_107, %dma_start3A_119] : memref<4x8192x128xf32, #tpu.memory_space<hbm>> -> memref<1x128x128xf32, #tpu.memory_space<hbm>>
    %dma_start3A_121 = tpu.memref_squeeze %dma_start3A_120 : memref<1x128x128xf32, #tpu.memory_space<hbm>> -> memref<128x128xf32, #tpu.memory_space<hbm>>
    %dma_start3A_122 = arith.constant 0 : i32
    %dma_start3A_123 = arith.constant 0 : i32
    %dma_start3A_124 = tpu.memref_slice %arg8[%dma_start3A_122, %dma_start3A_123] : memref<128x256xf32, #tpu.memory_space<vmem>> -> memref<128x128xf32, #tpu.memory_space<vmem>>
    tpu.enqueue_dma source(%dma_start3A_124 : memref<128x128xf32, #tpu.memory_space<vmem>>) target(%dma_start3A_121 : memref<128x128xf32, #tpu.memory_space<hbm>>) target_semaphore(%arg14 : memref<!tpu.dma_semaphore, #tpu.memory_space<semaphore_mem>>)
    %dma_start3A_125 = arith.constant 0 : i32
    %dma_start3A_126 = arith.constant 128 : i32
    %dma_start3A_127 = tpu.memref_slice %arg8[%dma_start3A_125, %dma_start3A_126] : memref<128x256xf32, #tpu.memory_space<vmem>> -> memref<128x128xf32, #tpu.memory_space<vmem>>
    %dma_start3A_128 = arith.constant 0 : i32
    %dma_start3A_129 = tpu.memref_slice %arg5[%select_n3A, %add3A_107, %dma_start3A_128] : memref<4x8192x128xf32, #tpu.memory_space<hbm>> -> memref<1x128x128xf32, #tpu.memory_space<hbm>>
    %dma_start3A_130 = tpu.memref_squeeze %dma_start3A_129 : memref<1x128x128xf32, #tpu.memory_space<hbm>> -> memref<128x128xf32, #tpu.memory_space<hbm>>
    %dma_start3A_131 = arith.constant 0 : i32
    %dma_start3A_132 = tpu.memref_slice %arg5[%select_n3A, %add3A_107, %dma_start3A_131] : memref<4x8192x128xf32, #tpu.memory_space<hbm>> -> memref<1x128x128xf32, #tpu.memory_space<hbm>>
    %dma_start3A_133 = tpu.memref_squeeze %dma_start3A_132 : memref<1x128x128xf32, #tpu.memory_space<hbm>> -> memref<128x128xf32, #tpu.memory_space<hbm>>
    %dma_start3A_134 = arith.constant 0 : i32
    %dma_start3A_135 = arith.constant 128 : i32
    %dma_start3A_136 = tpu.memref_slice %arg8[%dma_start3A_134, %dma_start3A_135] : memref<128x256xf32, #tpu.memory_space<vmem>> -> memref<128x128xf32, #tpu.memory_space<vmem>>
    tpu.enqueue_dma source(%dma_start3A_136 : memref<128x128xf32, #tpu.memory_space<vmem>>) target(%dma_start3A_133 : memref<128x128xf32, #tpu.memory_space<hbm>>) target_semaphore(%arg14 : memref<!tpu.dma_semaphore, #tpu.memory_space<semaphore_mem>>)
    %dma_wait3A_137 = arith.constant 0 : i32
    %dma_wait3A_138 = arith.constant 0 : i32
    %dma_wait3A_139 = tpu.memref_slice %arg8[%dma_wait3A_137, %dma_wait3A_138] : memref<128x256xf32, #tpu.memory_space<vmem>> -> memref<128x128xf32, #tpu.memory_space<vmem>>
    %dma_wait3A_140 = arith.constant 0 : i32
    %dma_wait3A_141 = tpu.memref_slice %arg4[%select_n3A, %add3A_107, %dma_wait3A_140] : memref<4x8192x128xf32, #tpu.memory_space<hbm>> -> memref<1x128x128xf32, #tpu.memory_space<hbm>>
    %dma_wait3A_142 = tpu.memref_squeeze %dma_wait3A_141 : memref<1x128x128xf32, #tpu.memory_space<hbm>> -> memref<128x128xf32, #tpu.memory_space<hbm>>
    %dma_wait3A_143 = arith.constant 0 : i32
    %dma_wait3A_144 = tpu.memref_slice %arg4[%select_n3A, %add3A_107, %dma_wait3A_143] : memref<4x8192x128xf32, #tpu.memory_space<hbm>> -> memref<1x128x128xf32, #tpu.memory_space<hbm>>
    %dma_wait3A_145 = tpu.memref_squeeze %dma_wait3A_144 : memref<1x128x128xf32, #tpu.memory_space<hbm>> -> memref<128x128xf32, #tpu.memory_space<hbm>>
    %dma_wait3A_146 = arith.constant 0 : i32
    %dma_wait3A_147 = arith.constant 0 : i32
    %dma_wait3A_148 = tpu.memref_slice %arg8[%dma_wait3A_146, %dma_wait3A_147] : memref<128x256xf32, #tpu.memory_space<vmem>> -> memref<128x128xf32, #tpu.memory_space<vmem>>
    tpu.wait_dma2 semaphore(%arg14 : memref<!tpu.dma_semaphore, #tpu.memory_space<semaphore_mem>>) src(%dma_wait3A_148 : memref<128x128xf32, #tpu.memory_space<vmem>>) dst(%dma_wait3A_145 : memref<128x128xf32, #tpu.memory_space<hbm>>)
    %dma_wait3A_149 = arith.constant 0 : i32
    %dma_wait3A_150 = arith.constant 128 : i32
    %dma_wait3A_151 = tpu.memref_slice %arg8[%dma_wait3A_149, %dma_wait3A_150] : memref<128x256xf32, #tpu.memory_space<vmem>> -> memref<128x128xf32, #tpu.memory_space<vmem>>
    %dma_wait3A_152 = arith.constant 0 : i32
    %dma_wait3A_153 = tpu.memref_slice %arg5[%select_n3A, %add3A_107, %dma_wait3A_152] : memref<4x8192x128xf32, #tpu.memory_space<hbm>> -> memref<1x128x128xf32, #tpu.memory_space<hbm>>
    %dma_wait3A_154 = tpu.memref_squeeze %dma_wait3A_153 : memref<1x128x128xf32, #tpu.memory_space<hbm>> -> memref<128x128xf32, #tpu.memory_space<hbm>>
    %dma_wait3A_155 = arith.constant 0 : i32
    %dma_wait3A_156 = tpu.memref_slice %arg5[%select_n3A, %add3A_107, %dma_wait3A_155] : memref<4x8192x128xf32, #tpu.memory_space<hbm>> -> memref<1x128x128xf32, #tpu.memory_space<hbm>>
    %dma_wait3A_157 = tpu.memref_squeeze %dma_wait3A_156 : memref<1x128x128xf32, #tpu.memory_space<hbm>> -> memref<128x128xf32, #tpu.memory_space<hbm>>
    %dma_wait3A_158 = arith.constant 0 : i32
    %dma_wait3A_159 = arith.constant 128 : i32
    %dma_wait3A_160 = tpu.memref_slice %arg8[%dma_wait3A_158, %dma_wait3A_159] : memref<128x256xf32, #tpu.memory_space<vmem>> -> memref<128x128xf32, #tpu.memory_space<vmem>>
    tpu.wait_dma2 semaphore(%arg14 : memref<!tpu.dma_semaphore, #tpu.memory_space<semaphore_mem>>) src(%dma_wait3A_160 : memref<128x128xf32, #tpu.memory_space<vmem>>) dst(%dma_wait3A_157 : memref<128x128xf32, #tpu.memory_space<hbm>>)
    %dma_start3A_161 = arith.constant 512 : i32
    %dma_start3A_162 = tpu.memref_slice %arg6[%dma_start3A_161] : memref<1024xi32, #tpu.memory_space<vmem>> -> memref<128xi32, #tpu.memory_space<vmem>>
    %dma_start3A_163 = arith.constant 0 : i32
    %dma_start3A_164 = arith.constant 0 : i32
    %dma_start3A_165 = tpu.memref_slice %arg2[%dma_start3A_163, %dma_start3A_164] : memref<32768x256xf32, #tpu.memory_space<hbm>> -> memref<32768x256xf32, #tpu.memory_space<hbm>>
    tpu.enqueue_indirect_dma source(%dma_start3A_165 : memref<32768x256xf32, #tpu.memory_space<hbm>>) target(%arg8 : memref<128x256xf32, #tpu.memory_space<vmem>>) offsets(%dma_start3A_162 : memref<128xi32, #tpu.memory_space<vmem>>) semaphore(%arg11 : memref<!tpu.dma_semaphore, #tpu.memory_space<semaphore_mem>>)
    %add3A_166 = arith.constant 256 : i32
    %add3A_167 = arith.addi %mul3A_32, %add3A_166 : i32
    %dma_wait3A_168 = arith.constant 256 : i32
    %dma_wait3A_169 = tpu.memref_slice %arg6[%dma_wait3A_168] : memref<1024xi32, #tpu.memory_space<vmem>> -> memref<128xi32, #tpu.memory_space<vmem>>
    %dma_wait3A_170 = arith.constant 0 : i32
    %dma_wait3A_171 = arith.constant 0 : i32
    %dma_wait3A_172 = tpu.memref_slice %arg2[%dma_wait3A_170, %dma_wait3A_171] : memref<32768x256xf32, #tpu.memory_space<hbm>> -> memref<32768x256xf32, #tpu.memory_space<hbm>>
    tpu.wait_indirect_dma semaphore(%arg12 : memref<!tpu.dma_semaphore, #tpu.memory_space<semaphore_mem>>) src(%dma_wait3A_172 : memref<32768x256xf32, #tpu.memory_space<hbm>>) dst(%arg9 : memref<128x256xf32, #tpu.memory_space<vmem>>)
    %dma_start3A_173 = arith.constant 0 : i32
    %dma_start3A_174 = arith.constant 0 : i32
    %dma_start3A_175 = tpu.memref_slice %arg9[%dma_start3A_173, %dma_start3A_174] : memref<128x256xf32, #tpu.memory_space<vmem>> -> memref<128x128xf32, #tpu.memory_space<vmem>>
    %dma_start3A_176 = arith.constant 0 : i32
    %dma_start3A_177 = tpu.memref_slice %arg4[%select_n3A, %add3A_167, %dma_start3A_176] : memref<4x8192x128xf32, #tpu.memory_space<hbm>> -> memref<1x128x128xf32, #tpu.memory_space<hbm>>
    %dma_start3A_178 = tpu.memref_squeeze %dma_start3A_177 : memref<1x128x128xf32, #tpu.memory_space<hbm>> -> memref<128x128xf32, #tpu.memory_space<hbm>>
    %dma_start3A_179 = arith.constant 0 : i32
    %dma_start3A_180 = tpu.memref_slice %arg4[%select_n3A, %add3A_167, %dma_start3A_179] : memref<4x8192x128xf32, #tpu.memory_space<hbm>> -> memref<1x128x128xf32, #tpu.memory_space<hbm>>
    %dma_start3A_181 = tpu.memref_squeeze %dma_start3A_180 : memref<1x128x128xf32, #tpu.memory_space<hbm>> -> memref<128x128xf32, #tpu.memory_space<hbm>>
    %dma_start3A_182 = arith.constant 0 : i32
    %dma_start3A_183 = arith.constant 0 : i32
    %dma_start3A_184 = tpu.memref_slice %arg9[%dma_start3A_182, %dma_start3A_183] : memref<128x256xf32, #tpu.memory_space<vmem>> -> memref<128x128xf32, #tpu.memory_space<vmem>>
    tpu.enqueue_dma source(%dma_start3A_184 : memref<128x128xf32, #tpu.memory_space<vmem>>) target(%dma_start3A_181 : memref<128x128xf32, #tpu.memory_space<hbm>>) target_semaphore(%arg15 : memref<!tpu.dma_semaphore, #tpu.memory_space<semaphore_mem>>)
    %dma_start3A_185 = arith.constant 0 : i32
    %dma_start3A_186 = arith.constant 128 : i32
    %dma_start3A_187 = tpu.memref_slice %arg9[%dma_start3A_185, %dma_start3A_186] : memref<128x256xf32, #tpu.memory_space<vmem>> -> memref<128x128xf32, #tpu.memory_space<vmem>>
    %dma_start3A_188 = arith.constant 0 : i32
    %dma_start3A_189 = tpu.memref_slice %arg5[%select_n3A, %add3A_167, %dma_start3A_188] : memref<4x8192x128xf32, #tpu.memory_space<hbm>> -> memref<1x128x128xf32, #tpu.memory_space<hbm>>
    %dma_start3A_190 = tpu.memref_squeeze %dma_start3A_189 : memref<1x128x128xf32, #tpu.memory_space<hbm>> -> memref<128x128xf32, #tpu.memory_space<hbm>>
    %dma_start3A_191 = arith.constant 0 : i32
    %dma_start3A_192 = tpu.memref_slice %arg5[%select_n3A, %add3A_167, %dma_start3A_191] : memref<4x8192x128xf32, #tpu.memory_space<hbm>> -> memref<1x128x128xf32, #tpu.memory_space<hbm>>
    %dma_start3A_193 = tpu.memref_squeeze %dma_start3A_192 : memref<1x128x128xf32, #tpu.memory_space<hbm>> -> memref<128x128xf32, #tpu.memory_space<hbm>>
    %dma_start3A_194 = arith.constant 0 : i32
    %dma_start3A_195 = arith.constant 128 : i32
    %dma_start3A_196 = tpu.memref_slice %arg9[%dma_start3A_194, %dma_start3A_195] : memref<128x256xf32, #tpu.memory_space<vmem>> -> memref<128x128xf32, #tpu.memory_space<vmem>>
    tpu.enqueue_dma source(%dma_start3A_196 : memref<128x128xf32, #tpu.memory_space<vmem>>) target(%dma_start3A_193 : memref<128x128xf32, #tpu.memory_space<hbm>>) target_semaphore(%arg15 : memref<!tpu.dma_semaphore, #tpu.memory_space<semaphore_mem>>)
    %dma_wait3A_197 = arith.constant 0 : i32
    %dma_wait3A_198 = arith.constant 0 : i32
    %dma_wait3A_199 = tpu.memref_slice %arg9[%dma_wait3A_197, %dma_wait3A_198] : memref<128x256xf32, #tpu.memory_space<vmem>> -> memref<128x128xf32, #tpu.memory_space<vmem>>
    %dma_wait3A_200 = arith.constant 0 : i32
    %dma_wait3A_201 = tpu.memref_slice %arg4[%select_n3A, %add3A_167, %dma_wait3A_200] : memref<4x8192x128xf32, #tpu.memory_space<hbm>> -> memref<1x128x128xf32, #tpu.memory_space<hbm>>
    %dma_wait3A_202 = tpu.memref_squeeze %dma_wait3A_201 : memref<1x128x128xf32, #tpu.memory_space<hbm>> -> memref<128x128xf32, #tpu.memory_space<hbm>>
    %dma_wait3A_203 = arith.constant 0 : i32
    %dma_wait3A_204 = tpu.memref_slice %arg4[%select_n3A, %add3A_167, %dma_wait3A_203] : memref<4x8192x128xf32, #tpu.memory_space<hbm>> -> memref<1x128x128xf32, #tpu.memory_space<hbm>>
    %dma_wait3A_205 = tpu.memref_squeeze %dma_wait3A_204 : memref<1x128x128xf32, #tpu.memory_space<hbm>> -> memref<128x128xf32, #tpu.memory_space<hbm>>
    %dma_wait3A_206 = arith.constant 0 : i32
    %dma_wait3A_207 = arith.constant 0 : i32
    %dma_wait3A_208 = tpu.memref_slice %arg9[%dma_wait3A_206, %dma_wait3A_207] : memref<128x256xf32, #tpu.memory_space<vmem>> -> memref<128x128xf32, #tpu.memory_space<vmem>>
    tpu.wait_dma2 semaphore(%arg15 : memref<!tpu.dma_semaphore, #tpu.memory_space<semaphore_mem>>) src(%dma_wait3A_208 : memref<128x128xf32, #tpu.memory_space<vmem>>) dst(%dma_wait3A_205 : memref<128x128xf32, #tpu.memory_space<hbm>>)
    %dma_wait3A_209 = arith.constant 0 : i32
    %dma_wait3A_210 = arith.constant 128 : i32
    %dma_wait3A_211 = tpu.memref_slice %arg9[%dma_wait3A_209, %dma_wait3A_210] : memref<128x256xf32, #tpu.memory_space<vmem>> -> memref<128x128xf32, #tpu.memory_space<vmem>>
    %dma_wait3A_212 = arith.constant 0 : i32
    %dma_wait3A_213 = tpu.memref_slice %arg5[%select_n3A, %add3A_167, %dma_wait3A_212] : memref<4x8192x128xf32, #tpu.memory_space<hbm>> -> memref<1x128x128xf32, #tpu.memory_space<hbm>>
    %dma_wait3A_214 = tpu.memref_squeeze %dma_wait3A_213 : memref<1x128x128xf32, #tpu.memory_space<hbm>> -> memref<128x128xf32, #tpu.memory_space<hbm>>
    %dma_wait3A_215 = arith.constant 0 : i32
    %dma_wait3A_216 = tpu.memref_slice %arg5[%select_n3A, %add3A_167, %dma_wait3A_215] : memref<4x8192x128xf32, #tpu.memory_space<hbm>> -> memref<1x128x128xf32, #tpu.memory_space<hbm>>
    %dma_wait3A_217 = tpu.memref_squeeze %dma_wait3A_216 : memref<1x128x128xf32, #tpu.memory_space<hbm>> -> memref<128x128xf32, #tpu.memory_space<hbm>>
    %dma_wait3A_218 = arith.constant 0 : i32
    %dma_wait3A_219 = arith.constant 128 : i32
    %dma_wait3A_220 = tpu.memref_slice %arg9[%dma_wait3A_218, %dma_wait3A_219] : memref<128x256xf32, #tpu.memory_space<vmem>> -> memref<128x128xf32, #tpu.memory_space<vmem>>
    tpu.wait_dma2 semaphore(%arg15 : memref<!tpu.dma_semaphore, #tpu.memory_space<semaphore_mem>>) src(%dma_wait3A_220 : memref<128x128xf32, #tpu.memory_space<vmem>>) dst(%dma_wait3A_217 : memref<128x128xf32, #tpu.memory_space<hbm>>)
    %dma_start3A_221 = arith.constant 640 : i32
    %dma_start3A_222 = tpu.memref_slice %arg6[%dma_start3A_221] : memref<1024xi32, #tpu.memory_space<vmem>> -> memref<128xi32, #tpu.memory_space<vmem>>
    %dma_start3A_223 = arith.constant 0 : i32
    %dma_start3A_224 = arith.constant 0 : i32
    %dma_start3A_225 = tpu.memref_slice %arg2[%dma_start3A_223, %dma_start3A_224] : memref<32768x256xf32, #tpu.memory_space<hbm>> -> memref<32768x256xf32, #tpu.memory_space<hbm>>
    tpu.enqueue_indirect_dma source(%dma_start3A_225 : memref<32768x256xf32, #tpu.memory_space<hbm>>) target(%arg9 : memref<128x256xf32, #tpu.memory_space<vmem>>) offsets(%dma_start3A_222 : memref<128xi32, #tpu.memory_space<vmem>>) semaphore(%arg12 : memref<!tpu.dma_semaphore, #tpu.memory_space<semaphore_mem>>)
    %add3A_226 = arith.constant 384 : i32
    %add3A_227 = arith.addi %mul3A_32, %add3A_226 : i32
    %dma_wait3A_228 = arith.constant 384 : i32
    %dma_wait3A_229 = tpu.memref_slice %arg6[%dma_wait3A_228] : memref<1024xi32, #tpu.memory_space<vmem>> -> memref<128xi32, #tpu.memory_space<vmem>>
    %dma_wait3A_230 = arith.constant 0 : i32
    %dma_wait3A_231 = arith.constant 0 : i32
    %dma_wait3A_232 = tpu.memref_slice %arg2[%dma_wait3A_230, %dma_wait3A_231] : memref<32768x256xf32, #tpu.memory_space<hbm>> -> memref<32768x256xf32, #tpu.memory_space<hbm>>
    tpu.wait_indirect_dma semaphore(%arg10 : memref<!tpu.dma_semaphore, #tpu.memory_space<semaphore_mem>>) src(%dma_wait3A_232 : memref<32768x256xf32, #tpu.memory_space<hbm>>) dst(%arg7 : memref<128x256xf32, #tpu.memory_space<vmem>>)
    %dma_start3A_233 = arith.constant 0 : i32
    %dma_start3A_234 = arith.constant 0 : i32
    %dma_start3A_235 = tpu.memref_slice %arg7[%dma_start3A_233, %dma_start3A_234] : memref<128x256xf32, #tpu.memory_space<vmem>> -> memref<128x128xf32, #tpu.memory_space<vmem>>
    %dma_start3A_236 = arith.constant 0 : i32
    %dma_start3A_237 = tpu.memref_slice %arg4[%select_n3A, %add3A_227, %dma_start3A_236] : memref<4x8192x128xf32, #tpu.memory_space<hbm>> -> memref<1x128x128xf32, #tpu.memory_space<hbm>>
    %dma_start3A_238 = tpu.memref_squeeze %dma_start3A_237 : memref<1x128x128xf32, #tpu.memory_space<hbm>> -> memref<128x128xf32, #tpu.memory_space<hbm>>
    %dma_start3A_239 = arith.constant 0 : i32
    %dma_start3A_240 = tpu.memref_slice %arg4[%select_n3A, %add3A_227, %dma_start3A_239] : memref<4x8192x128xf32, #tpu.memory_space<hbm>> -> memref<1x128x128xf32, #tpu.memory_space<hbm>>
    %dma_start3A_241 = tpu.memref_squeeze %dma_start3A_240 : memref<1x128x128xf32, #tpu.memory_space<hbm>> -> memref<128x128xf32, #tpu.memory_space<hbm>>
    %dma_start3A_242 = arith.constant 0 : i32
    %dma_start3A_243 = arith.constant 0 : i32
    %dma_start3A_244 = tpu.memref_slice %arg7[%dma_start3A_242, %dma_start3A_243] : memref<128x256xf32, #tpu.memory_space<vmem>> -> memref<128x128xf32, #tpu.memory_space<vmem>>
    tpu.enqueue_dma source(%dma_start3A_244 : memref<128x128xf32, #tpu.memory_space<vmem>>) target(%dma_start3A_241 : memref<128x128xf32, #tpu.memory_space<hbm>>) target_semaphore(%arg13 : memref<!tpu.dma_semaphore, #tpu.memory_space<semaphore_mem>>)
    %dma_start3A_245 = arith.constant 0 : i32
    %dma_start3A_246 = arith.constant 128 : i32
    %dma_start3A_247 = tpu.memref_slice %arg7[%dma_start3A_245, %dma_start3A_246] : memref<128x256xf32, #tpu.memory_space<vmem>> -> memref<128x128xf32, #tpu.memory_space<vmem>>
    %dma_start3A_248 = arith.constant 0 : i32
    %dma_start3A_249 = tpu.memref_slice %arg5[%select_n3A, %add3A_227, %dma_start3A_248] : memref<4x8192x128xf32, #tpu.memory_space<hbm>> -> memref<1x128x128xf32, #tpu.memory_space<hbm>>
    %dma_start3A_250 = tpu.memref_squeeze %dma_start3A_249 : memref<1x128x128xf32, #tpu.memory_space<hbm>> -> memref<128x128xf32, #tpu.memory_space<hbm>>
    %dma_start3A_251 = arith.constant 0 : i32
    %dma_start3A_252 = tpu.memref_slice %arg5[%select_n3A, %add3A_227, %dma_start3A_251] : memref<4x8192x128xf32, #tpu.memory_space<hbm>> -> memref<1x128x128xf32, #tpu.memory_space<hbm>>
    %dma_start3A_253 = tpu.memref_squeeze %dma_start3A_252 : memref<1x128x128xf32, #tpu.memory_space<hbm>> -> memref<128x128xf32, #tpu.memory_space<hbm>>
    %dma_start3A_254 = arith.constant 0 : i32
    %dma_start3A_255 = arith.constant 128 : i32
    %dma_start3A_256 = tpu.memref_slice %arg7[%dma_start3A_254, %dma_start3A_255] : memref<128x256xf32, #tpu.memory_space<vmem>> -> memref<128x128xf32, #tpu.memory_space<vmem>>
    tpu.enqueue_dma source(%dma_start3A_256 : memref<128x128xf32, #tpu.memory_space<vmem>>) target(%dma_start3A_253 : memref<128x128xf32, #tpu.memory_space<hbm>>) target_semaphore(%arg13 : memref<!tpu.dma_semaphore, #tpu.memory_space<semaphore_mem>>)
    %dma_wait3A_257 = arith.constant 0 : i32
    %dma_wait3A_258 = arith.constant 0 : i32
    %dma_wait3A_259 = tpu.memref_slice %arg7[%dma_wait3A_257, %dma_wait3A_258] : memref<128x256xf32, #tpu.memory_space<vmem>> -> memref<128x128xf32, #tpu.memory_space<vmem>>
    %dma_wait3A_260 = arith.constant 0 : i32
    %dma_wait3A_261 = tpu.memref_slice %arg4[%select_n3A, %add3A_227, %dma_wait3A_260] : memref<4x8192x128xf32, #tpu.memory_space<hbm>> -> memref<1x128x128xf32, #tpu.memory_space<hbm>>
    %dma_wait3A_262 = tpu.memref_squeeze %dma_wait3A_261 : memref<1x128x128xf32, #tpu.memory_space<hbm>> -> memref<128x128xf32, #tpu.memory_space<hbm>>
    %dma_wait3A_263 = arith.constant 0 : i32
    %dma_wait3A_264 = tpu.memref_slice %arg4[%select_n3A, %add3A_227, %dma_wait3A_263] : memref<4x8192x128xf32, #tpu.memory_space<hbm>> -> memref<1x128x128xf32, #tpu.memory_space<hbm>>
    %dma_wait3A_265 = tpu.memref_squeeze %dma_wait3A_264 : memref<1x128x128xf32, #tpu.memory_space<hbm>> -> memref<128x128xf32, #tpu.memory_space<hbm>>
    %dma_wait3A_266 = arith.constant 0 : i32
    %dma_wait3A_267 = arith.constant 0 : i32
    %dma_wait3A_268 = tpu.memref_slice %arg7[%dma_wait3A_266, %dma_wait3A_267] : memref<128x256xf32, #tpu.memory_space<vmem>> -> memref<128x128xf32, #tpu.memory_space<vmem>>
    tpu.wait_dma2 semaphore(%arg13 : memref<!tpu.dma_semaphore, #tpu.memory_space<semaphore_mem>>) src(%dma_wait3A_268 : memref<128x128xf32, #tpu.memory_space<vmem>>) dst(%dma_wait3A_265 : memref<128x128xf32, #tpu.memory_space<hbm>>)
    %dma_wait3A_269 = arith.constant 0 : i32
    %dma_wait3A_270 = arith.constant 128 : i32
    %dma_wait3A_271 = tpu.memref_slice %arg7[%dma_wait3A_269, %dma_wait3A_270] : memref<128x256xf32, #tpu.memory_space<vmem>> -> memref<128x128xf32, #tpu.memory_space<vmem>>
    %dma_wait3A_272 = arith.constant 0 : i32
    %dma_wait3A_273 = tpu.memref_slice %arg5[%select_n3A, %add3A_227, %dma_wait3A_272] : memref<4x8192x128xf32, #tpu.memory_space<hbm>> -> memref<1x128x128xf32, #tpu.memory_space<hbm>>
    %dma_wait3A_274 = tpu.memref_squeeze %dma_wait3A_273 : memref<1x128x128xf32, #tpu.memory_space<hbm>> -> memref<128x128xf32, #tpu.memory_space<hbm>>
    %dma_wait3A_275 = arith.constant 0 : i32
    %dma_wait3A_276 = tpu.memref_slice %arg5[%select_n3A, %add3A_227, %dma_wait3A_275] : memref<4x8192x128xf32, #tpu.memory_space<hbm>> -> memref<1x128x128xf32, #tpu.memory_space<hbm>>
    %dma_wait3A_277 = tpu.memref_squeeze %dma_wait3A_276 : memref<1x128x128xf32, #tpu.memory_space<hbm>> -> memref<128x128xf32, #tpu.memory_space<hbm>>
    %dma_wait3A_278 = arith.constant 0 : i32
    %dma_wait3A_279 = arith.constant 128 : i32
    %dma_wait3A_280 = tpu.memref_slice %arg7[%dma_wait3A_278, %dma_wait3A_279] : memref<128x256xf32, #tpu.memory_space<vmem>> -> memref<128x128xf32, #tpu.memory_space<vmem>>
    tpu.wait_dma2 semaphore(%arg13 : memref<!tpu.dma_semaphore, #tpu.memory_space<semaphore_mem>>) src(%dma_wait3A_280 : memref<128x128xf32, #tpu.memory_space<vmem>>) dst(%dma_wait3A_277 : memref<128x128xf32, #tpu.memory_space<hbm>>)
    %dma_start3A_281 = arith.constant 768 : i32
    %dma_start3A_282 = tpu.memref_slice %arg6[%dma_start3A_281] : memref<1024xi32, #tpu.memory_space<vmem>> -> memref<128xi32, #tpu.memory_space<vmem>>
    %dma_start3A_283 = arith.constant 0 : i32
    %dma_start3A_284 = arith.constant 0 : i32
    %dma_start3A_285 = tpu.memref_slice %arg2[%dma_start3A_283, %dma_start3A_284] : memref<32768x256xf32, #tpu.memory_space<hbm>> -> memref<32768x256xf32, #tpu.memory_space<hbm>>
    tpu.enqueue_indirect_dma source(%dma_start3A_285 : memref<32768x256xf32, #tpu.memory_space<hbm>>) target(%arg7 : memref<128x256xf32, #tpu.memory_space<vmem>>) offsets(%dma_start3A_282 : memref<128xi32, #tpu.memory_space<vmem>>) semaphore(%arg10 : memref<!tpu.dma_semaphore, #tpu.memory_space<semaphore_mem>>)
    %add3A_286 = arith.constant 512 : i32
    %add3A_287 = arith.addi %mul3A_32, %add3A_286 : i32
    %dma_wait3A_288 = arith.constant 512 : i32
    %dma_wait3A_289 = tpu.memref_slice %arg6[%dma_wait3A_288] : memref<1024xi32, #tpu.memory_space<vmem>> -> memref<128xi32, #tpu.memory_space<vmem>>
    %dma_wait3A_290 = arith.constant 0 : i32
    %dma_wait3A_291 = arith.constant 0 : i32
    %dma_wait3A_292 = tpu.memref_slice %arg2[%dma_wait3A_290, %dma_wait3A_291] : memref<32768x256xf32, #tpu.memory_space<hbm>> -> memref<32768x256xf32, #tpu.memory_space<hbm>>
    tpu.wait_indirect_dma semaphore(%arg11 : memref<!tpu.dma_semaphore, #tpu.memory_space<semaphore_mem>>) src(%dma_wait3A_292 : memref<32768x256xf32, #tpu.memory_space<hbm>>) dst(%arg8 : memref<128x256xf32, #tpu.memory_space<vmem>>)
    %dma_start3A_293 = arith.constant 0 : i32
    %dma_start3A_294 = arith.constant 0 : i32
    %dma_start3A_295 = tpu.memref_slice %arg8[%dma_start3A_293, %dma_start3A_294] : memref<128x256xf32, #tpu.memory_space<vmem>> -> memref<128x128xf32, #tpu.memory_space<vmem>>
    %dma_start3A_296 = arith.constant 0 : i32
    %dma_start3A_297 = tpu.memref_slice %arg4[%select_n3A, %add3A_287, %dma_start3A_296] : memref<4x8192x128xf32, #tpu.memory_space<hbm>> -> memref<1x128x128xf32, #tpu.memory_space<hbm>>
    %dma_start3A_298 = tpu.memref_squeeze %dma_start3A_297 : memref<1x128x128xf32, #tpu.memory_space<hbm>> -> memref<128x128xf32, #tpu.memory_space<hbm>>
    %dma_start3A_299 = arith.constant 0 : i32
    %dma_start3A_300 = tpu.memref_slice %arg4[%select_n3A, %add3A_287, %dma_start3A_299] : memref<4x8192x128xf32, #tpu.memory_space<hbm>> -> memref<1x128x128xf32, #tpu.memory_space<hbm>>
    %dma_start3A_301 = tpu.memref_squeeze %dma_start3A_300 : memref<1x128x128xf32, #tpu.memory_space<hbm>> -> memref<128x128xf32, #tpu.memory_space<hbm>>
    %dma_start3A_302 = arith.constant 0 : i32
    %dma_start3A_303 = arith.constant 0 : i32
    %dma_start3A_304 = tpu.memref_slice %arg8[%dma_start3A_302, %dma_start3A_303] : memref<128x256xf32, #tpu.memory_space<vmem>> -> memref<128x128xf32, #tpu.memory_space<vmem>>
    tpu.enqueue_dma source(%dma_start3A_304 : memref<128x128xf32, #tpu.memory_space<vmem>>) target(%dma_start3A_301 : memref<128x128xf32, #tpu.memory_space<hbm>>) target_semaphore(%arg14 : memref<!tpu.dma_semaphore, #tpu.memory_space<semaphore_mem>>)
    %dma_start3A_305 = arith.constant 0 : i32
    %dma_start3A_306 = arith.constant 128 : i32
    %dma_start3A_307 = tpu.memref_slice %arg8[%dma_start3A_305, %dma_start3A_306] : memref<128x256xf32, #tpu.memory_space<vmem>> -> memref<128x128xf32, #tpu.memory_space<vmem>>
    %dma_start3A_308 = arith.constant 0 : i32
    %dma_start3A_309 = tpu.memref_slice %arg5[%select_n3A, %add3A_287, %dma_start3A_308] : memref<4x8192x128xf32, #tpu.memory_space<hbm>> -> memref<1x128x128xf32, #tpu.memory_space<hbm>>
    %dma_start3A_310 = tpu.memref_squeeze %dma_start3A_309 : memref<1x128x128xf32, #tpu.memory_space<hbm>> -> memref<128x128xf32, #tpu.memory_space<hbm>>
    %dma_start3A_311 = arith.constant 0 : i32
    %dma_start3A_312 = tpu.memref_slice %arg5[%select_n3A, %add3A_287, %dma_start3A_311] : memref<4x8192x128xf32, #tpu.memory_space<hbm>> -> memref<1x128x128xf32, #tpu.memory_space<hbm>>
    %dma_start3A_313 = tpu.memref_squeeze %dma_start3A_312 : memref<1x128x128xf32, #tpu.memory_space<hbm>> -> memref<128x128xf32, #tpu.memory_space<hbm>>
    %dma_start3A_314 = arith.constant 0 : i32
    %dma_start3A_315 = arith.constant 128 : i32
    %dma_start3A_316 = tpu.memref_slice %arg8[%dma_start3A_314, %dma_start3A_315] : memref<128x256xf32, #tpu.memory_space<vmem>> -> memref<128x128xf32, #tpu.memory_space<vmem>>
    tpu.enqueue_dma source(%dma_start3A_316 : memref<128x128xf32, #tpu.memory_space<vmem>>) target(%dma_start3A_313 : memref<128x128xf32, #tpu.memory_space<hbm>>) target_semaphore(%arg14 : memref<!tpu.dma_semaphore, #tpu.memory_space<semaphore_mem>>)
    %dma_wait3A_317 = arith.constant 0 : i32
    %dma_wait3A_318 = arith.constant 0 : i32
    %dma_wait3A_319 = tpu.memref_slice %arg8[%dma_wait3A_317, %dma_wait3A_318] : memref<128x256xf32, #tpu.memory_space<vmem>> -> memref<128x128xf32, #tpu.memory_space<vmem>>
    %dma_wait3A_320 = arith.constant 0 : i32
    %dma_wait3A_321 = tpu.memref_slice %arg4[%select_n3A, %add3A_287, %dma_wait3A_320] : memref<4x8192x128xf32, #tpu.memory_space<hbm>> -> memref<1x128x128xf32, #tpu.memory_space<hbm>>
    %dma_wait3A_322 = tpu.memref_squeeze %dma_wait3A_321 : memref<1x128x128xf32, #tpu.memory_space<hbm>> -> memref<128x128xf32, #tpu.memory_space<hbm>>
    %dma_wait3A_323 = arith.constant 0 : i32
    %dma_wait3A_324 = tpu.memref_slice %arg4[%select_n3A, %add3A_287, %dma_wait3A_323] : memref<4x8192x128xf32, #tpu.memory_space<hbm>> -> memref<1x128x128xf32, #tpu.memory_space<hbm>>
    %dma_wait3A_325 = tpu.memref_squeeze %dma_wait3A_324 : memref<1x128x128xf32, #tpu.memory_space<hbm>> -> memref<128x128xf32, #tpu.memory_space<hbm>>
    %dma_wait3A_326 = arith.constant 0 : i32
    %dma_wait3A_327 = arith.constant 0 : i32
    %dma_wait3A_328 = tpu.memref_slice %arg8[%dma_wait3A_326, %dma_wait3A_327] : memref<128x256xf32, #tpu.memory_space<vmem>> -> memref<128x128xf32, #tpu.memory_space<vmem>>
    tpu.wait_dma2 semaphore(%arg14 : memref<!tpu.dma_semaphore, #tpu.memory_space<semaphore_mem>>) src(%dma_wait3A_328 : memref<128x128xf32, #tpu.memory_space<vmem>>) dst(%dma_wait3A_325 : memref<128x128xf32, #tpu.memory_space<hbm>>)
    %dma_wait3A_329 = arith.constant 0 : i32
    %dma_wait3A_330 = arith.constant 128 : i32
    %dma_wait3A_331 = tpu.memref_slice %arg8[%dma_wait3A_329, %dma_wait3A_330] : memref<128x256xf32, #tpu.memory_space<vmem>> -> memref<128x128xf32, #tpu.memory_space<vmem>>
    %dma_wait3A_332 = arith.constant 0 : i32
    %dma_wait3A_333 = tpu.memref_slice %arg5[%select_n3A, %add3A_287, %dma_wait3A_332] : memref<4x8192x128xf32, #tpu.memory_space<hbm>> -> memref<1x128x128xf32, #tpu.memory_space<hbm>>
    %dma_wait3A_334 = tpu.memref_squeeze %dma_wait3A_333 : memref<1x128x128xf32, #tpu.memory_space<hbm>> -> memref<128x128xf32, #tpu.memory_space<hbm>>
    %dma_wait3A_335 = arith.constant 0 : i32
    %dma_wait3A_336 = tpu.memref_slice %arg5[%select_n3A, %add3A_287, %dma_wait3A_335] : memref<4x8192x128xf32, #tpu.memory_space<hbm>> -> memref<1x128x128xf32, #tpu.memory_space<hbm>>
    %dma_wait3A_337 = tpu.memref_squeeze %dma_wait3A_336 : memref<1x128x128xf32, #tpu.memory_space<hbm>> -> memref<128x128xf32, #tpu.memory_space<hbm>>
    %dma_wait3A_338 = arith.constant 0 : i32
    %dma_wait3A_339 = arith.constant 128 : i32
    %dma_wait3A_340 = tpu.memref_slice %arg8[%dma_wait3A_338, %dma_wait3A_339] : memref<128x256xf32, #tpu.memory_space<vmem>> -> memref<128x128xf32, #tpu.memory_space<vmem>>
    tpu.wait_dma2 semaphore(%arg14 : memref<!tpu.dma_semaphore, #tpu.memory_space<semaphore_mem>>) src(%dma_wait3A_340 : memref<128x128xf32, #tpu.memory_space<vmem>>) dst(%dma_wait3A_337 : memref<128x128xf32, #tpu.memory_space<hbm>>)
    %dma_start3A_341 = arith.constant 896 : i32
    %dma_start3A_342 = tpu.memref_slice %arg6[%dma_start3A_341] : memref<1024xi32, #tpu.memory_space<vmem>> -> memref<128xi32, #tpu.memory_space<vmem>>
    %dma_start3A_343 = arith.constant 0 : i32
    %dma_start3A_344 = arith.constant 0 : i32
    %dma_start3A_345 = tpu.memref_slice %arg2[%dma_start3A_343, %dma_start3A_344] : memref<32768x256xf32, #tpu.memory_space<hbm>> -> memref<32768x256xf32, #tpu.memory_space<hbm>>
    tpu.enqueue_indirect_dma source(%dma_start3A_345 : memref<32768x256xf32, #tpu.memory_space<hbm>>) target(%arg8 : memref<128x256xf32, #tpu.memory_space<vmem>>) offsets(%dma_start3A_342 : memref<128xi32, #tpu.memory_space<vmem>>) semaphore(%arg11 : memref<!tpu.dma_semaphore, #tpu.memory_space<semaphore_mem>>)
    %add3A_346 = arith.constant 640 : i32
    %add3A_347 = arith.addi %mul3A_32, %add3A_346 : i32
    %dma_wait3A_348 = arith.constant 640 : i32
    %dma_wait3A_349 = tpu.memref_slice %arg6[%dma_wait3A_348] : memref<1024xi32, #tpu.memory_space<vmem>> -> memref<128xi32, #tpu.memory_space<vmem>>
    %dma_wait3A_350 = arith.constant 0 : i32
    %dma_wait3A_351 = arith.constant 0 : i32
    %dma_wait3A_352 = tpu.memref_slice %arg2[%dma_wait3A_350, %dma_wait3A_351] : memref<32768x256xf32, #tpu.memory_space<hbm>> -> memref<32768x256xf32, #tpu.memory_space<hbm>>
    tpu.wait_indirect_dma semaphore(%arg12 : memref<!tpu.dma_semaphore, #tpu.memory_space<semaphore_mem>>) src(%dma_wait3A_352 : memref<32768x256xf32, #tpu.memory_space<hbm>>) dst(%arg9 : memref<128x256xf32, #tpu.memory_space<vmem>>)
    %dma_start3A_353 = arith.constant 0 : i32
    %dma_start3A_354 = arith.constant 0 : i32
    %dma_start3A_355 = tpu.memref_slice %arg9[%dma_start3A_353, %dma_start3A_354] : memref<128x256xf32, #tpu.memory_space<vmem>> -> memref<128x128xf32, #tpu.memory_space<vmem>>
    %dma_start3A_356 = arith.constant 0 : i32
    %dma_start3A_357 = tpu.memref_slice %arg4[%select_n3A, %add3A_347, %dma_start3A_356] : memref<4x8192x128xf32, #tpu.memory_space<hbm>> -> memref<1x128x128xf32, #tpu.memory_space<hbm>>
    %dma_start3A_358 = tpu.memref_squeeze %dma_start3A_357 : memref<1x128x128xf32, #tpu.memory_space<hbm>> -> memref<128x128xf32, #tpu.memory_space<hbm>>
    %dma_start3A_359 = arith.constant 0 : i32
    %dma_start3A_360 = tpu.memref_slice %arg4[%select_n3A, %add3A_347, %dma_start3A_359] : memref<4x8192x128xf32, #tpu.memory_space<hbm>> -> memref<1x128x128xf32, #tpu.memory_space<hbm>>
    %dma_start3A_361 = tpu.memref_squeeze %dma_start3A_360 : memref<1x128x128xf32, #tpu.memory_space<hbm>> -> memref<128x128xf32, #tpu.memory_space<hbm>>
    %dma_start3A_362 = arith.constant 0 : i32
    %dma_start3A_363 = arith.constant 0 : i32
    %dma_start3A_364 = tpu.memref_slice %arg9[%dma_start3A_362, %dma_start3A_363] : memref<128x256xf32, #tpu.memory_space<vmem>> -> memref<128x128xf32, #tpu.memory_space<vmem>>
    tpu.enqueue_dma source(%dma_start3A_364 : memref<128x128xf32, #tpu.memory_space<vmem>>) target(%dma_start3A_361 : memref<128x128xf32, #tpu.memory_space<hbm>>) target_semaphore(%arg15 : memref<!tpu.dma_semaphore, #tpu.memory_space<semaphore_mem>>)
    %dma_start3A_365 = arith.constant 0 : i32
    %dma_start3A_366 = arith.constant 128 : i32
    %dma_start3A_367 = tpu.memref_slice %arg9[%dma_start3A_365, %dma_start3A_366] : memref<128x256xf32, #tpu.memory_space<vmem>> -> memref<128x128xf32, #tpu.memory_space<vmem>>
    %dma_start3A_368 = arith.constant 0 : i32
    %dma_start3A_369 = tpu.memref_slice %arg5[%select_n3A, %add3A_347, %dma_start3A_368] : memref<4x8192x128xf32, #tpu.memory_space<hbm>> -> memref<1x128x128xf32, #tpu.memory_space<hbm>>
    %dma_start3A_370 = tpu.memref_squeeze %dma_start3A_369 : memref<1x128x128xf32, #tpu.memory_space<hbm>> -> memref<128x128xf32, #tpu.memory_space<hbm>>
    %dma_start3A_371 = arith.constant 0 : i32
    %dma_start3A_372 = tpu.memref_slice %arg5[%select_n3A, %add3A_347, %dma_start3A_371] : memref<4x8192x128xf32, #tpu.memory_space<hbm>> -> memref<1x128x128xf32, #tpu.memory_space<hbm>>
    %dma_start3A_373 = tpu.memref_squeeze %dma_start3A_372 : memref<1x128x128xf32, #tpu.memory_space<hbm>> -> memref<128x128xf32, #tpu.memory_space<hbm>>
    %dma_start3A_374 = arith.constant 0 : i32
    %dma_start3A_375 = arith.constant 128 : i32
    %dma_start3A_376 = tpu.memref_slice %arg9[%dma_start3A_374, %dma_start3A_375] : memref<128x256xf32, #tpu.memory_space<vmem>> -> memref<128x128xf32, #tpu.memory_space<vmem>>
    tpu.enqueue_dma source(%dma_start3A_376 : memref<128x128xf32, #tpu.memory_space<vmem>>) target(%dma_start3A_373 : memref<128x128xf32, #tpu.memory_space<hbm>>) target_semaphore(%arg15 : memref<!tpu.dma_semaphore, #tpu.memory_space<semaphore_mem>>)
    %add3A_377 = arith.constant 768 : i32
    %add3A_378 = arith.addi %mul3A_32, %add3A_377 : i32
    %dma_wait3A_379 = arith.constant 768 : i32
    %dma_wait3A_380 = tpu.memref_slice %arg6[%dma_wait3A_379] : memref<1024xi32, #tpu.memory_space<vmem>> -> memref<128xi32, #tpu.memory_space<vmem>>
    %dma_wait3A_381 = arith.constant 0 : i32
    %dma_wait3A_382 = arith.constant 0 : i32
    %dma_wait3A_383 = tpu.memref_slice %arg2[%dma_wait3A_381, %dma_wait3A_382] : memref<32768x256xf32, #tpu.memory_space<hbm>> -> memref<32768x256xf32, #tpu.memory_space<hbm>>
    tpu.wait_indirect_dma semaphore(%arg10 : memref<!tpu.dma_semaphore, #tpu.memory_space<semaphore_mem>>) src(%dma_wait3A_383 : memref<32768x256xf32, #tpu.memory_space<hbm>>) dst(%arg7 : memref<128x256xf32, #tpu.memory_space<vmem>>)
    %dma_start3A_384 = arith.constant 0 : i32
    %dma_start3A_385 = arith.constant 0 : i32
    %dma_start3A_386 = tpu.memref_slice %arg7[%dma_start3A_384, %dma_start3A_385] : memref<128x256xf32, #tpu.memory_space<vmem>> -> memref<128x128xf32, #tpu.memory_space<vmem>>
    %dma_start3A_387 = arith.constant 0 : i32
    %dma_start3A_388 = tpu.memref_slice %arg4[%select_n3A, %add3A_378, %dma_start3A_387] : memref<4x8192x128xf32, #tpu.memory_space<hbm>> -> memref<1x128x128xf32, #tpu.memory_space<hbm>>
    %dma_start3A_389 = tpu.memref_squeeze %dma_start3A_388 : memref<1x128x128xf32, #tpu.memory_space<hbm>> -> memref<128x128xf32, #tpu.memory_space<hbm>>
    %dma_start3A_390 = arith.constant 0 : i32
    %dma_start3A_391 = tpu.memref_slice %arg4[%select_n3A, %add3A_378, %dma_start3A_390] : memref<4x8192x128xf32, #tpu.memory_space<hbm>> -> memref<1x128x128xf32, #tpu.memory_space<hbm>>
    %dma_start3A_392 = tpu.memref_squeeze %dma_start3A_391 : memref<1x128x128xf32, #tpu.memory_space<hbm>> -> memref<128x128xf32, #tpu.memory_space<hbm>>
    %dma_start3A_393 = arith.constant 0 : i32
    %dma_start3A_394 = arith.constant 0 : i32
    %dma_start3A_395 = tpu.memref_slice %arg7[%dma_start3A_393, %dma_start3A_394] : memref<128x256xf32, #tpu.memory_space<vmem>> -> memref<128x128xf32, #tpu.memory_space<vmem>>
    tpu.enqueue_dma source(%dma_start3A_395 : memref<128x128xf32, #tpu.memory_space<vmem>>) target(%dma_start3A_392 : memref<128x128xf32, #tpu.memory_space<hbm>>) target_semaphore(%arg13 : memref<!tpu.dma_semaphore, #tpu.memory_space<semaphore_mem>>)
    %dma_start3A_396 = arith.constant 0 : i32
    %dma_start3A_397 = arith.constant 128 : i32
    %dma_start3A_398 = tpu.memref_slice %arg7[%dma_start3A_396, %dma_start3A_397] : memref<128x256xf32, #tpu.memory_space<vmem>> -> memref<128x128xf32, #tpu.memory_space<vmem>>
    %dma_start3A_399 = arith.constant 0 : i32
    %dma_start3A_400 = tpu.memref_slice %arg5[%select_n3A, %add3A_378, %dma_start3A_399] : memref<4x8192x128xf32, #tpu.memory_space<hbm>> -> memref<1x128x128xf32, #tpu.memory_space<hbm>>
    %dma_start3A_401 = tpu.memref_squeeze %dma_start3A_400 : memref<1x128x128xf32, #tpu.memory_space<hbm>> -> memref<128x128xf32, #tpu.memory_space<hbm>>
    %dma_start3A_402 = arith.constant 0 : i32
    %dma_start3A_403 = tpu.memref_slice %arg5[%select_n3A, %add3A_378, %dma_start3A_402] : memref<4x8192x128xf32, #tpu.memory_space<hbm>> -> memref<1x128x128xf32, #tpu.memory_space<hbm>>
    %dma_start3A_404 = tpu.memref_squeeze %dma_start3A_403 : memref<1x128x128xf32, #tpu.memory_space<hbm>> -> memref<128x128xf32, #tpu.memory_space<hbm>>
    %dma_start3A_405 = arith.constant 0 : i32
    %dma_start3A_406 = arith.constant 128 : i32
    %dma_start3A_407 = tpu.memref_slice %arg7[%dma_start3A_405, %dma_start3A_406] : memref<128x256xf32, #tpu.memory_space<vmem>> -> memref<128x128xf32, #tpu.memory_space<vmem>>
    tpu.enqueue_dma source(%dma_start3A_407 : memref<128x128xf32, #tpu.memory_space<vmem>>) target(%dma_start3A_404 : memref<128x128xf32, #tpu.memory_space<hbm>>) target_semaphore(%arg13 : memref<!tpu.dma_semaphore, #tpu.memory_space<semaphore_mem>>)
    %add3A_408 = arith.constant 896 : i32
    %add3A_409 = arith.addi %mul3A_32, %add3A_408 : i32
    %dma_wait3A_410 = arith.constant 896 : i32
    %dma_wait3A_411 = tpu.memref_slice %arg6[%dma_wait3A_410] : memref<1024xi32, #tpu.memory_space<vmem>> -> memref<128xi32, #tpu.memory_space<vmem>>
    %dma_wait3A_412 = arith.constant 0 : i32
    %dma_wait3A_413 = arith.constant 0 : i32
    %dma_wait3A_414 = tpu.memref_slice %arg2[%dma_wait3A_412, %dma_wait3A_413] : memref<32768x256xf32, #tpu.memory_space<hbm>> -> memref<32768x256xf32, #tpu.memory_space<hbm>>
    tpu.wait_indirect_dma semaphore(%arg11 : memref<!tpu.dma_semaphore, #tpu.memory_space<semaphore_mem>>) src(%dma_wait3A_414 : memref<32768x256xf32, #tpu.memory_space<hbm>>) dst(%arg8 : memref<128x256xf32, #tpu.memory_space<vmem>>)
    %dma_start3A_415 = arith.constant 0 : i32
    %dma_start3A_416 = arith.constant 0 : i32
    %dma_start3A_417 = tpu.memref_slice %arg8[%dma_start3A_415, %dma_start3A_416] : memref<128x256xf32, #tpu.memory_space<vmem>> -> memref<128x128xf32, #tpu.memory_space<vmem>>
    %dma_start3A_418 = arith.constant 0 : i32
    %dma_start3A_419 = tpu.memref_slice %arg4[%select_n3A, %add3A_409, %dma_start3A_418] : memref<4x8192x128xf32, #tpu.memory_space<hbm>> -> memref<1x128x128xf32, #tpu.memory_space<hbm>>
    %dma_start3A_420 = tpu.memref_squeeze %dma_start3A_419 : memref<1x128x128xf32, #tpu.memory_space<hbm>> -> memref<128x128xf32, #tpu.memory_space<hbm>>
    %dma_start3A_421 = arith.constant 0 : i32
    %dma_start3A_422 = tpu.memref_slice %arg4[%select_n3A, %add3A_409, %dma_start3A_421] : memref<4x8192x128xf32, #tpu.memory_space<hbm>> -> memref<1x128x128xf32, #tpu.memory_space<hbm>>
    %dma_start3A_423 = tpu.memref_squeeze %dma_start3A_422 : memref<1x128x128xf32, #tpu.memory_space<hbm>> -> memref<128x128xf32, #tpu.memory_space<hbm>>
    %dma_start3A_424 = arith.constant 0 : i32
    %dma_start3A_425 = arith.constant 0 : i32
    %dma_start3A_426 = tpu.memref_slice %arg8[%dma_start3A_424, %dma_start3A_425] : memref<128x256xf32, #tpu.memory_space<vmem>> -> memref<128x128xf32, #tpu.memory_space<vmem>>
    tpu.enqueue_dma source(%dma_start3A_426 : memref<128x128xf32, #tpu.memory_space<vmem>>) target(%dma_start3A_423 : memref<128x128xf32, #tpu.memory_space<hbm>>) target_semaphore(%arg14 : memref<!tpu.dma_semaphore, #tpu.memory_space<semaphore_mem>>)
    %dma_start3A_427 = arith.constant 0 : i32
    %dma_start3A_428 = arith.constant 128 : i32
    %dma_start3A_429 = tpu.memref_slice %arg8[%dma_start3A_427, %dma_start3A_428] : memref<128x256xf32, #tpu.memory_space<vmem>> -> memref<128x128xf32, #tpu.memory_space<vmem>>
    %dma_start3A_430 = arith.constant 0 : i32
    %dma_start3A_431 = tpu.memref_slice %arg5[%select_n3A, %add3A_409, %dma_start3A_430] : memref<4x8192x128xf32, #tpu.memory_space<hbm>> -> memref<1x128x128xf32, #tpu.memory_space<hbm>>
    %dma_start3A_432 = tpu.memref_squeeze %dma_start3A_431 : memref<1x128x128xf32, #tpu.memory_space<hbm>> -> memref<128x128xf32, #tpu.memory_space<hbm>>
    %dma_start3A_433 = arith.constant 0 : i32
    %dma_start3A_434 = tpu.memref_slice %arg5[%select_n3A, %add3A_409, %dma_start3A_433] : memref<4x8192x128xf32, #tpu.memory_space<hbm>> -> memref<1x128x128xf32, #tpu.memory_space<hbm>>
    %dma_start3A_435 = tpu.memref_squeeze %dma_start3A_434 : memref<1x128x128xf32, #tpu.memory_space<hbm>> -> memref<128x128xf32, #tpu.memory_space<hbm>>
    %dma_start3A_436 = arith.constant 0 : i32
    %dma_start3A_437 = arith.constant 128 : i32
    %dma_start3A_438 = tpu.memref_slice %arg8[%dma_start3A_436, %dma_start3A_437] : memref<128x256xf32, #tpu.memory_space<vmem>> -> memref<128x128xf32, #tpu.memory_space<vmem>>
    tpu.enqueue_dma source(%dma_start3A_438 : memref<128x128xf32, #tpu.memory_space<vmem>>) target(%dma_start3A_435 : memref<128x128xf32, #tpu.memory_space<hbm>>) target_semaphore(%arg14 : memref<!tpu.dma_semaphore, #tpu.memory_space<semaphore_mem>>)
    %dma_wait3A_439 = arith.constant 0 : i32
    %dma_wait3A_440 = arith.constant 0 : i32
    %dma_wait3A_441 = tpu.memref_slice %arg7[%dma_wait3A_439, %dma_wait3A_440] : memref<128x256xf32, #tpu.memory_space<vmem>> -> memref<128x128xf32, #tpu.memory_space<vmem>>
    %dma_wait3A_442 = arith.constant 0 : i32
    %dma_wait3A_443 = tpu.memref_slice %arg4[%select_n3A, %add3A_378, %dma_wait3A_442] : memref<4x8192x128xf32, #tpu.memory_space<hbm>> -> memref<1x128x128xf32, #tpu.memory_space<hbm>>
    %dma_wait3A_444 = tpu.memref_squeeze %dma_wait3A_443 : memref<1x128x128xf32, #tpu.memory_space<hbm>> -> memref<128x128xf32, #tpu.memory_space<hbm>>
    %dma_wait3A_445 = arith.constant 0 : i32
    %dma_wait3A_446 = tpu.memref_slice %arg4[%select_n3A, %add3A_378, %dma_wait3A_445] : memref<4x8192x128xf32, #tpu.memory_space<hbm>> -> memref<1x128x128xf32, #tpu.memory_space<hbm>>
    %dma_wait3A_447 = tpu.memref_squeeze %dma_wait3A_446 : memref<1x128x128xf32, #tpu.memory_space<hbm>> -> memref<128x128xf32, #tpu.memory_space<hbm>>
    %dma_wait3A_448 = arith.constant 0 : i32
    %dma_wait3A_449 = arith.constant 0 : i32
    %dma_wait3A_450 = tpu.memref_slice %arg7[%dma_wait3A_448, %dma_wait3A_449] : memref<128x256xf32, #tpu.memory_space<vmem>> -> memref<128x128xf32, #tpu.memory_space<vmem>>
    tpu.wait_dma2 semaphore(%arg13 : memref<!tpu.dma_semaphore, #tpu.memory_space<semaphore_mem>>) src(%dma_wait3A_450 : memref<128x128xf32, #tpu.memory_space<vmem>>) dst(%dma_wait3A_447 : memref<128x128xf32, #tpu.memory_space<hbm>>)
    %dma_wait3A_451 = arith.constant 0 : i32
    %dma_wait3A_452 = arith.constant 128 : i32
    %dma_wait3A_453 = tpu.memref_slice %arg7[%dma_wait3A_451, %dma_wait3A_452] : memref<128x256xf32, #tpu.memory_space<vmem>> -> memref<128x128xf32, #tpu.memory_space<vmem>>
    %dma_wait3A_454 = arith.constant 0 : i32
    %dma_wait3A_455 = tpu.memref_slice %arg5[%select_n3A, %add3A_378, %dma_wait3A_454] : memref<4x8192x128xf32, #tpu.memory_space<hbm>> -> memref<1x128x128xf32, #tpu.memory_space<hbm>>
    %dma_wait3A_456 = tpu.memref_squeeze %dma_wait3A_455 : memref<1x128x128xf32, #tpu.memory_space<hbm>> -> memref<128x128xf32, #tpu.memory_space<hbm>>
    %dma_wait3A_457 = arith.constant 0 : i32
    %dma_wait3A_458 = tpu.memref_slice %arg5[%select_n3A, %add3A_378, %dma_wait3A_457] : memref<4x8192x128xf32, #tpu.memory_space<hbm>> -> memref<1x128x128xf32, #tpu.memory_space<hbm>>
    %dma_wait3A_459 = tpu.memref_squeeze %dma_wait3A_458 : memref<1x128x128xf32, #tpu.memory_space<hbm>> -> memref<128x128xf32, #tpu.memory_space<hbm>>
    %dma_wait3A_460 = arith.constant 0 : i32
    %dma_wait3A_461 = arith.constant 128 : i32
    %dma_wait3A_462 = tpu.memref_slice %arg7[%dma_wait3A_460, %dma_wait3A_461] : memref<128x256xf32, #tpu.memory_space<vmem>> -> memref<128x128xf32, #tpu.memory_space<vmem>>
    tpu.wait_dma2 semaphore(%arg13 : memref<!tpu.dma_semaphore, #tpu.memory_space<semaphore_mem>>) src(%dma_wait3A_462 : memref<128x128xf32, #tpu.memory_space<vmem>>) dst(%dma_wait3A_459 : memref<128x128xf32, #tpu.memory_space<hbm>>)
    %dma_wait3A_463 = arith.constant 0 : i32
    %dma_wait3A_464 = arith.constant 0 : i32
    %dma_wait3A_465 = tpu.memref_slice %arg8[%dma_wait3A_463, %dma_wait3A_464] : memref<128x256xf32, #tpu.memory_space<vmem>> -> memref<128x128xf32, #tpu.memory_space<vmem>>
    %dma_wait3A_466 = arith.constant 0 : i32
    %dma_wait3A_467 = tpu.memref_slice %arg4[%select_n3A, %add3A_409, %dma_wait3A_466] : memref<4x8192x128xf32, #tpu.memory_space<hbm>> -> memref<1x128x128xf32, #tpu.memory_space<hbm>>
    %dma_wait3A_468 = tpu.memref_squeeze %dma_wait3A_467 : memref<1x128x128xf32, #tpu.memory_space<hbm>> -> memref<128x128xf32, #tpu.memory_space<hbm>>
    %dma_wait3A_469 = arith.constant 0 : i32
    %dma_wait3A_470 = tpu.memref_slice %arg4[%select_n3A, %add3A_409, %dma_wait3A_469] : memref<4x8192x128xf32, #tpu.memory_space<hbm>> -> memref<1x128x128xf32, #tpu.memory_space<hbm>>
    %dma_wait3A_471 = tpu.memref_squeeze %dma_wait3A_470 : memref<1x128x128xf32, #tpu.memory_space<hbm>> -> memref<128x128xf32, #tpu.memory_space<hbm>>
    %dma_wait3A_472 = arith.constant 0 : i32
    %dma_wait3A_473 = arith.constant 0 : i32
    %dma_wait3A_474 = tpu.memref_slice %arg8[%dma_wait3A_472, %dma_wait3A_473] : memref<128x256xf32, #tpu.memory_space<vmem>> -> memref<128x128xf32, #tpu.memory_space<vmem>>
    tpu.wait_dma2 semaphore(%arg14 : memref<!tpu.dma_semaphore, #tpu.memory_space<semaphore_mem>>) src(%dma_wait3A_474 : memref<128x128xf32, #tpu.memory_space<vmem>>) dst(%dma_wait3A_471 : memref<128x128xf32, #tpu.memory_space<hbm>>)
    %dma_wait3A_475 = arith.constant 0 : i32
    %dma_wait3A_476 = arith.constant 128 : i32
    %dma_wait3A_477 = tpu.memref_slice %arg8[%dma_wait3A_475, %dma_wait3A_476] : memref<128x256xf32, #tpu.memory_space<vmem>> -> memref<128x128xf32, #tpu.memory_space<vmem>>
    %dma_wait3A_478 = arith.constant 0 : i32
    %dma_wait3A_479 = tpu.memref_slice %arg5[%select_n3A, %add3A_409, %dma_wait3A_478] : memref<4x8192x128xf32, #tpu.memory_space<hbm>> -> memref<1x128x128xf32, #tpu.memory_space<hbm>>
    %dma_wait3A_480 = tpu.memref_squeeze %dma_wait3A_479 : memref<1x128x128xf32, #tpu.memory_space<hbm>> -> memref<128x128xf32, #tpu.memory_space<hbm>>
    %dma_wait3A_481 = arith.constant 0 : i32
    %dma_wait3A_482 = tpu.memref_slice %arg5[%select_n3A, %add3A_409, %dma_wait3A_481] : memref<4x8192x128xf32, #tpu.memory_space<hbm>> -> memref<1x128x128xf32, #tpu.memory_space<hbm>>
    %dma_wait3A_483 = tpu.memref_squeeze %dma_wait3A_482 : memref<1x128x128xf32, #tpu.memory_space<hbm>> -> memref<128x128xf32, #tpu.memory_space<hbm>>
    %dma_wait3A_484 = arith.constant 0 : i32
    %dma_wait3A_485 = arith.constant 128 : i32
    %dma_wait3A_486 = tpu.memref_slice %arg8[%dma_wait3A_484, %dma_wait3A_485] : memref<128x256xf32, #tpu.memory_space<vmem>> -> memref<128x128xf32, #tpu.memory_space<vmem>>
    tpu.wait_dma2 semaphore(%arg14 : memref<!tpu.dma_semaphore, #tpu.memory_space<semaphore_mem>>) src(%dma_wait3A_486 : memref<128x128xf32, #tpu.memory_space<vmem>>) dst(%dma_wait3A_483 : memref<128x128xf32, #tpu.memory_space<hbm>>)
    %dma_wait3A_487 = arith.constant 0 : i32
    %dma_wait3A_488 = arith.constant 0 : i32
    %dma_wait3A_489 = tpu.memref_slice %arg9[%dma_wait3A_487, %dma_wait3A_488] : memref<128x256xf32, #tpu.memory_space<vmem>> -> memref<128x128xf32, #tpu.memory_space<vmem>>
    %dma_wait3A_490 = arith.constant 0 : i32
    %dma_wait3A_491 = tpu.memref_slice %arg4[%select_n3A, %add3A_347, %dma_wait3A_490] : memref<4x8192x128xf32, #tpu.memory_space<hbm>> -> memref<1x128x128xf32, #tpu.memory_space<hbm>>
    %dma_wait3A_492 = tpu.memref_squeeze %dma_wait3A_491 : memref<1x128x128xf32, #tpu.memory_space<hbm>> -> memref<128x128xf32, #tpu.memory_space<hbm>>
    %dma_wait3A_493 = arith.constant 0 : i32
    %dma_wait3A_494 = tpu.memref_slice %arg4[%select_n3A, %add3A_347, %dma_wait3A_493] : memref<4x8192x128xf32, #tpu.memory_space<hbm>> -> memref<1x128x128xf32, #tpu.memory_space<hbm>>
    %dma_wait3A_495 = tpu.memref_squeeze %dma_wait3A_494 : memref<1x128x128xf32, #tpu.memory_space<hbm>> -> memref<128x128xf32, #tpu.memory_space<hbm>>
    %dma_wait3A_496 = arith.constant 0 : i32
    %dma_wait3A_497 = arith.constant 0 : i32
    %dma_wait3A_498 = tpu.memref_slice %arg9[%dma_wait3A_496, %dma_wait3A_497] : memref<128x256xf32, #tpu.memory_space<vmem>> -> memref<128x128xf32, #tpu.memory_space<vmem>>
    tpu.wait_dma2 semaphore(%arg15 : memref<!tpu.dma_semaphore, #tpu.memory_space<semaphore_mem>>) src(%dma_wait3A_498 : memref<128x128xf32, #tpu.memory_space<vmem>>) dst(%dma_wait3A_495 : memref<128x128xf32, #tpu.memory_space<hbm>>)
    %dma_wait3A_499 = arith.constant 0 : i32
    %dma_wait3A_500 = arith.constant 128 : i32
    %dma_wait3A_501 = tpu.memref_slice %arg9[%dma_wait3A_499, %dma_wait3A_500] : memref<128x256xf32, #tpu.memory_space<vmem>> -> memref<128x128xf32, #tpu.memory_space<vmem>>
    %dma_wait3A_502 = arith.constant 0 : i32
    %dma_wait3A_503 = tpu.memref_slice %arg5[%select_n3A, %add3A_347, %dma_wait3A_502] : memref<4x8192x128xf32, #tpu.memory_space<hbm>> -> memref<1x128x128xf32, #tpu.memory_space<hbm>>
    %dma_wait3A_504 = tpu.memref_squeeze %dma_wait3A_503 : memref<1x128x128xf32, #tpu.memory_space<hbm>> -> memref<128x128xf32, #tpu.memory_space<hbm>>
    %dma_wait3A_505 = arith.constant 0 : i32
    %dma_wait3A_506 = tpu.memref_slice %arg5[%select_n3A, %add3A_347, %dma_wait3A_505] : memref<4x8192x128xf32, #tpu.memory_space<hbm>> -> memref<1x128x128xf32, #tpu.memory_space<hbm>>
    %dma_wait3A_507 = tpu.memref_squeeze %dma_wait3A_506 : memref<1x128x128xf32, #tpu.memory_space<hbm>> -> memref<128x128xf32, #tpu.memory_space<hbm>>
    %dma_wait3A_508 = arith.constant 0 : i32
    %dma_wait3A_509 = arith.constant 128 : i32
    %dma_wait3A_510 = tpu.memref_slice %arg9[%dma_wait3A_508, %dma_wait3A_509] : memref<128x256xf32, #tpu.memory_space<vmem>> -> memref<128x128xf32, #tpu.memory_space<vmem>>
    tpu.wait_dma2 semaphore(%arg15 : memref<!tpu.dma_semaphore, #tpu.memory_space<semaphore_mem>>) src(%dma_wait3A_510 : memref<128x128xf32, #tpu.memory_space<vmem>>) dst(%dma_wait3A_507 : memref<128x128xf32, #tpu.memory_space<hbm>>)
    return
  }
}

</mosaic_0001>

<sc_bundles>
// kernel: kernel.3.cloned.1.call-start
scs
__scs_entry_jumppad:
0x0: {  	(pc) =	sbr.rel $0x88, $3  }
0x1: {  	(tag) =	ssettag $0x0;
	lr =	simm.s32 $0x1  }
0x2: {  	[smem:$0x3F9F] =	sst lr;
	_ =	strace $0xD0000000  }
0x3: {  	_ = 	snop  }
0x4: {  	_ = 	snop  }
0x5: {  	_ = 	snop  }
0x6: {  	_ = 	snop  }
0x7: {  	_ = 	snop  }
__scs_overlays_trampoline_lowered:
0x8: {  	[smem:$0x3FAE] =	sst s0  }
0x9: {  	[smem:$0x3FAF] =	sst s1  }
0xa: {  	[smem:$0x3FB0] =	sst s2  }
0xb: {  	[smem:$0x3FB1] =	sst s3  }
0xc: {  	[smem:$0x3FB2] =	sst s4  }
0xd: {  	[smem:$0x3FB3] =	sst s5  }
0xe: {  	[smem:$0x3FB4] =	sst s6  }
0xf: {  	[smem:$0x3FB5] =	sst s7  }
0x10: {  	[smem:$0x3FB6] =	sst s8  }
0x11: {  	[smem:$0x3FB7] =	sst s9;
	s0 =	simm.s32 @!p0 $0x0  }
0x12: {  	s1 =	sld [smem:$0x3F9D];
	s0 =	simm.s32 @p0 $0x1  }
0x13: {  	[smem:$0x3FB8] =	sst s0;
	s0 =	simm.s32 @!p1 $0x0  }
0x14: {  	s2 =	sld [smem:$0x3F9C];
	s0 =	simm.s32 @p1 $0x1  }
0x15: {  	[smem:$0x3FB9] =	sst s0;
	s0 =	simm.s32 @!p2 $0x0  }
0x16: {  	s3 =	sld [smem:$0x3FDB];
	s0 =	simm.s32 @p2 $0x1  }
0x17: {  	s4 =	simm.s32 $0x1BF5;
	[smem:$0x3FBB] =	sst s0  }
0x18: {  	s0 =	sld [smem:$0x3F9E];
	_ =	swait.ge [sflag:s4], $0x0  }
0x19: {  	s7 =	sld [smem:$0x3F9F]  }
0x1a: {  	s8 =	sadd.s32 $0xFFFFE003, lr  }
0x1b: {  	s9 =	sadd.s32 $0xFFFFFEF7, lr;
	s5 =	simm.s32 $0xFFFFFFFF;
	p2 =	slt.u32 s8, $0xFFFFF086  }
0x1c: {  	p1 =	slt.u32 s9, $0xF7A;
	s5 =	simm.s32 @!p2 $0x0  }
0x1d: {  	s5 =	simm.s32 @p1 $0x1;
	p0 =	seq.s32 s7, s2  }
0x1e: {  	s7 =	smul.u32 @!p0 $0xF7A, s2;
	p2 =	seq.s32 @!p0 s5, $0x0  }
0x1f: {  	s9 =	smul.u32 $0xF7A, s1;
	s8 =	simm.s32 @!p0 $0x1BF5;
	p2 =	por !p2, p0  }
0x20: {  	[sflag:s8] =	ssyncset.s32 @!p0 $0xFFFFF086;
	s6 =	sadd.s32 @!p0 s3, s7;
	s7 =	simm.s32 @!p0 $0x108  }
0x21: {  	s3 =	sadd.s32 s3, s9;
	s6 =	sadd.s32 @!p0 $0x88, s6;
	s7 =	simm.s32 @p2 $0x1082  }
0x22: {  	[simem:s7], [sflag:s8] =	dma.local @!p0 [hbm:s6], $0xF7A  }
0x23: {  	s9 =	sor.u32 $0xD0000000, s2;
	s6 =	simm.s32 $0x108;
	_ =	swait.ge @!p0 [sflag:s8], $0x0  }
0x24: {  	s3 =	sadd.s32 $0x88, s3;
	s6 =	simm.s32 @!p1 $0x1082;
	[sflag:s4] =	ssyncset.s32 $0xFFFFF086  }
0x25: {  	[simem:s6], [sflag:s4] =	dma.local [hbm:s3], $0xF7A  }
0x26: {  	[smem:$0x3F9F] =	sst s1;
	(tag) =	ssettag s2;
	_ =	strace s9  }
0x27: {  	s1 =	sld [smem:$0x3FAF]  }
0x28: {  	s2 =	sld [smem:$0x3FB0]  }
0x29: {  	s4 =	sld [smem:$0x3FB2]  }
0x2a: {  	p0 =	seq.s32 s5, $0x0;
	s5 =	sld [smem:$0x3FB3]  }
0x2b: {  	s6 =	sld [smem:$0x3FB4]  }
0x2c: {  	s7 =	sld [smem:$0x3FB5]  }
0x2d: {  	s3 =	simm.s32 $0x108;
	s8 =	sld [smem:$0x3FB6]  }
0x2e: {  	s3 =	simm.s32 @!p0 $0x1082;
	s9 =	sld [smem:$0x3FB7]  }
0x2f: {  	lr =	sadd.s32 s0, s3;
	s0 =	sld [smem:$0x3FAE]  }
0x30: {  	s3 =	sld [smem:$0x3FB1]  }
0x31: {  	[smem:$0x3FBA] =	sst s10  }
0x32: {  	s10 =	sld [smem:$0x3FB8];
	_ =	sdelay $0x3  }
0x33: {  	p0 =	seq.s32 s10, $0x1;
	s10 =	sld [smem:$0x3FBA];
	_ =	sdelay $0x3  }
0x34: {  	[smem:$0x3FBA] =	sst s10  }
0x35: {  	s10 =	sld [smem:$0x3FB9];
	_ =	sdelay $0x3  }
0x36: {  	p1 =	seq.s32 s10, $0x1;
	s10 =	sld [smem:$0x3FBA];
	_ =	sdelay $0x3  }
0x37: {  	[smem:$0x3FBA] =	sst s10  }
0x38: {  	s10 =	sld [smem:$0x3FBB]  }
0x39: {  	_ = 	snop;
	(pc) =	sbr.ind lr, $3  }
0x3a: {  	_ = 	snop  }
0x3b: {  	_ = 	snop  }
0x3c: {  	p2 =	seq.s32 s10, $0x1;
	s10 =	sld [smem:$0x3FBA]  }
0x3d: {  	_ =	shalt  }
0x3e: {  	_ =	shalt  }
0x3f: {  	_ =	shalt  }
0x40: {  	_ =	shalt  }
0x41: {  	_ =	shalt  }
0x42: {  	_ =	shalt  }
0x43: {  	_ =	shalt  }
0x44: {  	_ =	shalt  }
0x45: {  	_ =	shalt  }
0x46: {  	_ =	shalt  }
0x47: {  	_ =	shalt  }
0x48: {  	_ =	shalt  }
0x49: {  	_ =	shalt  }
0x4a: {  	_ =	shalt  }
0x4b: {  	_ =	shalt  }
0x4c: {  	_ =	shalt  }
0x4d: {  	_ =	shalt  }
0x4e: {  	_ =	shalt  }
0x4f: {  	_ =	shalt  }
0x50: {  	_ =	shalt  }
0x51: {  	_ =	shalt  }
0x52: {  	_ =	shalt  }
0x53: {  	_ =	shalt  }
0x54: {  	_ =	shalt  }
0x55: {  	_ =	shalt  }
0x56: {  	_ =	shalt  }
0x57: {  	_ =	shalt  }
0x58: {  	_ =	shalt  }
0x59: {  	_ =	shalt  }
0x5a: {  	_ =	shalt  }
0x5b: {  	_ =	shalt  }
0x5c: {  	_ =	shalt  }
0x5d: {  	_ =	shalt  }
0x5e: {  	_ =	shalt  }
0x5f: {  	_ =	shalt  }
0x60: {  	_ =	shalt  }
0x61: {  	_ =	shalt  }
0x62: {  	_ =	shalt  }
0x63: {  	_ =	shalt  }
0x64: {  	_ =	shalt  }
0x65: {  	_ =	shalt  }
0x66: {  	_ =	shalt  }
0x67: {  	_ =	shalt  }
0x68: {  	_ =	shalt  }
0x69: {  	_ =	shalt  }
0x6a: {  	_ =	shalt  }
0x6b: {  	_ =	shalt  }
0x6c: {  	_ =	shalt  }
0x6d: {  	_ =	shalt  }
0x6e: {  	_ =	shalt  }
0x6f: {  	_ =	shalt  }
0x70: {  	_ =	shalt  }
0x71: {  	_ =	shalt  }
0x72: {  	_ =	shalt  }
0x73: {  	_ =	shalt  }
0x74: {  	_ =	shalt  }
0x75: {  	_ =	shalt  }
0x76: {  	_ =	shalt  }
0x77: {  	_ =	shalt  }
0x78: {  	_ =	shalt  }
0x79: {  	_ =	shalt  }
0x7a: {  	_ =	shalt  }
0x7b: {  	_ =	shalt  }
0x7c: {  	_ =	shalt  }
0x7d: {  	_ =	shalt  }
0x7e: {  	_ =	shalt  }
0x7f: {  	_ =	shalt  }
0x80: {  	_ =	shalt  }
0x81: {  	_ =	shalt  }
0x82: {  	_ =	shalt  }
0x83: {  	_ =	shalt  }
0x84: {  	_ =	shalt  }
0x85: {  	_ =	shalt  }
0x86: {  	_ =	shalt  }
0x87: {  	_ =	shalt  }
.Lfunc_end0:
.L_simem_size_0:
called_computation_lowered:
.L_overlay_start_0:
0x88: {  	s2 =	sld [smem:$0x3FD9]  }
0x89: {  	s3 =	sld [smem:$0x3FFE];
	_ =	sdelay $0x1  }
0x8a: {  	s1 =	srdreg.scid  }
0x8b: {  	s0 =	sand.u32 $0x1, s1  }
0x8c: {  	s15 =	sshll.u32 s0, $0xA;
	s2 =	sadd.s32 s3, s2  }
0x8d: {  	s2 =	sadd.s32 s2, s15  }
0x8e: {  	[smem:$0x3FC6] =	sst s2  }
0x8f: {  	_ = 	snop  }
0x90: {  	s2 =	sld [smem:$0x3FD0];
	_ =	sdelay $0x1  }
0x91: {  	s16 =	sld [smem:$0x3FC9]  }
0x92: {  	s5 =	simm.s32 $0xA;
	s6 =	simm.s32 $0x10;
	s4 =	sld [smem:$0x3FC8]  }
0x93: {  	[smem:s6], [sflag:s5] =	dma.local [hbm:s2], $0x1  }
0x94: {  	_ =	swait.eq [sflag:s5], $0x1  }
0x95: {  	[sflag:s5] =	ssyncset.done $0x0  }
0x96: {  	s17 =	sld [smem:$0x10];
	[sflag:s5] =	ssyncadd.s32 $0xFFFFFFFF  }
0x97: {  	s18 =	sld [smem:$0x11];
	(tm) =	ssettm $0x1  }
0x98: {  	s19 =	sld [smem:$0x3FFB];
	_ =	sdelay $0x3  }
0x99: {  	_ =	strace s19  }
0x9a: {  	s6 =	sld [smem:$0x3FFC];
	_ =	sdelay $0x3  }
0x9b: {  	_ =	strace s6  }
0x9c: {  	s6 =	sld [smem:$0x3FFD];
	_ =	sdelay $0x3  }
0x9d: {  	_ =	strace s6  }
0x9e: {  	_ =	strace $0x8FFFFFFF  }
0x9f: {  	s20 =	sld [smem:$0x3FDB];
	_ =	sdelay $0x1  }
0xa0: {  	s7 =	simm.s32 $_scs_section_size  }
0xa1: {  	s8 =	simm.s32 $_size__tile_overlayer_lowered;
	s9 =	simm.s32 $_tile_overlayer_lowered  }
0xa2: {  	s23 =	simm.s32 $0x1BFF;
	s22 =	sshll.u32 s9, $0x1;
	s6 =	sadd.s32 s7, s20  }
0xa3: {  	s10 =	simm.s32 $0x0;
	s21 =	sshll.u32 s8, $0x1;
	s8 =	sadd.s32 s22, s6  }
0xa4: {  	[timem:s10], [sflag:s23] =	dma.local [hbm:s8], s21  }
0xa5: {  	_ =	swait.ge [sflag:s23], s21  }
0xa6: {  	s7 =	ssub.s32 $0x0, s21;
	[sflag:s23] =	ssyncset.done $0x0  }
0xa7: {  	[sflag:s23] =	ssyncadd.s32 s7;
	_ =	sdelay $0x1  }
0xa8: {  	s24 =	simm.s32 $0x1B8B  }
0xa9: {  	_ =	swait.ge [sflag:s24], $0x1  }
0xaa: {  	[sflag:s24] =	ssyncset.done $0x0  }
0xab: {  	s25 =	simm.s32 $0x1B8E;
	[sflag:s24] =	ssyncadd.s32 $0xFFFFFFFF  }
0xac: {  	s26 =	simm.s32 $execute0_lowered;
	[smem:$0x3FD2] =	sst s25  }
0xad: {  	s7 =	sshll.u32 s26, $0x1;
	_ =	strace $0x80000046;
	[dreg:$0x1] =	wrdreg $0xFFFFFFFF  }
0xae: {  	s28 =	simm.s32 $_size_execute0_lowered;
	s6 =	sadd.s32 s6, s7;
	[dreg:$0x0] =	wrdreg $0x0  }
0xaf: {  	s7 =	sshll.u32 s28, $0x1;
	[dreg:$0x2] =	wrdreg s6  }
0xb0: {  	[dreg:$0x3] =	wrdreg s7  }
0xb1: {  	[dreg:$0x4] =	wrdreg $0xC0  }
0xb2: {  	_ =	task [dreg:s10], $0x5FFFF  }
0xb3: {  	[dreg:$0x1] =	wrdreg $0xFFFFFFFF  }
0xb4: {  	[dreg:$0x0] =	wrdreg $0x60  }
0xb5: {  	[dreg:$0x2] =	wrdreg s4  }
0xb6: {  	[dreg:$0x3] =	wrdreg s16  }
0xb7: {  	[dreg:$0x4] =	wrdreg s17  }
0xb8: {  	[dreg:$0x5] =	wrdreg s18  }
0xb9: {  	[dreg:$0x6] =	wrdreg $0x9  }
0xba: {  	_ =	task.clear_ibuf [dreg:s10], $0x7FFFF;
	_ =	strace $0x90000046  }
0xbb: {  	s29 =	simm.s32 $0x9;
	_ =	strace $0x80000048  }
0xbc: {  	_ =	swait.ge [sflag:s29], $0x1  }
0xbd: {  	[sflag:s29] =	ssyncadd.s32 $0xFFFFFFFF  }
0xbe: {  	_ =	strace $0x90000048  }
0xbf: {  	_ =	sfence  }
0xc0: {  	s30 =	sld [smem:$0x0];
	_ =	sdelay $0x2  }
0xc1: {  	s31 =	sshll.u32 s1, $0xD;
	s1 =	sshrl.u32 s1, $0x2  }
0xc2: {  	s3 =	sand.u32 $0x4000, s31;
	s1 =	sadd.s32 s1, s30  }
0xc3: {  	s0 =	sor.u32 s3, s0;
	s1 =	sshll.u32 s1, $0x11  }
0xc4: {  	s0 =	sor.u32 s1, s0  }
0xc5: {  	s0 =	sadd.s32 $0x8F2B, s0  }
0xc6: {  	[sflag:s0] =	ssyncadd.remote.s32 $0x1  }
0xc7: {  	_ =	sfence.sel $0xFFFF  }
0xc8: {  	[dreg:$0x0] =	wrdreg $0xFFFFFFFF;
	(pc) =	sbr.abs _section_cstart, $3  }
0xc9: {  	[dreg:$0x1] =	wrdreg $0xFFFFFFFF  }
0xca: {  	_ =	task.clear_ibuf [dreg:s10], $0x2FFFF;
	_ =	strace $0x9FFFFFFF  }
0xcb: {  	(tm) =	ssettm $0x7FFFFFFF  }
tec
execute0_lowered:
.L_overlay_start_1:
0x0: {  	(tag) =	ssettag $0x1  }
0x1: {  	s1 =	rddreg [dreg:$0x0]  }
0x2: {  	s0 =	rddreg [dreg:$0x1]  }
0x3: {  	s2 =	rddreg [dreg:$0x2]  }
0x4: {  	s19 =	rddreg [dreg:$0x3];
	s3 =	simm.s32 $0x0;
	s7 =	stileid.u32  }
0x5: {  	s4 =	srdreg.scid;
	s30 =	simm.s32 $0x80;
	s31 =	simm.s32 $0x200  }
0x6: {  	[smem:$0x7FF] =	sst s3;
	s5 =	sshll.u32 s7, $0x1;
	s4 =	sand.u32 $0x1, s4  }
0x7: {  	s13 =	sshrl.u32 s7, $0x2;
	_ =	strace $0x80000047;
	s5 =	sand.u32 $0x6, s5  }
0x8: {  	s6 =	ssub.s32 $0x2, s4;
	s9 =	sshll.u32 s13, $0x4;
	[dreg:$0x6] =	wrdreg s30  }
0x9: {  	[dreg:$0x7] =	wrdreg s31;
	s4 =	sor.u32 s4, s5;
	s0 =	sadd.s32 s0, s9  }
0xa: {  	s5 =	sshll.u32 s13, $0x11;
	s8 =	sshll.u32 s4, $0xE;
	s4 =	sshll.u32 s4, $0x9  }
0xb: {  	s14 =	sshrl.u32 s6, $0x1;
	s0 =	sadd.s32 s4, s0;
	s17 =	sor.u32 s5, s8  }
0xc: {  	s20 =	ssub.s32 s6, s14;
	[dreg:$0x5] =	wrdreg s0;
	s15 =	sadd.s32 s2, s17  }
0xd: {  	s16 =	sor.u32 $0x800, s17;
	s18 =	sadd.s32 s19, s17;
	s22 =	sor.u32 $0x1000, s17  }
0xe: {  	s24 =	sor.u32 $0x1800, s17;
	s13 =	sor.u32 $0x2000, s17;
	[dreg:$0x9] =	wrdreg s15  }
0xf: {  	s28 =	sor.u32 $0x2800, s17;
	s29 =	sor.u32 $0x3800, s17;
	[dreg:$0xa] =	wrdreg s18  }
0x10: {  	s21 =	sadd.s32 s2, s16;
	s0 =	sadd.s32 s19, s16;
	s23 =	sadd.s32 s2, s22  }
0x11: {  	s25 =	sadd.s32 s19, s22;
	s26 =	sadd.s32 s2, s24;
	[dreg:$0xb] =	wrdreg s21  }
0x12: {  	s11 =	sadd.s32 s19, s24;
	s12 =	sadd.s32 s2, s13;
	[dreg:$0xc] =	wrdreg s0  }
0x13: {  	s13 =	sadd.s32 s19, s13;
	s14 =	sadd.s32 s2, s28;
	[dreg:$0xd] =	wrdreg s23  }
0x14: {  	v2 =	vlaneseq.u32;
	s18 =	sor.u32 $0x3000, s17;
	s15 =	sadd.s32 s19, s28;
	[dreg:$0xe] =	wrdreg s25  }
0x15: {  	vm0 =	vmmov $0xffff;
	v1 =	vshrl.u32 v2, $0x3;
	[dreg:$0xf] =	wrdreg s26;
	s16 =	sadd.s32 s2, s18;
	s17 =	sadd.s32 s19, s18  }
0x16: {  	v0 =	vand.u32 $0x7, v2;
	v2 =	vor.u32 $0x8, v2;
	v1 =	vmul.u32 $0x8, v1;
	s18 =	sadd.s32 s2, s29;
	s19 =	sadd.s32 s19, s29;
	s2 =	smax.u32 s20, $0x1  }
.LBB2_1:
0x17: {  	[dreg:$0x8] =	wrdreg s2  }
0x18: {  	s24 =	rddreg [dreg:$0x5]  }
0x19: {  	s25 =	rddreg [dreg:$0x6]  }
0x1a: {  	s26 =	rddreg [dreg:$0x7];
	s30 =	simm.s32 $0x7  }
0x1b: {  	[tilespmem:s3], [sflag:$0x7] =	stream.strided.gather [hbm4b:s24+s25], $0x400, s26, s25, $0x38;
	[tilespmem:$0x18400] =	vst v63  }
0x1c: {  	_ =	swait.ge [sflag:s30], $0x400  }
0x1d: {  	[sflag:s30] =	ssyncset.done $0x0  }
0x1e: {  	[sflag:s30] =	ssyncadd.s32 $0xFFFFFC00  }
0x1f: {  	v3 =	vld [tilespmem:$0x0];
	_ =	sdelay $0x4  }
0x20: {  	v4 =	vshll.u32 v3, $0x1  }
0x21: {  	v3 =	vand.u32 $0x7, v3;
	v4 =	vand.u32 $0xFFFFFFF0, v4  }
0x22: {  	v3 =	vor.u32 v3, v4  }
0x23: {  	v4 =	vperm.xlane v3, v0;
	_ =	sdelay $0x1  }
0x24: {  	v3 =	vperm.xlane v3, v2;
	v4 =	vadd.s32 v1, v4;
	_ =	sdelay $0x1  }
0x25: {  	v3 =	vadd.s32 v1, v3;
	_ =	sdelay $0x1  }
0x26: {  	s22 =	simm.s32 $0x400  }
0x27: {  	[tilespmem:s22], [sflag:$0x1] =	stream.indirect_vreg.gather [hbm4b:s1+s3], $0x80, v4, vm0, $0xb8;
	[tilespmem:$0x18400] =	vst v63  }
0x28: {  	s31 =	simm.s32 $0xC00  }
0x29: {  	[tilespmem:s31], [sflag:$0x1] =	stream.indirect_vreg.gather [hbm4b:s1+s3], $0x80, v3, vm0, $0xb8;
	[tilespmem:$0x18400] =	vst v63  }
0x2a: {  	v3 =	vld [tilespmem:$0x10];
	_ =	sdelay $0x4  }
0x2b: {  	v57 =	vshll.u32 v3, $0x1  }
0x2c: {  	v3 =	vand.u32 $0x7, v3;
	v4 =	vand.u32 $0xFFFFFFF0, v57  }
0x2d: {  	v3 =	vor.u32 v3, v4  }
0x2e: {  	v4 =	vperm.xlane v3, v0;
	_ =	sdelay $0x1  }
0x2f: {  	v3 =	vperm.xlane v3, v2;
	v4 =	vadd.s32 v1, v4;
	_ =	sdelay $0x1  }
0x30: {  	v3 =	vadd.s32 v1, v3;
	_ =	sdelay $0x1  }
0x31: {  	s0 =	simm.s32 $0x1400  }
0x32: {  	[tilespmem:s0], [sflag:$0x1] =	stream.indirect_vreg.gather [hbm4b:s1+s3], $0x80, v4, vm0, $0xb8;
	[tilespmem:$0x18400] =	vst v63  }
0x33: {  	s2 =	simm.s32 $0x1C00  }
0x34: {  	[tilespmem:s2], [sflag:$0x1] =	stream.indirect_vreg.gather [hbm4b:s1+s3], $0x80, v3, vm0, $0xb8;
	[tilespmem:$0x18400] =	vst v63  }
0x35: {  	v3 =	vld [tilespmem:$0x20];
	_ =	sdelay $0x4  }
0x36: {  	v58 =	vshll.u32 v3, $0x1  }
0x37: {  	v3 =	vand.u32 $0x7, v3;
	v4 =	vand.u32 $0xFFFFFFF0, v58  }
0x38: {  	v3 =	vor.u32 v3, v4  }
0x39: {  	v4 =	vperm.xlane v3, v0;
	_ =	sdelay $0x1  }
0x3a: {  	v3 =	vperm.xlane v3, v2;
	v4 =	vadd.s32 v1, v4;
	_ =	sdelay $0x1  }
0x3b: {  	v3 =	vadd.s32 v1, v3;
	_ =	sdelay $0x1  }
0x3c: {  	s4 =	simm.s32 $0x2400  }
0x3d: {  	[tilespmem:s4], [sflag:$0x1] =	stream.indirect_vreg.gather [hbm4b:s1+s3], $0x80, v4, vm0, $0xb8;
	[tilespmem:$0x18400] =	vst v63  }
0x3e: {  	s5 =	simm.s32 $0x2C00  }
0x3f: {  	[tilespmem:s5], [sflag:$0x1] =	stream.indirect_vreg.gather [hbm4b:s1+s3], $0x80, v3, vm0, $0xb8;
	[tilespmem:$0x18400] =	vst v63  }
0x40: {  	v3 =	vld [tilespmem:$0x30];
	_ =	sdelay $0x4  }
0x41: {  	v59 =	vshll.u32 v3, $0x1  }
0x42: {  	v3 =	vand.u32 $0x7, v3;
	v4 =	vand.u32 $0xFFFFFFF0, v59  }
0x43: {  	v3 =	vor.u32 v3, v4  }
0x44: {  	v4 =	vperm.xlane v3, v0;
	_ =	sdelay $0x1  }
0x45: {  	v3 =	vperm.xlane v3, v2;
	v4 =	vadd.s32 v1, v4;
	_ =	sdelay $0x1  }
0x46: {  	v3 =	vadd.s32 v1, v3;
	_ =	sdelay $0x1  }
0x47: {  	s6 =	simm.s32 $0x3400  }
0x48: {  	[tilespmem:s6], [sflag:$0x1] =	stream.indirect_vreg.gather [hbm4b:s1+s3], $0x80, v4, vm0, $0xb8;
	[tilespmem:$0x18400] =	vst v63  }
0x49: {  	s7 =	simm.s32 $0x3C00  }
0x4a: {  	[tilespmem:s7], [sflag:$0x1] =	stream.indirect_vreg.gather [hbm4b:s1+s3], $0x80, v3, vm0, $0xb8;
	[tilespmem:$0x18400] =	vst v63  }
0x4b: {  	v3 =	vld [tilespmem:$0x40];
	_ =	sdelay $0x4  }
0x4c: {  	v60 =	vshll.u32 v3, $0x1  }
0x4d: {  	v3 =	vand.u32 $0x7, v3;
	v4 =	vand.u32 $0xFFFFFFF0, v60  }
0x4e: {  	v3 =	vor.u32 v3, v4  }
0x4f: {  	v4 =	vperm.xlane v3, v0;
	_ =	sdelay $0x1  }
0x50: {  	v3 =	vperm.xlane v3, v2;
	v4 =	vadd.s32 v1, v4;
	_ =	sdelay $0x1  }
0x51: {  	v3 =	vadd.s32 v1, v3;
	_ =	sdelay $0x1  }
0x52: {  	s8 =	simm.s32 $0x4400  }
0x53: {  	[tilespmem:s8], [sflag:$0x1] =	stream.indirect_vreg.gather [hbm4b:s1+s3], $0x80, v4, vm0, $0xb8;
	[tilespmem:$0x18400] =	vst v63  }
0x54: {  	s9 =	simm.s32 $0x4C00  }
0x55: {  	[tilespmem:s9], [sflag:$0x1] =	stream.indirect_vreg.gather [hbm4b:s1+s3], $0x80, v3, vm0, $0xb8;
	[tilespmem:$0x18400] =	vst v63  }
0x56: {  	v3 =	vld [tilespmem:$0x50];
	_ =	sdelay $0x4  }
0x57: {  	v61 =	vshll.u32 v3, $0x1  }
0x58: {  	v3 =	vand.u32 $0x7, v3;
	v4 =	vand.u32 $0xFFFFFFF0, v61  }
0x59: {  	v3 =	vor.u32 v3, v4  }
0x5a: {  	v4 =	vperm.xlane v3, v0;
	_ =	sdelay $0x1  }
0x5b: {  	v3 =	vperm.xlane v3, v2;
	v4 =	vadd.s32 v1, v4;
	_ =	sdelay $0x1  }
0x5c: {  	v3 =	vadd.s32 v1, v3;
	_ =	sdelay $0x1  }
0x5d: {  	s0 =	simm.s32 $0x5400  }
0x5e: {  	[tilespmem:s0], [sflag:$0x1] =	stream.indirect_vreg.gather [hbm4b:s1+s3], $0x80, v4, vm0, $0xb8;
	[tilespmem:$0x18400] =	vst v63  }
0x5f: {  	s10 =	simm.s32 $0x5C00  }
0x60: {  	[tilespmem:s10], [sflag:$0x1] =	stream.indirect_vreg.gather [hbm4b:s1+s3], $0x80, v3, vm0, $0xb8;
	[tilespmem:$0x18400] =	vst v63  }
0x61: {  	v3 =	vld [tilespmem:$0x60];
	_ =	sdelay $0x4  }
0x62: {  	v62 =	vshll.u32 v3, $0x1  }
0x63: {  	v3 =	vand.u32 $0x7, v3;
	v4 =	vand.u32 $0xFFFFFFF0, v62  }
0x64: {  	v3 =	vor.u32 v3, v4  }
0x65: {  	v4 =	vperm.xlane v3, v0;
	_ =	sdelay $0x1  }
0x66: {  	v3 =	vperm.xlane v3, v2;
	v4 =	vadd.s32 v1, v4;
	_ =	sdelay $0x1  }
0x67: {  	v3 =	vadd.s32 v1, v3;
	_ =	sdelay $0x1  }
0x68: {  	s20 =	simm.s32 $0x6400  }
0x69: {  	[tilespmem:s20], [sflag:$0x1] =	stream.indirect_vreg.gather [hbm4b:s1+s3], $0x80, v4, vm0, $0xb8;
	[tilespmem:$0x18400] =	vst v63  }
0x6a: {  	s23 =	simm.s32 $0x6C00  }
0x6b: {  	[tilespmem:s23], [sflag:$0x1] =	stream.indirect_vreg.gather [hbm4b:s1+s3], $0x80, v3, vm0, $0xb8;
	[tilespmem:$0x18400] =	vst v63  }
0x6c: {  	v3 =	vld [tilespmem:$0x70];
	_ =	sdelay $0x4  }
0x6d: {  	v63 =	vshll.u32 v3, $0x1  }
0x6e: {  	v3 =	vand.u32 $0x7, v3;
	v4 =	vand.u32 $0xFFFFFFF0, v63  }
0x6f: {  	v3 =	vor.u32 v3, v4  }
0x70: {  	v4 =	vperm.xlane v3, v0;
	_ =	sdelay $0x1  }
0x71: {  	v3 =	vperm.xlane v3, v2;
	v4 =	vadd.s32 v1, v4;
	_ =	sdelay $0x1  }
0x72: {  	v3 =	vadd.s32 v1, v3;
	_ =	sdelay $0x1  }
0x73: {  	s24 =	simm.s32 $0x7400  }
0x74: {  	[tilespmem:s24], [sflag:$0x1] =	stream.indirect_vreg.gather [hbm4b:s1+s3], $0x80, v4, vm0, $0xb8;
	[tilespmem:$0x18400] =	vst v63  }
0x75: {  	s28 =	simm.s32 $0x7C00  }
0x76: {  	[tilespmem:s28], [sflag:$0x1] =	stream.indirect_vreg.gather [hbm4b:s1+s3], $0x80, v3, vm0, $0xb8;
	[tilespmem:$0x18400] =	vst v63  }
0x77: {  	v3 =	vld [tilespmem:$0x80];
	_ =	sdelay $0x4  }
0x78: {  	v8 =	vshll.u32 v3, $0x1  }
0x79: {  	v3 =	vand.u32 $0x7, v3;
	v4 =	vand.u32 $0xFFFFFFF0, v8  }
0x7a: {  	v3 =	vor.u32 v3, v4  }
0x7b: {  	v4 =	vperm.xlane v3, v0;
	_ =	sdelay $0x1  }
0x7c: {  	v3 =	vperm.xlane v3, v2;
	v4 =	vadd.s32 v1, v4;
	_ =	sdelay $0x1  }
0x7d: {  	v3 =	vadd.s32 v1, v3;
	_ =	sdelay $0x1  }
0x7e: {  	s30 =	simm.s32 $0x8400  }
0x7f: {  	[tilespmem:s30], [sflag:$0x2] =	stream.indirect_vreg.gather [hbm4b:s1+s3], $0x80, v4, vm0, $0xb8;
	[tilespmem:$0x18400] =	vst v63  }
0x80: {  	s0 =	simm.s32 $0x8C00  }
0x81: {  	[tilespmem:s0], [sflag:$0x2] =	stream.indirect_vreg.gather [hbm4b:s1+s3], $0x80, v3, vm0, $0xb8;
	[tilespmem:$0x18400] =	vst v63  }
0x82: {  	v3 =	vld [tilespmem:$0x90];
	_ =	sdelay $0x4  }
0x83: {  	v9 =	vshll.u32 v3, $0x1  }
0x84: {  	v3 =	vand.u32 $0x7, v3;
	v4 =	vand.u32 $0xFFFFFFF0, v9  }
0x85: {  	v3 =	vor.u32 v3, v4  }
0x86: {  	v4 =	vperm.xlane v3, v0;
	_ =	sdelay $0x1  }
0x87: {  	v3 =	vperm.xlane v3, v2;
	v4 =	vadd.s32 v1, v4;
	_ =	sdelay $0x1  }
0x88: {  	v3 =	vadd.s32 v1, v3;
	_ =	sdelay $0x1  }
0x89: {  	s2 =	simm.s32 $0x9400  }
0x8a: {  	[tilespmem:s2], [sflag:$0x2] =	stream.indirect_vreg.gather [hbm4b:s1+s3], $0x80, v4, vm0, $0xb8;
	[tilespmem:$0x18400] =	vst v63  }
0x8b: {  	s4 =	simm.s32 $0x9C00  }
0x8c: {  	[tilespmem:s4], [sflag:$0x2] =	stream.indirect_vreg.gather [hbm4b:s1+s3], $0x80, v3, vm0, $0xb8;
	[tilespmem:$0x18400] =	vst v63  }
0x8d: {  	v3 =	vld [tilespmem:$0xA0];
	_ =	sdelay $0x4  }
0x8e: {  	v10 =	vshll.u32 v3, $0x1  }
0x8f: {  	v3 =	vand.u32 $0x7, v3;
	v4 =	vand.u32 $0xFFFFFFF0, v10  }
0x90: {  	v3 =	vor.u32 v3, v4  }
0x91: {  	v4 =	vperm.xlane v3, v0;
	_ =	sdelay $0x1  }
0x92: {  	v3 =	vperm.xlane v3, v2;
	v4 =	vadd.s32 v1, v4;
	_ =	sdelay $0x1  }
0x93: {  	v3 =	vadd.s32 v1, v3;
	_ =	sdelay $0x1  }
0x94: {  	s5 =	simm.s32 $0xA400  }
0x95: {  	[tilespmem:s5], [sflag:$0x2] =	stream.indirect_vreg.gather [hbm4b:s1+s3], $0x80, v4, vm0, $0xb8;
	[tilespmem:$0x18400] =	vst v63  }
0x96: {  	s6 =	simm.s32 $0xAC00  }
0x97: {  	[tilespmem:s6], [sflag:$0x2] =	stream.indirect_vreg.gather [hbm4b:s1+s3], $0x80, v3, vm0, $0xb8;
	[tilespmem:$0x18400] =	vst v63  }
0x98: {  	v3 =	vld [tilespmem:$0xB0];
	_ =	sdelay $0x4  }
0x99: {  	v11 =	vshll.u32 v3, $0x1  }
0x9a: {  	v3 =	vand.u32 $0x7, v3;
	v4 =	vand.u32 $0xFFFFFFF0, v11  }
0x9b: {  	v3 =	vor.u32 v3, v4  }
0x9c: {  	v4 =	vperm.xlane v3, v0;
	_ =	sdelay $0x1  }
0x9d: {  	v3 =	vperm.xlane v3, v2;
	v4 =	vadd.s32 v1, v4;
	_ =	sdelay $0x1  }
0x9e: {  	v3 =	vadd.s32 v1, v3;
	_ =	sdelay $0x1  }
0x9f: {  	s7 =	simm.s32 $0xB400  }
0xa0: {  	[tilespmem:s7], [sflag:$0x2] =	stream.indirect_vreg.gather [hbm4b:s1+s3], $0x80, v4, vm0, $0xb8;
	[tilespmem:$0x18400] =	vst v63  }
0xa1: {  	s10 =	simm.s32 $0xBC00  }
0xa2: {  	[tilespmem:s10], [sflag:$0x2] =	stream.indirect_vreg.gather [hbm4b:s1+s3], $0x80, v3, vm0, $0xb8;
	[tilespmem:$0x18400] =	vst v63  }
0xa3: {  	v3 =	vld [tilespmem:$0xC0];
	_ =	sdelay $0x4  }
0xa4: {  	v12 =	vshll.u32 v3, $0x1  }
0xa5: {  	v3 =	vand.u32 $0x7, v3;
	v4 =	vand.u32 $0xFFFFFFF0, v12  }
0xa6: {  	v3 =	vor.u32 v3, v4  }
0xa7: {  	v4 =	vperm.xlane v3, v0;
	_ =	sdelay $0x1  }
0xa8: {  	v3 =	vperm.xlane v3, v2;
	v4 =	vadd.s32 v1, v4;
	_ =	sdelay $0x1  }
0xa9: {  	v3 =	vadd.s32 v1, v3;
	_ =	sdelay $0x1  }
0xaa: {  	s20 =	simm.s32 $0xC400  }
0xab: {  	[tilespmem:s20], [sflag:$0x2] =	stream.indirect_vreg.gather [hbm4b:s1+s3], $0x80, v4, vm0, $0xb8;
	[tilespmem:$0x18400] =	vst v63  }
0xac: {  	s23 =	simm.s32 $0xCC00  }
0xad: {  	[tilespmem:s23], [sflag:$0x2] =	stream.indirect_vreg.gather [hbm4b:s1+s3], $0x80, v3, vm0, $0xb8;
	[tilespmem:$0x18400] =	vst v63  }
0xae: {  	v3 =	vld [tilespmem:$0xD0];
	_ =	sdelay $0x4  }
0xaf: {  	v13 =	vshll.u32 v3, $0x1  }
0xb0: {  	v3 =	vand.u32 $0x7, v3;
	v4 =	vand.u32 $0xFFFFFFF0, v13  }
0xb1: {  	v3 =	vor.u32 v3, v4  }
0xb2: {  	v4 =	vperm.xlane v3, v0;
	_ =	sdelay $0x1  }
0xb3: {  	v3 =	vperm.xlane v3, v2;
	v4 =	vadd.s32 v1, v4;
	_ =	sdelay $0x1  }
0xb4: {  	v3 =	vadd.s32 v1, v3;
	_ =	sdelay $0x1  }
0xb5: {  	s24 =	simm.s32 $0xD400  }
0xb6: {  	[tilespmem:s24], [sflag:$0x2] =	stream.indirect_vreg.gather [hbm4b:s1+s3], $0x80, v4, vm0, $0xb8;
	[tilespmem:$0x18400] =	vst v63  }
0xb7: {  	s28 =	simm.s32 $0xDC00  }
0xb8: {  	[tilespmem:s28], [sflag:$0x2] =	stream.indirect_vreg.gather [hbm4b:s1+s3], $0x80, v3, vm0, $0xb8;
	[tilespmem:$0x18400] =	vst v63  }
0xb9: {  	v3 =	vld [tilespmem:$0xE0];
	_ =	sdelay $0x4  }
0xba: {  	v14 =	vshll.u32 v3, $0x1  }
0xbb: {  	v3 =	vand.u32 $0x7, v3;
	v4 =	vand.u32 $0xFFFFFFF0, v14  }
0xbc: {  	v3 =	vor.u32 v3, v4  }
0xbd: {  	v4 =	vperm.xlane v3, v0;
	_ =	sdelay $0x1  }
0xbe: {  	v3 =	vperm.xlane v3, v2;
	v4 =	vadd.s32 v1, v4;
	_ =	sdelay $0x1  }
0xbf: {  	v3 =	vadd.s32 v1, v3;
	_ =	sdelay $0x1  }
0xc0: {  	s30 =	simm.s32 $0xE400  }
0xc1: {  	[tilespmem:s30], [sflag:$0x2] =	stream.indirect_vreg.gather [hbm4b:s1+s3], $0x80, v4, vm0, $0xb8;
	[tilespmem:$0x18400] =	vst v63  }
0xc2: {  	s2 =	simm.s32 $0xEC00  }
0xc3: {  	[tilespmem:s2], [sflag:$0x2] =	stream.indirect_vreg.gather [hbm4b:s1+s3], $0x80, v3, vm0, $0xb8;
	[tilespmem:$0x18400] =	vst v63  }
0xc4: {  	v3 =	vld [tilespmem:$0xF0];
	_ =	sdelay $0x4  }
0xc5: {  	v15 =	vshll.u32 v3, $0x1  }
0xc6: {  	v3 =	vand.u32 $0x7, v3;
	v4 =	vand.u32 $0xFFFFFFF0, v15  }
0xc7: {  	v3 =	vor.u32 v3, v4  }
0xc8: {  	v4 =	vperm.xlane v3, v0;
	_ =	sdelay $0x1  }
0xc9: {  	v3 =	vperm.xlane v3, v2;
	v4 =	vadd.s32 v1, v4;
	_ =	sdelay $0x1  }
0xca: {  	v3 =	vadd.s32 v1, v3;
	_ =	sdelay $0x1  }
0xcb: {  	s4 =	simm.s32 $0xF400  }
0xcc: {  	[tilespmem:s4], [sflag:$0x2] =	stream.indirect_vreg.gather [hbm4b:s1+s3], $0x80, v4, vm0, $0xb8;
	[tilespmem:$0x18400] =	vst v63  }
0xcd: {  	s5 =	simm.s32 $0xFC00  }
0xce: {  	[tilespmem:s5], [sflag:$0x2] =	stream.indirect_vreg.gather [hbm4b:s1+s3], $0x80, v3, vm0, $0xb8;
	[tilespmem:$0x18400] =	vst v63  }
0xcf: {  	v3 =	vld [tilespmem:$0x100];
	_ =	sdelay $0x4  }
0xd0: {  	v16 =	vshll.u32 v3, $0x1  }
0xd1: {  	v3 =	vand.u32 $0x7, v3;
	v4 =	vand.u32 $0xFFFFFFF0, v16  }
0xd2: {  	v3 =	vor.u32 v3, v4  }
0xd3: {  	v4 =	vperm.xlane v3, v0;
	_ =	sdelay $0x1  }
0xd4: {  	v3 =	vperm.xlane v3, v2;
	v4 =	vadd.s32 v1, v4;
	_ =	sdelay $0x1  }
0xd5: {  	v3 =	vadd.s32 v1, v3;
	_ =	sdelay $0x1  }
0xd6: {  	s6 =	simm.s32 $0x10400  }
0xd7: {  	[tilespmem:s6], [sflag:$0x3] =	stream.indirect_vreg.gather [hbm4b:s1+s3], $0x80, v4, vm0, $0xb8;
	[tilespmem:$0x18400] =	vst v63  }
0xd8: {  	s7 =	simm.s32 $0x10C00  }
0xd9: {  	[tilespmem:s7], [sflag:$0x3] =	stream.indirect_vreg.gather [hbm4b:s1+s3], $0x80, v3, vm0, $0xb8;
	[tilespmem:$0x18400] =	vst v63  }
0xda: {  	v3 =	vld [tilespmem:$0x110];
	_ =	sdelay $0x4  }
0xdb: {  	v17 =	vshll.u32 v3, $0x1  }
0xdc: {  	v3 =	vand.u32 $0x7, v3;
	v4 =	vand.u32 $0xFFFFFFF0, v17  }
0xdd: {  	v3 =	vor.u32 v3, v4  }
0xde: {  	v4 =	vperm.xlane v3, v0;
	_ =	sdelay $0x1  }
0xdf: {  	v3 =	vperm.xlane v3, v2;
	v4 =	vadd.s32 v1, v4;
	_ =	sdelay $0x1  }
0xe0: {  	v3 =	vadd.s32 v1, v3;
	_ =	sdelay $0x1  }
0xe1: {  	s20 =	simm.s32 $0x11400  }
0xe2: {  	[tilespmem:s20], [sflag:$0x3] =	stream.indirect_vreg.gather [hbm4b:s1+s3], $0x80, v4, vm0, $0xb8;
	[tilespmem:$0x18400] =	vst v63  }
0xe3: {  	s23 =	simm.s32 $0x11C00  }
0xe4: {  	[tilespmem:s23], [sflag:$0x3] =	stream.indirect_vreg.gather [hbm4b:s1+s3], $0x80, v3, vm0, $0xb8;
	[tilespmem:$0x18400] =	vst v63  }
0xe5: {  	v3 =	vld [tilespmem:$0x120];
	_ =	sdelay $0x4  }
0xe6: {  	v18 =	vshll.u32 v3, $0x1  }
0xe7: {  	v3 =	vand.u32 $0x7, v3;
	v4 =	vand.u32 $0xFFFFFFF0, v18  }
0xe8: {  	v3 =	vor.u32 v3, v4  }
0xe9: {  	v4 =	vperm.xlane v3, v0;
	_ =	sdelay $0x1  }
0xea: {  	v3 =	vperm.xlane v3, v2;
	v4 =	vadd.s32 v1, v4;
	_ =	sdelay $0x1  }
0xeb: {  	v3 =	vadd.s32 v1, v3;
	_ =	sdelay $0x1  }
0xec: {  	s24 =	simm.s32 $0x12400  }
0xed: {  	[tilespmem:s24], [sflag:$0x3] =	stream.indirect_vreg.gather [hbm4b:s1+s3], $0x80, v4, vm0, $0xb8;
	[tilespmem:$0x18400] =	vst v63  }
0xee: {  	s28 =	simm.s32 $0x12C00  }
0xef: {  	[tilespmem:s28], [sflag:$0x3] =	stream.indirect_vreg.gather [hbm4b:s1+s3], $0x80, v3, vm0, $0xb8;
	[tilespmem:$0x18400] =	vst v63  }
0xf0: {  	v3 =	vld [tilespmem:$0x130];
	_ =	sdelay $0x4  }
0xf1: {  	v19 =	vshll.u32 v3, $0x1  }
0xf2: {  	v3 =	vand.u32 $0x7, v3;
	v4 =	vand.u32 $0xFFFFFFF0, v19  }
0xf3: {  	v3 =	vor.u32 v3, v4  }
0xf4: {  	v4 =	vperm.xlane v3, v0;
	_ =	sdelay $0x1  }
0xf5: {  	v3 =	vperm.xlane v3, v2;
	v4 =	vadd.s32 v1, v4;
	_ =	sdelay $0x1  }
0xf6: {  	v3 =	vadd.s32 v1, v3;
	_ =	sdelay $0x1  }
0xf7: {  	s30 =	simm.s32 $0x13400  }
0xf8: {  	[tilespmem:s30], [sflag:$0x3] =	stream.indirect_vreg.gather [hbm4b:s1+s3], $0x80, v4, vm0, $0xb8;
	[tilespmem:$0x18400] =	vst v63  }
0xf9: {  	s2 =	simm.s32 $0x13C00  }
0xfa: {  	[tilespmem:s2], [sflag:$0x3] =	stream.indirect_vreg.gather [hbm4b:s1+s3], $0x80, v3, vm0, $0xb8;
	[tilespmem:$0x18400] =	vst v63  }
0xfb: {  	v3 =	vld [tilespmem:$0x140];
	_ =	sdelay $0x4  }
0xfc: {  	v20 =	vshll.u32 v3, $0x1  }
0xfd: {  	v3 =	vand.u32 $0x7, v3;
	v4 =	vand.u32 $0xFFFFFFF0, v20  }
0xfe: {  	v3 =	vor.u32 v3, v4  }
0xff: {  	v4 =	vperm.xlane v3, v0;
	_ =	sdelay $0x1  }
0x100: {  	v3 =	vperm.xlane v3, v2;
	v4 =	vadd.s32 v1, v4;
	_ =	sdelay $0x1  }
0x101: {  	v3 =	vadd.s32 v1, v3;
	_ =	sdelay $0x1  }
0x102: {  	s4 =	simm.s32 $0x14400  }
0x103: {  	[tilespmem:s4], [sflag:$0x3] =	stream.indirect_vreg.gather [hbm4b:s1+s3], $0x80, v4, vm0, $0xb8;
	[tilespmem:$0x18400] =	vst v63  }
0x104: {  	s5 =	simm.s32 $0x14C00  }
0x105: {  	[tilespmem:s5], [sflag:$0x3] =	stream.indirect_vreg.gather [hbm4b:s1+s3], $0x80, v3, vm0, $0xb8;
	[tilespmem:$0x18400] =	vst v63  }
0x106: {  	v3 =	vld [tilespmem:$0x150];
	_ =	sdelay $0x4  }
0x107: {  	v21 =	vshll.u32 v3, $0x1  }
0x108: {  	v3 =	vand.u32 $0x7, v3;
	v4 =	vand.u32 $0xFFFFFFF0, v21  }
0x109: {  	v3 =	vor.u32 v3, v4  }
0x10a: {  	v4 =	vperm.xlane v3, v0;
	_ =	sdelay $0x1  }
0x10b: {  	v3 =	vperm.xlane v3, v2;
	v4 =	vadd.s32 v1, v4;
	_ =	sdelay $0x1  }
0x10c: {  	v3 =	vadd.s32 v1, v3;
	_ =	sdelay $0x1  }
0x10d: {  	s6 =	simm.s32 $0x15400  }
0x10e: {  	[tilespmem:s6], [sflag:$0x3] =	stream.indirect_vreg.gather [hbm4b:s1+s3], $0x80, v4, vm0, $0xb8;
	[tilespmem:$0x18400] =	vst v63  }
0x10f: {  	s7 =	simm.s32 $0x15C00  }
0x110: {  	[tilespmem:s7], [sflag:$0x3] =	stream.indirect_vreg.gather [hbm4b:s1+s3], $0x80, v3, vm0, $0xb8;
	[tilespmem:$0x18400] =	vst v63  }
0x111: {  	v3 =	vld [tilespmem:$0x160];
	_ =	sdelay $0x4  }
0x112: {  	v22 =	vshll.u32 v3, $0x1  }
0x113: {  	v3 =	vand.u32 $0x7, v3;
	v4 =	vand.u32 $0xFFFFFFF0, v22  }
0x114: {  	v3 =	vor.u32 v3, v4  }
0x115: {  	v4 =	vperm.xlane v3, v0;
	_ =	sdelay $0x1  }
0x116: {  	v3 =	vperm.xlane v3, v2;
	v4 =	vadd.s32 v1, v4;
	_ =	sdelay $0x1  }
0x117: {  	v3 =	vadd.s32 v1, v3;
	_ =	sdelay $0x1  }
0x118: {  	s20 =	simm.s32 $0x16400  }
0x119: {  	[tilespmem:s20], [sflag:$0x3] =	stream.indirect_vreg.gather [hbm4b:s1+s3], $0x80, v4, vm0, $0xb8;
	[tilespmem:$0x18400] =	vst v63  }
0x11a: {  	s23 =	simm.s32 $0x16C00  }
0x11b: {  	[tilespmem:s23], [sflag:$0x3] =	stream.indirect_vreg.gather [hbm4b:s1+s3], $0x80, v3, vm0, $0xb8;
	[tilespmem:$0x18400] =	vst v63  }
0x11c: {  	v3 =	vld [tilespmem:$0x170];
	_ =	sdelay $0x4  }
0x11d: {  	v23 =	vshll.u32 v3, $0x1  }
0x11e: {  	v3 =	vand.u32 $0x7, v3;
	v4 =	vand.u32 $0xFFFFFFF0, v23  }
0x11f: {  	v3 =	vor.u32 v3, v4  }
0x120: {  	v4 =	vperm.xlane v3, v0;
	_ =	sdelay $0x1  }
0x121: {  	v3 =	vperm.xlane v3, v2;
	v4 =	vadd.s32 v1, v4;
	_ =	sdelay $0x1  }
0x122: {  	v3 =	vadd.s32 v1, v3;
	_ =	sdelay $0x1  }
0x123: {  	s24 =	simm.s32 $0x17400  }
0x124: {  	[tilespmem:s24], [sflag:$0x3] =	stream.indirect_vreg.gather [hbm4b:s1+s3], $0x80, v4, vm0, $0xb8;
	[tilespmem:$0x18400] =	vst v63  }
0x125: {  	s28 =	simm.s32 $0x17C00;
	s30 =	simm.s32 $0x1  }
0x126: {  	[tilespmem:s28], [sflag:$0x3] =	stream.indirect_vreg.gather [hbm4b:s1+s3], $0x80, v3, vm0, $0xb8;
	[tilespmem:$0x18400] =	vst v63  }
0x127: {  	_ =	swait.ge [sflag:s30], $0x8000  }
0x128: {  	[sflag:s30] =	ssyncset.done $0x0  }
0x129: {  	s4 =	rddreg [dreg:$0x9];
	[sflag:s30] =	ssyncadd.s32 $0xFFFF8000;
	s30 =	simm.s32 $0x400  }
0x12a: {  	[hbm4b:s4+s3] =	stream.linear.scatter [tilespmem:s30], [sflag:$0x4], $0x400, $0x38;
	[tilespmem:$0x18400] =	vst v63  }
0x12b: {  	s21 =	simm.s32 $0xC00;
	s2 =	sadd.s32 $0x80, s4  }
0x12c: {  	[hbm4b:s2+s3] =	stream.linear.scatter [tilespmem:s21], [sflag:$0x4], $0x400, $0x38;
	[tilespmem:$0x18400] =	vst v63  }
0x12d: {  	s28 =	simm.s32 $0x1400;
	s5 =	sadd.s32 $0x100, s4  }
0x12e: {  	[hbm4b:s5+s3] =	stream.linear.scatter [tilespmem:s28], [sflag:$0x4], $0x400, $0x38;
	[tilespmem:$0x18400] =	vst v63  }
0x12f: {  	s29 =	simm.s32 $0x1C00;
	s6 =	sadd.s32 $0x180, s4  }
0x130: {  	[hbm4b:s6+s3] =	stream.linear.scatter [tilespmem:s29], [sflag:$0x4], $0x400, $0x38;
	[tilespmem:$0x18400] =	vst v63  }
0x131: {  	s23 =	simm.s32 $0x2400;
	s7 =	sadd.s32 $0x200, s4  }
0x132: {  	[hbm4b:s7+s3] =	stream.linear.scatter [tilespmem:s23], [sflag:$0x4], $0x400, $0x38;
	[tilespmem:$0x18400] =	vst v63  }
0x133: {  	s22 =	simm.s32 $0x2C00;
	s20 =	sadd.s32 $0x280, s4  }
0x134: {  	[hbm4b:s20+s3] =	stream.linear.scatter [tilespmem:s22], [sflag:$0x4], $0x400, $0x38;
	[tilespmem:$0x18400] =	vst v63  }
0x135: {  	s0 =	sadd.s32 $0x300, s4;
	s20 =	simm.s32 $0x3400  }
0x136: {  	[hbm4b:s0+s3] =	stream.linear.scatter [tilespmem:s20], [sflag:$0x4], $0x400, $0x38;
	[tilespmem:$0x18400] =	vst v63  }
0x137: {  	s25 =	simm.s32 $0x3C00;
	s2 =	sadd.s32 $0x380, s4  }
0x138: {  	[hbm4b:s2+s3] =	stream.linear.scatter [tilespmem:s25], [sflag:$0x4], $0x400, $0x38;
	[tilespmem:$0x18400] =	vst v63  }
0x139: {  	s5 =	sadd.s32 $0x400, s4;
	s2 =	simm.s32 $0x4400  }
0x13a: {  	[hbm4b:s5+s3] =	stream.linear.scatter [tilespmem:s2], [sflag:$0x4], $0x400, $0x38;
	[tilespmem:$0x18400] =	vst v63  }
0x13b: {  	s6 =	sadd.s32 $0x480, s4;
	s0 =	simm.s32 $0x4C00  }
0x13c: {  	[hbm4b:s6+s3] =	stream.linear.scatter [tilespmem:s0], [sflag:$0x4], $0x400, $0x38;
	[tilespmem:$0x18400] =	vst v63  }
0x13d: {  	s31 =	simm.s32 $0x5400;
	s7 =	sadd.s32 $0x500, s4  }
0x13e: {  	[hbm4b:s7+s3] =	stream.linear.scatter [tilespmem:s31], [sflag:$0x4], $0x400, $0x38;
	[tilespmem:$0x18400] =	vst v63  }
0x13f: {  	s26 =	simm.s32 $0x5C00;
	s31 =	sadd.s32 $0x580, s4  }
0x140: {  	[hbm4b:s31+s3] =	stream.linear.scatter [tilespmem:s26], [sflag:$0x4], $0x400, $0x38;
	[tilespmem:$0x18400] =	vst v63  }
0x141: {  	s5 =	sadd.s32 $0x600, s4;
	s6 =	simm.s32 $0x6400  }
0x142: {  	[hbm4b:s5+s3] =	stream.linear.scatter [tilespmem:s6], [sflag:$0x4], $0x400, $0x38;
	[tilespmem:$0x18400] =	vst v63  }
0x143: {  	s31 =	sadd.s32 $0x680, s4;
	s5 =	simm.s32 $0x6C00  }
0x144: {  	[hbm4b:s31+s3] =	stream.linear.scatter [tilespmem:s5], [sflag:$0x4], $0x400, $0x38;
	[tilespmem:$0x18400] =	vst v63  }
0x145: {  	s8 =	simm.s32 $0x7400;
	s31 =	sadd.s32 $0x700, s4  }
0x146: {  	[hbm4b:s31+s3] =	stream.linear.scatter [tilespmem:s8], [sflag:$0x4], $0x400, $0x38;
	[tilespmem:$0x18400] =	vst v63  }
0x147: {  	s9 =	simm.s32 $0x7C00;
	s4 =	sadd.s32 $0x780, s4  }
0x148: {  	[hbm4b:s4+s3] =	stream.linear.scatter [tilespmem:s9], [sflag:$0x4], $0x400, $0x38;
	[tilespmem:$0x18400] =	vst v63  }
0x149: {  	s31 =	simm.s32 $0x800;
	s4 =	rddreg [dreg:$0xa]  }
0x14a: {  	[hbm4b:s4+s3] =	stream.linear.scatter [tilespmem:s31], [sflag:$0x4], $0x400, $0x38;
	[tilespmem:$0x18400] =	vst v63  }
0x14b: {  	s24 =	sadd.s32 $0x80, s4;
	s31 =	simm.s32 $0x1000  }
0x14c: {  	[hbm4b:s24+s3] =	stream.linear.scatter [tilespmem:s31], [sflag:$0x4], $0x400, $0x38;
	[tilespmem:$0x18400] =	vst v63  }
0x14d: {  	s24 =	sadd.s32 $0x100, s4;
	s31 =	simm.s32 $0x1800  }
0x14e: {  	[hbm4b:s24+s3] =	stream.linear.scatter [tilespmem:s31], [sflag:$0x4], $0x400, $0x38;
	[tilespmem:$0x18400] =	vst v63  }
0x14f: {  	s24 =	sadd.s32 $0x180, s4;
	s31 =	simm.s32 $0x2000  }
0x150: {  	[hbm4b:s24+s3] =	stream.linear.scatter [tilespmem:s31], [sflag:$0x4], $0x400, $0x38;
	[tilespmem:$0x18400] =	vst v63  }
0x151: {  	s24 =	sadd.s32 $0x200, s4;
	s31 =	simm.s32 $0x2800  }
0x152: {  	[hbm4b:s24+s3] =	stream.linear.scatter [tilespmem:s31], [sflag:$0x4], $0x400, $0x38;
	[tilespmem:$0x18400] =	vst v63  }
0x153: {  	s24 =	sadd.s32 $0x280, s4;
	s31 =	simm.s32 $0x3000  }
0x154: {  	[hbm4b:s24+s3] =	stream.linear.scatter [tilespmem:s31], [sflag:$0x4], $0x400, $0x38;
	[tilespmem:$0x18400] =	vst v63  }
0x155: {  	s24 =	sadd.s32 $0x300, s4;
	s31 =	simm.s32 $0x3800  }
0x156: {  	[hbm4b:s24+s3] =	stream.linear.scatter [tilespmem:s31], [sflag:$0x4], $0x400, $0x38;
	[tilespmem:$0x18400] =	vst v63  }
0x157: {  	s24 =	sadd.s32 $0x380, s4;
	s31 =	simm.s32 $0x4000  }
0x158: {  	[hbm4b:s24+s3] =	stream.linear.scatter [tilespmem:s31], [sflag:$0x4], $0x400, $0x38;
	[tilespmem:$0x18400] =	vst v63  }
0x159: {  	s24 =	sadd.s32 $0x400, s4;
	s31 =	simm.s32 $0x4800  }
0x15a: {  	[hbm4b:s24+s3] =	stream.linear.scatter [tilespmem:s31], [sflag:$0x4], $0x400, $0x38;
	[tilespmem:$0x18400] =	vst v63  }
0x15b: {  	s24 =	sadd.s32 $0x480, s4;
	s31 =	simm.s32 $0x5000  }
0x15c: {  	[hbm4b:s24+s3] =	stream.linear.scatter [tilespmem:s31], [sflag:$0x4], $0x400, $0x38;
	[tilespmem:$0x18400] =	vst v63  }
0x15d: {  	s24 =	sadd.s32 $0x500, s4;
	s31 =	simm.s32 $0x5800  }
0x15e: {  	[hbm4b:s24+s3] =	stream.linear.scatter [tilespmem:s31], [sflag:$0x4], $0x400, $0x38;
	[tilespmem:$0x18400] =	vst v63  }
0x15f: {  	s24 =	sadd.s32 $0x580, s4;
	s31 =	simm.s32 $0x6000  }
0x160: {  	[hbm4b:s24+s3] =	stream.linear.scatter [tilespmem:s31], [sflag:$0x4], $0x400, $0x38;
	[tilespmem:$0x18400] =	vst v63  }
0x161: {  	s24 =	sadd.s32 $0x600, s4;
	s31 =	simm.s32 $0x6800  }
0x162: {  	[hbm4b:s24+s3] =	stream.linear.scatter [tilespmem:s31], [sflag:$0x4], $0x400, $0x38;
	[tilespmem:$0x18400] =	vst v63  }
0x163: {  	s24 =	sadd.s32 $0x680, s4;
	s31 =	simm.s32 $0x7000  }
0x164: {  	[hbm4b:s24+s3] =	stream.linear.scatter [tilespmem:s31], [sflag:$0x4], $0x400, $0x38;
	[tilespmem:$0x18400] =	vst v63  }
0x165: {  	s24 =	sadd.s32 $0x700, s4;
	s31 =	simm.s32 $0x7800  }
0x166: {  	[hbm4b:s24+s3] =	stream.linear.scatter [tilespmem:s31], [sflag:$0x4], $0x400, $0x38;
	[tilespmem:$0x18400] =	vst v63  }
0x167: {  	s24 =	sadd.s32 $0x780, s4;
	s4 =	simm.s32 $0x8000  }
0x168: {  	[hbm4b:s24+s3] =	stream.linear.scatter [tilespmem:s4], [sflag:$0x4], $0x400, $0x38;
	[tilespmem:$0x18400] =	vst v63  }
0x169: {  	s4 =	simm.s32 $0x4  }
0x16a: {  	_ =	swait.ge [sflag:s4], $0x4000  }
0x16b: {  	[sflag:s4] =	ssyncset.done $0x0  }
0x16c: {  	[sflag:s4] =	ssyncadd.s32 $0xFFFFC000  }
0x16d: {  	_ =	swait.ge [sflag:s4], $0x4000  }
0x16e: {  	[sflag:s4] =	ssyncset.done $0x0  }
0x16f: {  	[sflag:s4] =	ssyncadd.s32 $0xFFFFC000  }
0x170: {  	v3 =	vld [tilespmem:$0x180];
	_ =	sdelay $0x4  }
0x171: {  	v24 =	vshll.u32 v3, $0x1  }
0x172: {  	v3 =	vand.u32 $0x7, v3;
	v4 =	vand.u32 $0xFFFFFFF0, v24  }
0x173: {  	v3 =	vor.u32 v3, v4  }
0x174: {  	v4 =	vperm.xlane v3, v0;
	_ =	sdelay $0x1  }
0x175: {  	v3 =	vperm.xlane v3, v2;
	v4 =	vadd.s32 v1, v4;
	_ =	sdelay $0x1  }
0x176: {  	v3 =	vadd.s32 v1, v3;
	_ =	sdelay $0x2  }
0x177: {  	[tilespmem:s30], [sflag:$0x1] =	stream.indirect_vreg.gather [hbm4b:s1+s3], $0x80, v4, vm0, $0xb8;
	[tilespmem:$0x18400] =	vst v63  }
0x178: {  	_ = 	snop  }
0x179: {  	[tilespmem:s21], [sflag:$0x1] =	stream.indirect_vreg.gather [hbm4b:s1+s3], $0x80, v3, vm0, $0xb8;
	[tilespmem:$0x18400] =	vst v63  }
0x17a: {  	v3 =	vld [tilespmem:$0x190];
	_ =	sdelay $0x4  }
0x17b: {  	v25 =	vshll.u32 v3, $0x1  }
0x17c: {  	v3 =	vand.u32 $0x7, v3;
	v4 =	vand.u32 $0xFFFFFFF0, v25  }
0x17d: {  	v3 =	vor.u32 v3, v4  }
0x17e: {  	v4 =	vperm.xlane v3, v0;
	_ =	sdelay $0x1  }
0x17f: {  	v3 =	vperm.xlane v3, v2;
	v4 =	vadd.s32 v1, v4;
	_ =	sdelay $0x1  }
0x180: {  	v3 =	vadd.s32 v1, v3;
	_ =	sdelay $0x2  }
0x181: {  	[tilespmem:s28], [sflag:$0x1] =	stream.indirect_vreg.gather [hbm4b:s1+s3], $0x80, v4, vm0, $0xb8;
	[tilespmem:$0x18400] =	vst v63  }
0x182: {  	_ = 	snop  }
0x183: {  	[tilespmem:s29], [sflag:$0x1] =	stream.indirect_vreg.gather [hbm4b:s1+s3], $0x80, v3, vm0, $0xb8;
	[tilespmem:$0x18400] =	vst v63  }
0x184: {  	v3 =	vld [tilespmem:$0x1A0];
	_ =	sdelay $0x4  }
0x185: {  	v26 =	vshll.u32 v3, $0x1  }
0x186: {  	v3 =	vand.u32 $0x7, v3;
	v4 =	vand.u32 $0xFFFFFFF0, v26  }
0x187: {  	v3 =	vor.u32 v3, v4  }
0x188: {  	v4 =	vperm.xlane v3, v0;
	_ =	sdelay $0x1  }
0x189: {  	v3 =	vperm.xlane v3, v2;
	v4 =	vadd.s32 v1, v4;
	_ =	sdelay $0x1  }
0x18a: {  	v3 =	vadd.s32 v1, v3;
	_ =	sdelay $0x2  }
0x18b: {  	[tilespmem:s23], [sflag:$0x1] =	stream.indirect_vreg.gather [hbm4b:s1+s3], $0x80, v4, vm0, $0xb8;
	[tilespmem:$0x18400] =	vst v63  }
0x18c: {  	_ = 	snop  }
0x18d: {  	[tilespmem:s22], [sflag:$0x1] =	stream.indirect_vreg.gather [hbm4b:s1+s3], $0x80, v3, vm0, $0xb8;
	[tilespmem:$0x18400] =	vst v63  }
0x18e: {  	v3 =	vld [tilespmem:$0x1B0];
	_ =	sdelay $0x4  }
0x18f: {  	v27 =	vshll.u32 v3, $0x1  }
0x190: {  	v3 =	vand.u32 $0x7, v3;
	v4 =	vand.u32 $0xFFFFFFF0, v27  }
0x191: {  	v3 =	vor.u32 v3, v4  }
0x192: {  	v4 =	vperm.xlane v3, v0;
	_ =	sdelay $0x1  }
0x193: {  	v3 =	vperm.xlane v3, v2;
	v4 =	vadd.s32 v1, v4;
	_ =	sdelay $0x1  }
0x194: {  	v3 =	vadd.s32 v1, v3;
	_ =	sdelay $0x2  }
0x195: {  	[tilespmem:s20], [sflag:$0x1] =	stream.indirect_vreg.gather [hbm4b:s1+s3], $0x80, v4, vm0, $0xb8;
	[tilespmem:$0x18400] =	vst v63  }
0x196: {  	_ = 	snop  }
0x197: {  	[tilespmem:s25], [sflag:$0x1] =	stream.indirect_vreg.gather [hbm4b:s1+s3], $0x80, v3, vm0, $0xb8;
	[tilespmem:$0x18400] =	vst v63  }
0x198: {  	v3 =	vld [tilespmem:$0x1C0];
	_ =	sdelay $0x4  }
0x199: {  	v28 =	vshll.u32 v3, $0x1  }
0x19a: {  	v3 =	vand.u32 $0x7, v3;
	v4 =	vand.u32 $0xFFFFFFF0, v28  }
0x19b: {  	v3 =	vor.u32 v3, v4  }
0x19c: {  	v4 =	vperm.xlane v3, v0;
	_ =	sdelay $0x1  }
0x19d: {  	v3 =	vperm.xlane v3, v2;
	v4 =	vadd.s32 v1, v4;
	_ =	sdelay $0x1  }
0x19e: {  	v3 =	vadd.s32 v1, v3;
	_ =	sdelay $0x2  }
0x19f: {  	[tilespmem:s2], [sflag:$0x1] =	stream.indirect_vreg.gather [hbm4b:s1+s3], $0x80, v4, vm0, $0xb8;
	[tilespmem:$0x18400] =	vst v63  }
0x1a0: {  	_ = 	snop  }
0x1a1: {  	[tilespmem:s0], [sflag:$0x1] =	stream.indirect_vreg.gather [hbm4b:s1+s3], $0x80, v3, vm0, $0xb8;
	[tilespmem:$0x18400] =	vst v63  }
0x1a2: {  	v3 =	vld [tilespmem:$0x1D0];
	_ =	sdelay $0x4  }
0x1a3: {  	v29 =	vshll.u32 v3, $0x1  }
0x1a4: {  	v3 =	vand.u32 $0x7, v3;
	v4 =	vand.u32 $0xFFFFFFF0, v29  }
0x1a5: {  	v3 =	vor.u32 v3, v4  }
0x1a6: {  	v4 =	vperm.xlane v3, v0;
	_ =	sdelay $0x1  }
0x1a7: {  	v3 =	vperm.xlane v3, v2;
	v4 =	vadd.s32 v1, v4;
	_ =	sdelay $0x1  }
0x1a8: {  	v3 =	vadd.s32 v1, v3;
	_ =	sdelay $0x1  }
0x1a9: {  	s7 =	simm.s32 $0x5400  }
0x1aa: {  	[tilespmem:s7], [sflag:$0x1] =	stream.indirect_vreg.gather [hbm4b:s1+s3], $0x80, v4, vm0, $0xb8;
	[tilespmem:$0x18400] =	vst v63  }
0x1ab: {  	_ = 	snop  }
0x1ac: {  	[tilespmem:s26], [sflag:$0x1] =	stream.indirect_vreg.gather [hbm4b:s1+s3], $0x80, v3, vm0, $0xb8;
	[tilespmem:$0x18400] =	vst v63  }
0x1ad: {  	v3 =	vld [tilespmem:$0x1E0];
	_ =	sdelay $0x4  }
0x1ae: {  	v30 =	vshll.u32 v3, $0x1  }
0x1af: {  	v3 =	vand.u32 $0x7, v3;
	v4 =	vand.u32 $0xFFFFFFF0, v30  }
0x1b0: {  	v3 =	vor.u32 v3, v4  }
0x1b1: {  	v4 =	vperm.xlane v3, v0;
	_ =	sdelay $0x1  }
0x1b2: {  	v3 =	vperm.xlane v3, v2;
	v4 =	vadd.s32 v1, v4;
	_ =	sdelay $0x1  }
0x1b3: {  	v3 =	vadd.s32 v1, v3;
	_ =	sdelay $0x2  }
0x1b4: {  	[tilespmem:s6], [sflag:$0x1] =	stream.indirect_vreg.gather [hbm4b:s1+s3], $0x80, v4, vm0, $0xb8;
	[tilespmem:$0x18400] =	vst v63  }
0x1b5: {  	_ = 	snop  }
0x1b6: {  	[tilespmem:s5], [sflag:$0x1] =	stream.indirect_vreg.gather [hbm4b:s1+s3], $0x80, v3, vm0, $0xb8;
	[tilespmem:$0x18400] =	vst v63  }
0x1b7: {  	v3 =	vld [tilespmem:$0x1F0];
	_ =	sdelay $0x4  }
0x1b8: {  	v31 =	vshll.u32 v3, $0x1  }
0x1b9: {  	v3 =	vand.u32 $0x7, v3;
	v4 =	vand.u32 $0xFFFFFFF0, v31  }
0x1ba: {  	v3 =	vor.u32 v3, v4  }
0x1bb: {  	v4 =	vperm.xlane v3, v0;
	_ =	sdelay $0x1  }
0x1bc: {  	v3 =	vperm.xlane v3, v2;
	v4 =	vadd.s32 v1, v4;
	_ =	sdelay $0x1  }
0x1bd: {  	v3 =	vadd.s32 v1, v3;
	_ =	sdelay $0x1  }
0x1be: {  	s8 =	simm.s32 $0x7400  }
0x1bf: {  	[tilespmem:s8], [sflag:$0x1] =	stream.indirect_vreg.gather [hbm4b:s1+s3], $0x80, v4, vm0, $0xb8;
	[tilespmem:$0x18400] =	vst v63  }
0x1c0: {  	s9 =	simm.s32 $0x7C00;
	s8 =	simm.s32 $0x2  }
0x1c1: {  	[tilespmem:s9], [sflag:$0x1] =	stream.indirect_vreg.gather [hbm4b:s1+s3], $0x80, v3, vm0, $0xb8;
	[tilespmem:$0x18400] =	vst v63  }
0x1c2: {  	_ =	swait.ge [sflag:s8], $0x8000  }
0x1c3: {  	[sflag:s8] =	ssyncset.done $0x0  }
0x1c4: {  	s5 =	simm.s32 $0x8400;
	s0 =	rddreg [dreg:$0xb];
	[sflag:s8] =	ssyncadd.s32 $0xFFFF8000  }
0x1c5: {  	[hbm4b:s0+s3] =	stream.linear.scatter [tilespmem:s5], [sflag:$0x5], $0x400, $0x38;
	[tilespmem:$0x18400] =	vst v63  }
0x1c6: {  	s9 =	sadd.s32 $0x80, s0;
	s8 =	simm.s32 $0x8C00  }
0x1c7: {  	[hbm4b:s9+s3] =	stream.linear.scatter [tilespmem:s8], [sflag:$0x5], $0x400, $0x38;
	[tilespmem:$0x18400] =	vst v63  }
0x1c8: {  	s6 =	simm.s32 $0x9400;
	s20 =	sadd.s32 $0x100, s0  }
0x1c9: {  	[hbm4b:s20+s3] =	stream.linear.scatter [tilespmem:s6], [sflag:$0x5], $0x400, $0x38;
	[tilespmem:$0x18400] =	vst v63  }
0x1ca: {  	s21 =	sadd.s32 $0x180, s0;
	s9 =	simm.s32 $0x9C00  }
0x1cb: {  	[hbm4b:s21+s3] =	stream.linear.scatter [tilespmem:s9], [sflag:$0x5], $0x400, $0x38;
	[tilespmem:$0x18400] =	vst v63  }
0x1cc: {  	s22 =	sadd.s32 $0x200, s0;
	s20 =	simm.s32 $0xA400  }
0x1cd: {  	[hbm4b:s22+s3] =	stream.linear.scatter [tilespmem:s20], [sflag:$0x5], $0x400, $0x38;
	[tilespmem:$0x18400] =	vst v63  }
0x1ce: {  	s2 =	simm.s32 $0xAC00;
	s23 =	sadd.s32 $0x280, s0  }
0x1cf: {  	[hbm4b:s23+s3] =	stream.linear.scatter [tilespmem:s2], [sflag:$0x5], $0x400, $0x38;
	[tilespmem:$0x18400] =	vst v63  }
0x1d0: {  	s25 =	sadd.s32 $0x300, s0;
	s22 =	simm.s32 $0xB400  }
0x1d1: {  	[hbm4b:s25+s3] =	stream.linear.scatter [tilespmem:s22], [sflag:$0x5], $0x400, $0x38;
	[tilespmem:$0x18400] =	vst v63  }
0x1d2: {  	s26 =	sadd.s32 $0x380, s0;
	s21 =	simm.s32 $0xBC00  }
0x1d3: {  	[hbm4b:s26+s3] =	stream.linear.scatter [tilespmem:s21], [sflag:$0x5], $0x400, $0x38;
	[tilespmem:$0x18400] =	vst v63  }
0x1d4: {  	s28 =	sadd.s32 $0x400, s0;
	s25 =	simm.s32 $0xC400  }
0x1d5: {  	[hbm4b:s28+s3] =	stream.linear.scatter [tilespmem:s25], [sflag:$0x5], $0x400, $0x38;
	[tilespmem:$0x18400] =	vst v63  }
0x1d6: {  	s29 =	sadd.s32 $0x480, s0;
	s23 =	simm.s32 $0xCC00  }
0x1d7: {  	[hbm4b:s29+s3] =	stream.linear.scatter [tilespmem:s23], [sflag:$0x5], $0x400, $0x38;
	[tilespmem:$0x18400] =	vst v63  }
0x1d8: {  	s30 =	sadd.s32 $0x500, s0;
	s28 =	simm.s32 $0xD400  }
0x1d9: {  	[hbm4b:s30+s3] =	stream.linear.scatter [tilespmem:s28], [sflag:$0x5], $0x400, $0x38;
	[tilespmem:$0x18400] =	vst v63  }
0x1da: {  	s31 =	sadd.s32 $0x580, s0;
	s26 =	simm.s32 $0xDC00  }
0x1db: {  	[hbm4b:s31+s3] =	stream.linear.scatter [tilespmem:s26], [sflag:$0x5], $0x400, $0x38;
	[tilespmem:$0x18400] =	vst v63  }
0x1dc: {  	s4 =	sadd.s32 $0x600, s0;
	s30 =	simm.s32 $0xE400  }
0x1dd: {  	[hbm4b:s4+s3] =	stream.linear.scatter [tilespmem:s30], [sflag:$0x5], $0x400, $0x38;
	[tilespmem:$0x18400] =	vst v63  }
0x1de: {  	s7 =	sadd.s32 $0x680, s0;
	s29 =	simm.s32 $0xEC00  }
0x1df: {  	[hbm4b:s7+s3] =	stream.linear.scatter [tilespmem:s29], [sflag:$0x5], $0x400, $0x38;
	[tilespmem:$0x18400] =	vst v63  }
0x1e0: {  	s31 =	sadd.s32 $0x700, s0;
	s7 =	simm.s32 $0xF400  }
0x1e1: {  	[hbm4b:s31+s3] =	stream.linear.scatter [tilespmem:s7], [sflag:$0x5], $0x400, $0x38;
	[tilespmem:$0x18400] =	vst v63  }
0x1e2: {  	s10 =	simm.s32 $0xFC00;
	s4 =	sadd.s32 $0x780, s0  }
0x1e3: {  	[hbm4b:s4+s3] =	stream.linear.scatter [tilespmem:s10], [sflag:$0x5], $0x400, $0x38;
	[tilespmem:$0x18400] =	vst v63  }
0x1e4: {  	s31 =	simm.s32 $0x8800;
	s4 =	rddreg [dreg:$0xc]  }
0x1e5: {  	[hbm4b:s4+s3] =	stream.linear.scatter [tilespmem:s31], [sflag:$0x5], $0x400, $0x38;
	[tilespmem:$0x18400] =	vst v63  }
0x1e6: {  	s0 =	sadd.s32 $0x80, s4;
	s31 =	simm.s32 $0x9000  }
0x1e7: {  	[hbm4b:s0+s3] =	stream.linear.scatter [tilespmem:s31], [sflag:$0x5], $0x400, $0x38;
	[tilespmem:$0x18400] =	vst v63  }
0x1e8: {  	s0 =	sadd.s32 $0x100, s4;
	s31 =	simm.s32 $0x9800  }
0x1e9: {  	[hbm4b:s0+s3] =	stream.linear.scatter [tilespmem:s31], [sflag:$0x5], $0x400, $0x38;
	[tilespmem:$0x18400] =	vst v63  }
0x1ea: {  	s0 =	sadd.s32 $0x180, s4;
	s31 =	simm.s32 $0xA000  }
0x1eb: {  	[hbm4b:s0+s3] =	stream.linear.scatter [tilespmem:s31], [sflag:$0x5], $0x400, $0x38;
	[tilespmem:$0x18400] =	vst v63  }
0x1ec: {  	s0 =	sadd.s32 $0x200, s4;
	s31 =	simm.s32 $0xA800  }
0x1ed: {  	[hbm4b:s0+s3] =	stream.linear.scatter [tilespmem:s31], [sflag:$0x5], $0x400, $0x38;
	[tilespmem:$0x18400] =	vst v63  }
0x1ee: {  	s0 =	sadd.s32 $0x280, s4;
	s31 =	simm.s32 $0xB000  }
0x1ef: {  	[hbm4b:s0+s3] =	stream.linear.scatter [tilespmem:s31], [sflag:$0x5], $0x400, $0x38;
	[tilespmem:$0x18400] =	vst v63  }
0x1f0: {  	s0 =	sadd.s32 $0x300, s4;
	s31 =	simm.s32 $0xB800  }
0x1f1: {  	[hbm4b:s0+s3] =	stream.linear.scatter [tilespmem:s31], [sflag:$0x5], $0x400, $0x38;
	[tilespmem:$0x18400] =	vst v63  }
0x1f2: {  	s0 =	sadd.s32 $0x380, s4;
	s31 =	simm.s32 $0xC000  }
0x1f3: {  	[hbm4b:s0+s3] =	stream.linear.scatter [tilespmem:s31], [sflag:$0x5], $0x400, $0x38;
	[tilespmem:$0x18400] =	vst v63  }
0x1f4: {  	s0 =	sadd.s32 $0x400, s4;
	s31 =	simm.s32 $0xC800  }
0x1f5: {  	[hbm4b:s0+s3] =	stream.linear.scatter [tilespmem:s31], [sflag:$0x5], $0x400, $0x38;
	[tilespmem:$0x18400] =	vst v63  }
0x1f6: {  	s0 =	sadd.s32 $0x480, s4;
	s31 =	simm.s32 $0xD000  }
0x1f7: {  	[hbm4b:s0+s3] =	stream.linear.scatter [tilespmem:s31], [sflag:$0x5], $0x400, $0x38;
	[tilespmem:$0x18400] =	vst v63  }
0x1f8: {  	s0 =	sadd.s32 $0x500, s4;
	s31 =	simm.s32 $0xD800  }
0x1f9: {  	[hbm4b:s0+s3] =	stream.linear.scatter [tilespmem:s31], [sflag:$0x5], $0x400, $0x38;
	[tilespmem:$0x18400] =	vst v63  }
0x1fa: {  	s0 =	sadd.s32 $0x580, s4;
	s31 =	simm.s32 $0xE000  }
0x1fb: {  	[hbm4b:s0+s3] =	stream.linear.scatter [tilespmem:s31], [sflag:$0x5], $0x400, $0x38;
	[tilespmem:$0x18400] =	vst v63  }
0x1fc: {  	s0 =	sadd.s32 $0x600, s4;
	s31 =	simm.s32 $0xE800  }
0x1fd: {  	[hbm4b:s0+s3] =	stream.linear.scatter [tilespmem:s31], [sflag:$0x5], $0x400, $0x38;
	[tilespmem:$0x18400] =	vst v63  }
0x1fe: {  	s0 =	sadd.s32 $0x680, s4;
	s31 =	simm.s32 $0xF000  }
0x1ff: {  	[hbm4b:s0+s3] =	stream.linear.scatter [tilespmem:s31], [sflag:$0x5], $0x400, $0x38;
	[tilespmem:$0x18400] =	vst v63  }
0x200: {  	s0 =	sadd.s32 $0x700, s4;
	s31 =	simm.s32 $0xF800  }
0x201: {  	[hbm4b:s0+s3] =	stream.linear.scatter [tilespmem:s31], [sflag:$0x5], $0x400, $0x38;
	[tilespmem:$0x18400] =	vst v63  }
0x202: {  	s0 =	sadd.s32 $0x780, s4;
	s4 =	simm.s32 $0x10000  }
0x203: {  	[hbm4b:s0+s3] =	stream.linear.scatter [tilespmem:s4], [sflag:$0x5], $0x400, $0x38;
	[tilespmem:$0x18400] =	vst v63  }
0x204: {  	s0 =	simm.s32 $0x5  }
0x205: {  	_ =	swait.ge [sflag:s0], $0x4000  }
0x206: {  	[sflag:s0] =	ssyncset.done $0x0  }
0x207: {  	[sflag:s0] =	ssyncadd.s32 $0xFFFFC000  }
0x208: {  	_ =	swait.ge [sflag:s0], $0x4000  }
0x209: {  	[sflag:s0] =	ssyncset.done $0x0  }
0x20a: {  	[sflag:s0] =	ssyncadd.s32 $0xFFFFC000  }
0x20b: {  	v3 =	vld [tilespmem:$0x200];
	_ =	sdelay $0x4  }
0x20c: {  	v32 =	vshll.u32 v3, $0x1  }
0x20d: {  	v3 =	vand.u32 $0x7, v3;
	v4 =	vand.u32 $0xFFFFFFF0, v32  }
0x20e: {  	v3 =	vor.u32 v3, v4  }
0x20f: {  	v4 =	vperm.xlane v3, v0;
	_ =	sdelay $0x1  }
0x210: {  	v3 =	vperm.xlane v3, v2;
	v4 =	vadd.s32 v1, v4;
	_ =	sdelay $0x1  }
0x211: {  	v3 =	vadd.s32 v1, v3;
	_ =	sdelay $0x2  }
0x212: {  	[tilespmem:s5], [sflag:$0x2] =	stream.indirect_vreg.gather [hbm4b:s1+s3], $0x80, v4, vm0, $0xb8;
	[tilespmem:$0x18400] =	vst v63  }
0x213: {  	_ = 	snop  }
0x214: {  	[tilespmem:s8], [sflag:$0x2] =	stream.indirect_vreg.gather [hbm4b:s1+s3], $0x80, v3, vm0, $0xb8;
	[tilespmem:$0x18400] =	vst v63  }
0x215: {  	v3 =	vld [tilespmem:$0x210];
	_ =	sdelay $0x4  }
0x216: {  	v33 =	vshll.u32 v3, $0x1  }
0x217: {  	v3 =	vand.u32 $0x7, v3;
	v4 =	vand.u32 $0xFFFFFFF0, v33  }
0x218: {  	v3 =	vor.u32 v3, v4  }
0x219: {  	v4 =	vperm.xlane v3, v0;
	_ =	sdelay $0x1  }
0x21a: {  	v3 =	vperm.xlane v3, v2;
	v4 =	vadd.s32 v1, v4;
	_ =	sdelay $0x1  }
0x21b: {  	v3 =	vadd.s32 v1, v3;
	_ =	sdelay $0x2  }
0x21c: {  	[tilespmem:s6], [sflag:$0x2] =	stream.indirect_vreg.gather [hbm4b:s1+s3], $0x80, v4, vm0, $0xb8;
	[tilespmem:$0x18400] =	vst v63  }
0x21d: {  	_ = 	snop  }
0x21e: {  	[tilespmem:s9], [sflag:$0x2] =	stream.indirect_vreg.gather [hbm4b:s1+s3], $0x80, v3, vm0, $0xb8;
	[tilespmem:$0x18400] =	vst v63  }
0x21f: {  	v3 =	vld [tilespmem:$0x220];
	_ =	sdelay $0x4  }
0x220: {  	v34 =	vshll.u32 v3, $0x1  }
0x221: {  	v3 =	vand.u32 $0x7, v3;
	v4 =	vand.u32 $0xFFFFFFF0, v34  }
0x222: {  	v3 =	vor.u32 v3, v4  }
0x223: {  	v4 =	vperm.xlane v3, v0;
	_ =	sdelay $0x1  }
0x224: {  	v3 =	vperm.xlane v3, v2;
	v4 =	vadd.s32 v1, v4;
	_ =	sdelay $0x1  }
0x225: {  	v3 =	vadd.s32 v1, v3;
	_ =	sdelay $0x2  }
0x226: {  	[tilespmem:s20], [sflag:$0x2] =	stream.indirect_vreg.gather [hbm4b:s1+s3], $0x80, v4, vm0, $0xb8;
	[tilespmem:$0x18400] =	vst v63  }
0x227: {  	_ = 	snop  }
0x228: {  	[tilespmem:s2], [sflag:$0x2] =	stream.indirect_vreg.gather [hbm4b:s1+s3], $0x80, v3, vm0, $0xb8;
	[tilespmem:$0x18400] =	vst v63  }
0x229: {  	v3 =	vld [tilespmem:$0x230];
	_ =	sdelay $0x4  }
0x22a: {  	v35 =	vshll.u32 v3, $0x1  }
0x22b: {  	v3 =	vand.u32 $0x7, v3;
	v4 =	vand.u32 $0xFFFFFFF0, v35  }
0x22c: {  	v3 =	vor.u32 v3, v4  }
0x22d: {  	v4 =	vperm.xlane v3, v0;
	_ =	sdelay $0x1  }
0x22e: {  	v3 =	vperm.xlane v3, v2;
	v4 =	vadd.s32 v1, v4;
	_ =	sdelay $0x1  }
0x22f: {  	v3 =	vadd.s32 v1, v3;
	_ =	sdelay $0x2  }
0x230: {  	[tilespmem:s22], [sflag:$0x2] =	stream.indirect_vreg.gather [hbm4b:s1+s3], $0x80, v4, vm0, $0xb8;
	[tilespmem:$0x18400] =	vst v63  }
0x231: {  	_ = 	snop  }
0x232: {  	[tilespmem:s21], [sflag:$0x2] =	stream.indirect_vreg.gather [hbm4b:s1+s3], $0x80, v3, vm0, $0xb8;
	[tilespmem:$0x18400] =	vst v63  }
0x233: {  	v3 =	vld [tilespmem:$0x240];
	_ =	sdelay $0x4  }
0x234: {  	v36 =	vshll.u32 v3, $0x1  }
0x235: {  	v3 =	vand.u32 $0x7, v3;
	v4 =	vand.u32 $0xFFFFFFF0, v36  }
0x236: {  	v3 =	vor.u32 v3, v4  }
0x237: {  	v4 =	vperm.xlane v3, v0;
	_ =	sdelay $0x1  }
0x238: {  	v3 =	vperm.xlane v3, v2;
	v4 =	vadd.s32 v1, v4;
	_ =	sdelay $0x1  }
0x239: {  	v3 =	vadd.s32 v1, v3;
	_ =	sdelay $0x2  }
0x23a: {  	[tilespmem:s25], [sflag:$0x2] =	stream.indirect_vreg.gather [hbm4b:s1+s3], $0x80, v4, vm0, $0xb8;
	[tilespmem:$0x18400] =	vst v63  }
0x23b: {  	_ = 	snop  }
0x23c: {  	[tilespmem:s23], [sflag:$0x2] =	stream.indirect_vreg.gather [hbm4b:s1+s3], $0x80, v3, vm0, $0xb8;
	[tilespmem:$0x18400] =	vst v63  }
0x23d: {  	v3 =	vld [tilespmem:$0x250];
	_ =	sdelay $0x4  }
0x23e: {  	v37 =	vshll.u32 v3, $0x1  }
0x23f: {  	v3 =	vand.u32 $0x7, v3;
	v4 =	vand.u32 $0xFFFFFFF0, v37  }
0x240: {  	v3 =	vor.u32 v3, v4  }
0x241: {  	v4 =	vperm.xlane v3, v0;
	_ =	sdelay $0x1  }
0x242: {  	v3 =	vperm.xlane v3, v2;
	v4 =	vadd.s32 v1, v4;
	_ =	sdelay $0x1  }
0x243: {  	v3 =	vadd.s32 v1, v3;
	_ =	sdelay $0x2  }
0x244: {  	[tilespmem:s28], [sflag:$0x2] =	stream.indirect_vreg.gather [hbm4b:s1+s3], $0x80, v4, vm0, $0xb8;
	[tilespmem:$0x18400] =	vst v63  }
0x245: {  	_ = 	snop  }
0x246: {  	[tilespmem:s26], [sflag:$0x2] =	stream.indirect_vreg.gather [hbm4b:s1+s3], $0x80, v3, vm0, $0xb8;
	[tilespmem:$0x18400] =	vst v63  }
0x247: {  	v3 =	vld [tilespmem:$0x260];
	_ =	sdelay $0x4  }
0x248: {  	v38 =	vshll.u32 v3, $0x1  }
0x249: {  	v3 =	vand.u32 $0x7, v3;
	v4 =	vand.u32 $0xFFFFFFF0, v38  }
0x24a: {  	v3 =	vor.u32 v3, v4  }
0x24b: {  	v4 =	vperm.xlane v3, v0;
	_ =	sdelay $0x1  }
0x24c: {  	v3 =	vperm.xlane v3, v2;
	v4 =	vadd.s32 v1, v4;
	_ =	sdelay $0x1  }
0x24d: {  	v3 =	vadd.s32 v1, v3;
	_ =	sdelay $0x2  }
0x24e: {  	[tilespmem:s30], [sflag:$0x2] =	stream.indirect_vreg.gather [hbm4b:s1+s3], $0x80, v4, vm0, $0xb8;
	[tilespmem:$0x18400] =	vst v63  }
0x24f: {  	_ = 	snop  }
0x250: {  	[tilespmem:s29], [sflag:$0x2] =	stream.indirect_vreg.gather [hbm4b:s1+s3], $0x80, v3, vm0, $0xb8;
	[tilespmem:$0x18400] =	vst v63  }
0x251: {  	v3 =	vld [tilespmem:$0x270];
	_ =	sdelay $0x4  }
0x252: {  	v39 =	vshll.u32 v3, $0x1  }
0x253: {  	v3 =	vand.u32 $0x7, v3;
	v4 =	vand.u32 $0xFFFFFFF0, v39  }
0x254: {  	v3 =	vor.u32 v3, v4  }
0x255: {  	v4 =	vperm.xlane v3, v0;
	_ =	sdelay $0x1  }
0x256: {  	v3 =	vperm.xlane v3, v2;
	v4 =	vadd.s32 v1, v4;
	_ =	sdelay $0x1  }
0x257: {  	v3 =	vadd.s32 v1, v3;
	_ =	sdelay $0x2  }
0x258: {  	[tilespmem:s7], [sflag:$0x2] =	stream.indirect_vreg.gather [hbm4b:s1+s3], $0x80, v4, vm0, $0xb8;
	[tilespmem:$0x18400] =	vst v63  }
0x259: {  	s22 =	simm.s32 $0x3  }
0x25a: {  	[tilespmem:s10], [sflag:$0x2] =	stream.indirect_vreg.gather [hbm4b:s1+s3], $0x80, v3, vm0, $0xb8;
	[tilespmem:$0x18400] =	vst v63  }
0x25b: {  	_ =	swait.ge [sflag:s22], $0x8000  }
0x25c: {  	[sflag:s22] =	ssyncset.done $0x0  }
0x25d: {  	s20 =	simm.s32 $0x10400;
	s4 =	rddreg [dreg:$0xd];
	[sflag:s22] =	ssyncadd.s32 $0xFFFF8000  }
0x25e: {  	[hbm4b:s4+s3] =	stream.linear.scatter [tilespmem:s20], [sflag:$0x6], $0x400, $0x38;
	[tilespmem:$0x18400] =	vst v63  }
0x25f: {  	s2 =	simm.s32 $0x10C00;
	s23 =	sadd.s32 $0x80, s4  }
0x260: {  	[hbm4b:s23+s3] =	stream.linear.scatter [tilespmem:s2], [sflag:$0x6], $0x400, $0x38;
	[tilespmem:$0x18400] =	vst v63  }
0x261: {  	s25 =	sadd.s32 $0x100, s4;
	s22 =	simm.s32 $0x11400  }
0x262: {  	[hbm4b:s25+s3] =	stream.linear.scatter [tilespmem:s22], [sflag:$0x6], $0x400, $0x38;
	[tilespmem:$0x18400] =	vst v63  }
0x263: {  	s21 =	simm.s32 $0x11C00;
	s26 =	sadd.s32 $0x180, s4  }
0x264: {  	[hbm4b:s26+s3] =	stream.linear.scatter [tilespmem:s21], [sflag:$0x6], $0x400, $0x38;
	[tilespmem:$0x18400] =	vst v63  }
0x265: {  	s28 =	sadd.s32 $0x200, s4;
	s26 =	simm.s32 $0x12400  }
0x266: {  	[hbm4b:s28+s3] =	stream.linear.scatter [tilespmem:s26], [sflag:$0x6], $0x400, $0x38;
	[tilespmem:$0x18400] =	vst v63  }
0x267: {  	s29 =	sadd.s32 $0x280, s4;
	s25 =	simm.s32 $0x12C00  }
0x268: {  	[hbm4b:s29+s3] =	stream.linear.scatter [tilespmem:s25], [sflag:$0x6], $0x400, $0x38;
	[tilespmem:$0x18400] =	vst v63  }
0x269: {  	s30 =	sadd.s32 $0x300, s4;
	s29 =	simm.s32 $0x13400  }
0x26a: {  	[hbm4b:s30+s3] =	stream.linear.scatter [tilespmem:s29], [sflag:$0x6], $0x400, $0x38;
	[tilespmem:$0x18400] =	vst v63  }
0x26b: {  	s31 =	sadd.s32 $0x380, s4;
	s28 =	simm.s32 $0x13C00  }
0x26c: {  	[hbm4b:s31+s3] =	stream.linear.scatter [tilespmem:s28], [sflag:$0x6], $0x400, $0x38;
	[tilespmem:$0x18400] =	vst v63  }
0x26d: {  	s5 =	sadd.s32 $0x400, s4;
	s31 =	simm.s32 $0x14400  }
0x26e: {  	[hbm4b:s5+s3] =	stream.linear.scatter [tilespmem:s31], [sflag:$0x6], $0x400, $0x38;
	[tilespmem:$0x18400] =	vst v63  }
0x26f: {  	s6 =	sadd.s32 $0x480, s4;
	s30 =	simm.s32 $0x14C00  }
0x270: {  	[hbm4b:s6+s3] =	stream.linear.scatter [tilespmem:s30], [sflag:$0x6], $0x400, $0x38;
	[tilespmem:$0x18400] =	vst v63  }
0x271: {  	s8 =	simm.s32 $0x15400;
	s7 =	sadd.s32 $0x500, s4  }
0x272: {  	[hbm4b:s7+s3] =	stream.linear.scatter [tilespmem:s8], [sflag:$0x6], $0x400, $0x38;
	[tilespmem:$0x18400] =	vst v63  }
0x273: {  	s10 =	simm.s32 $0x15C00;
	s9 =	sadd.s32 $0x580, s4  }
0x274: {  	[hbm4b:s9+s3] =	stream.linear.scatter [tilespmem:s10], [sflag:$0x6], $0x400, $0x38;
	[tilespmem:$0x18400] =	vst v63  }
0x275: {  	s23 =	sadd.s32 $0x600, s4;
	s5 =	simm.s32 $0x16400  }
0x276: {  	[hbm4b:s23+s3] =	stream.linear.scatter [tilespmem:s5], [sflag:$0x6], $0x400, $0x38;
	[tilespmem:$0x18400] =	vst v63  }
0x277: {  	s6 =	sadd.s32 $0x680, s4;
	s7 =	simm.s32 $0x16C00  }
0x278: {  	[hbm4b:s6+s3] =	stream.linear.scatter [tilespmem:s7], [sflag:$0x6], $0x400, $0x38;
	[tilespmem:$0x18400] =	vst v63  }
0x279: {  	s8 =	sadd.s32 $0x700, s4;
	s9 =	simm.s32 $0x17400  }
0x27a: {  	[hbm4b:s8+s3] =	stream.linear.scatter [tilespmem:s9], [sflag:$0x6], $0x400, $0x38;
	[tilespmem:$0x18400] =	vst v63  }
0x27b: {  	s10 =	sadd.s32 $0x780, s4;
	s23 =	simm.s32 $0x17C00  }
0x27c: {  	[hbm4b:s10+s3] =	stream.linear.scatter [tilespmem:s23], [sflag:$0x6], $0x400, $0x38;
	[tilespmem:$0x18400] =	vst v63  }
0x27d: {  	s24 =	simm.s32 $0x10800;
	s4 =	rddreg [dreg:$0xe]  }
0x27e: {  	[hbm4b:s4+s3] =	stream.linear.scatter [tilespmem:s24], [sflag:$0x6], $0x400, $0x38;
	[tilespmem:$0x18400] =	vst v63  }
0x27f: {  	s5 =	sadd.s32 $0x80, s4;
	s6 =	simm.s32 $0x11000  }
0x280: {  	[hbm4b:s5+s3] =	stream.linear.scatter [tilespmem:s6], [sflag:$0x6], $0x400, $0x38;
	[tilespmem:$0x18400] =	vst v63  }
0x281: {  	s7 =	sadd.s32 $0x100, s4;
	s8 =	simm.s32 $0x11800  }
0x282: {  	[hbm4b:s7+s3] =	stream.linear.scatter [tilespmem:s8], [sflag:$0x6], $0x400, $0x38;
	[tilespmem:$0x18400] =	vst v63  }
0x283: {  	s9 =	sadd.s32 $0x180, s4;
	s10 =	simm.s32 $0x12000  }
0x284: {  	[hbm4b:s9+s3] =	stream.linear.scatter [tilespmem:s10], [sflag:$0x6], $0x400, $0x38;
	[tilespmem:$0x18400] =	vst v63  }
0x285: {  	s5 =	sadd.s32 $0x200, s4;
	s6 =	simm.s32 $0x12800  }
0x286: {  	[hbm4b:s5+s3] =	stream.linear.scatter [tilespmem:s6], [sflag:$0x6], $0x400, $0x38;
	[tilespmem:$0x18400] =	vst v63  }
0x287: {  	s7 =	sadd.s32 $0x280, s4;
	s8 =	simm.s32 $0x13000  }
0x288: {  	[hbm4b:s7+s3] =	stream.linear.scatter [tilespmem:s8], [sflag:$0x6], $0x400, $0x38;
	[tilespmem:$0x18400] =	vst v63  }
0x289: {  	s9 =	sadd.s32 $0x300, s4;
	s10 =	simm.s32 $0x13800  }
0x28a: {  	[hbm4b:s9+s3] =	stream.linear.scatter [tilespmem:s10], [sflag:$0x6], $0x400, $0x38;
	[tilespmem:$0x18400] =	vst v63  }
0x28b: {  	s5 =	sadd.s32 $0x380, s4;
	s6 =	simm.s32 $0x14000  }
0x28c: {  	[hbm4b:s5+s3] =	stream.linear.scatter [tilespmem:s6], [sflag:$0x6], $0x400, $0x38;
	[tilespmem:$0x18400] =	vst v63  }
0x28d: {  	s7 =	sadd.s32 $0x400, s4;
	s8 =	simm.s32 $0x14800  }
0x28e: {  	[hbm4b:s7+s3] =	stream.linear.scatter [tilespmem:s8], [sflag:$0x6], $0x400, $0x38;
	[tilespmem:$0x18400] =	vst v63  }
0x28f: {  	s9 =	sadd.s32 $0x480, s4;
	s10 =	simm.s32 $0x15000  }
0x290: {  	[hbm4b:s9+s3] =	stream.linear.scatter [tilespmem:s10], [sflag:$0x6], $0x400, $0x38;
	[tilespmem:$0x18400] =	vst v63  }
0x291: {  	s5 =	sadd.s32 $0x500, s4;
	s6 =	simm.s32 $0x15800  }
0x292: {  	[hbm4b:s5+s3] =	stream.linear.scatter [tilespmem:s6], [sflag:$0x6], $0x400, $0x38;
	[tilespmem:$0x18400] =	vst v63  }
0x293: {  	s7 =	sadd.s32 $0x580, s4;
	s8 =	simm.s32 $0x16000  }
0x294: {  	[hbm4b:s7+s3] =	stream.linear.scatter [tilespmem:s8], [sflag:$0x6], $0x400, $0x38;
	[tilespmem:$0x18400] =	vst v63  }
0x295: {  	s9 =	sadd.s32 $0x600, s4;
	s10 =	simm.s32 $0x16800  }
0x296: {  	[hbm4b:s9+s3] =	stream.linear.scatter [tilespmem:s10], [sflag:$0x6], $0x400, $0x38;
	[tilespmem:$0x18400] =	vst v63  }
0x297: {  	s5 =	sadd.s32 $0x680, s4;
	s6 =	simm.s32 $0x17000  }
0x298: {  	[hbm4b:s5+s3] =	stream.linear.scatter [tilespmem:s6], [sflag:$0x6], $0x400, $0x38;
	[tilespmem:$0x18400] =	vst v63  }
0x299: {  	s7 =	sadd.s32 $0x700, s4;
	s8 =	simm.s32 $0x17800  }
0x29a: {  	[hbm4b:s7+s3] =	stream.linear.scatter [tilespmem:s8], [sflag:$0x6], $0x400, $0x38;
	[tilespmem:$0x18400] =	vst v63  }
0x29b: {  	s24 =	simm.s32 $0x6;
	s9 =	sadd.s32 $0x780, s4;
	s10 =	simm.s32 $0x18000  }
0x29c: {  	[hbm4b:s9+s3] =	stream.linear.scatter [tilespmem:s10], [sflag:$0x6], $0x400, $0x38;
	[tilespmem:$0x18400] =	vst v63  }
0x29d: {  	_ =	swait.ge [sflag:s24], $0x4000  }
0x29e: {  	[sflag:s24] =	ssyncset.done $0x0  }
0x29f: {  	[sflag:s24] =	ssyncadd.s32 $0xFFFFC000  }
0x2a0: {  	_ =	swait.ge [sflag:s24], $0x4000  }
0x2a1: {  	[sflag:s24] =	ssyncset.done $0x0  }
0x2a2: {  	[sflag:s24] =	ssyncadd.s32 $0xFFFFC000  }
0x2a3: {  	v3 =	vld [tilespmem:$0x280];
	_ =	sdelay $0x4  }
0x2a4: {  	v40 =	vshll.u32 v3, $0x1  }
0x2a5: {  	v3 =	vand.u32 $0x7, v3;
	v4 =	vand.u32 $0xFFFFFFF0, v40  }
0x2a6: {  	v3 =	vor.u32 v3, v4  }
0x2a7: {  	v4 =	vperm.xlane v3, v0;
	_ =	sdelay $0x1  }
0x2a8: {  	v3 =	vperm.xlane v3, v2;
	v4 =	vadd.s32 v1, v4;
	_ =	sdelay $0x1  }
0x2a9: {  	v3 =	vadd.s32 v1, v3;
	_ =	sdelay $0x2  }
0x2aa: {  	[tilespmem:s20], [sflag:$0x3] =	stream.indirect_vreg.gather [hbm4b:s1+s3], $0x80, v4, vm0, $0xb8;
	[tilespmem:$0x18400] =	vst v63  }
0x2ab: {  	_ = 	snop  }
0x2ac: {  	[tilespmem:s2], [sflag:$0x3] =	stream.indirect_vreg.gather [hbm4b:s1+s3], $0x80, v3, vm0, $0xb8;
	[tilespmem:$0x18400] =	vst v63  }
0x2ad: {  	v3 =	vld [tilespmem:$0x290];
	_ =	sdelay $0x4  }
0x2ae: {  	v41 =	vshll.u32 v3, $0x1  }
0x2af: {  	v3 =	vand.u32 $0x7, v3;
	v4 =	vand.u32 $0xFFFFFFF0, v41  }
0x2b0: {  	v3 =	vor.u32 v3, v4  }
0x2b1: {  	v4 =	vperm.xlane v3, v0;
	_ =	sdelay $0x1  }
0x2b2: {  	v3 =	vperm.xlane v3, v2;
	v4 =	vadd.s32 v1, v4;
	_ =	sdelay $0x1  }
0x2b3: {  	v3 =	vadd.s32 v1, v3;
	_ =	sdelay $0x2  }
0x2b4: {  	[tilespmem:s22], [sflag:$0x3] =	stream.indirect_vreg.gather [hbm4b:s1+s3], $0x80, v4, vm0, $0xb8;
	[tilespmem:$0x18400] =	vst v63  }
0x2b5: {  	_ = 	snop  }
0x2b6: {  	[tilespmem:s21], [sflag:$0x3] =	stream.indirect_vreg.gather [hbm4b:s1+s3], $0x80, v3, vm0, $0xb8;
	[tilespmem:$0x18400] =	vst v63  }
0x2b7: {  	v3 =	vld [tilespmem:$0x2A0];
	_ =	sdelay $0x4  }
0x2b8: {  	v42 =	vshll.u32 v3, $0x1  }
0x2b9: {  	v3 =	vand.u32 $0x7, v3;
	v4 =	vand.u32 $0xFFFFFFF0, v42  }
0x2ba: {  	v3 =	vor.u32 v3, v4  }
0x2bb: {  	v4 =	vperm.xlane v3, v0;
	_ =	sdelay $0x1  }
0x2bc: {  	v3 =	vperm.xlane v3, v2;
	v4 =	vadd.s32 v1, v4;
	_ =	sdelay $0x1  }
0x2bd: {  	v3 =	vadd.s32 v1, v3;
	_ =	sdelay $0x2  }
0x2be: {  	[tilespmem:s26], [sflag:$0x3] =	stream.indirect_vreg.gather [hbm4b:s1+s3], $0x80, v4, vm0, $0xb8;
	[tilespmem:$0x18400] =	vst v63  }
0x2bf: {  	_ = 	snop  }
0x2c0: {  	[tilespmem:s25], [sflag:$0x3] =	stream.indirect_vreg.gather [hbm4b:s1+s3], $0x80, v3, vm0, $0xb8;
	[tilespmem:$0x18400] =	vst v63  }
0x2c1: {  	v3 =	vld [tilespmem:$0x2B0];
	_ =	sdelay $0x4  }
0x2c2: {  	v43 =	vshll.u32 v3, $0x1  }
0x2c3: {  	v3 =	vand.u32 $0x7, v3;
	v4 =	vand.u32 $0xFFFFFFF0, v43  }
0x2c4: {  	v3 =	vor.u32 v3, v4  }
0x2c5: {  	v4 =	vperm.xlane v3, v0;
	_ =	sdelay $0x1  }
0x2c6: {  	v3 =	vperm.xlane v3, v2;
	v4 =	vadd.s32 v1, v4;
	_ =	sdelay $0x1  }
0x2c7: {  	v3 =	vadd.s32 v1, v3;
	_ =	sdelay $0x2  }
0x2c8: {  	[tilespmem:s29], [sflag:$0x3] =	stream.indirect_vreg.gather [hbm4b:s1+s3], $0x80, v4, vm0, $0xb8;
	[tilespmem:$0x18400] =	vst v63  }
0x2c9: {  	_ = 	snop  }
0x2ca: {  	[tilespmem:s28], [sflag:$0x3] =	stream.indirect_vreg.gather [hbm4b:s1+s3], $0x80, v3, vm0, $0xb8;
	[tilespmem:$0x18400] =	vst v63  }
0x2cb: {  	v3 =	vld [tilespmem:$0x2C0];
	_ =	sdelay $0x4  }
0x2cc: {  	v44 =	vshll.u32 v3, $0x1  }
0x2cd: {  	v3 =	vand.u32 $0x7, v3;
	v4 =	vand.u32 $0xFFFFFFF0, v44  }
0x2ce: {  	v3 =	vor.u32 v3, v4  }
0x2cf: {  	v4 =	vperm.xlane v3, v0;
	_ =	sdelay $0x1  }
0x2d0: {  	v3 =	vperm.xlane v3, v2;
	v4 =	vadd.s32 v1, v4;
	_ =	sdelay $0x1  }
0x2d1: {  	v3 =	vadd.s32 v1, v3;
	_ =	sdelay $0x2  }
0x2d2: {  	[tilespmem:s31], [sflag:$0x3] =	stream.indirect_vreg.gather [hbm4b:s1+s3], $0x80, v4, vm0, $0xb8;
	[tilespmem:$0x18400] =	vst v63  }
0x2d3: {  	_ = 	snop  }
0x2d4: {  	[tilespmem:s30], [sflag:$0x3] =	stream.indirect_vreg.gather [hbm4b:s1+s3], $0x80, v3, vm0, $0xb8;
	[tilespmem:$0x18400] =	vst v63  }
0x2d5: {  	v3 =	vld [tilespmem:$0x2D0];
	_ =	sdelay $0x4  }
0x2d6: {  	v45 =	vshll.u32 v3, $0x1  }
0x2d7: {  	v3 =	vand.u32 $0x7, v3;
	v4 =	vand.u32 $0xFFFFFFF0, v45  }
0x2d8: {  	v3 =	vor.u32 v3, v4  }
0x2d9: {  	v4 =	vperm.xlane v3, v0;
	_ =	sdelay $0x1  }
0x2da: {  	v3 =	vperm.xlane v3, v2;
	v4 =	vadd.s32 v1, v4;
	_ =	sdelay $0x1  }
0x2db: {  	v3 =	vadd.s32 v1, v3;
	_ =	sdelay $0x1  }
0x2dc: {  	s25 =	simm.s32 $0x15400  }
0x2dd: {  	[tilespmem:s25], [sflag:$0x3] =	stream.indirect_vreg.gather [hbm4b:s1+s3], $0x80, v4, vm0, $0xb8;
	[tilespmem:$0x18400] =	vst v63  }
0x2de: {  	s26 =	simm.s32 $0x15C00  }
0x2df: {  	[tilespmem:s26], [sflag:$0x3] =	stream.indirect_vreg.gather [hbm4b:s1+s3], $0x80, v3, vm0, $0xb8;
	[tilespmem:$0x18400] =	vst v63  }
0x2e0: {  	v3 =	vld [tilespmem:$0x2E0];
	_ =	sdelay $0x4  }
0x2e1: {  	v46 =	vshll.u32 v3, $0x1  }
0x2e2: {  	v3 =	vand.u32 $0x7, v3;
	v4 =	vand.u32 $0xFFFFFFF0, v46  }
0x2e3: {  	v3 =	vor.u32 v3, v4  }
0x2e4: {  	v4 =	vperm.xlane v3, v0;
	_ =	sdelay $0x1  }
0x2e5: {  	v3 =	vperm.xlane v3, v2;
	v4 =	vadd.s32 v1, v4;
	_ =	sdelay $0x1  }
0x2e6: {  	v3 =	vadd.s32 v1, v3;
	_ =	sdelay $0x1  }
0x2e7: {  	s28 =	simm.s32 $0x16400  }
0x2e8: {  	[tilespmem:s28], [sflag:$0x3] =	stream.indirect_vreg.gather [hbm4b:s1+s3], $0x80, v4, vm0, $0xb8;
	[tilespmem:$0x18400] =	vst v63  }
0x2e9: {  	s29 =	simm.s32 $0x16C00  }
0x2ea: {  	[tilespmem:s29], [sflag:$0x3] =	stream.indirect_vreg.gather [hbm4b:s1+s3], $0x80, v3, vm0, $0xb8;
	[tilespmem:$0x18400] =	vst v63  }
0x2eb: {  	v3 =	vld [tilespmem:$0x2F0];
	_ =	sdelay $0x4  }
0x2ec: {  	v47 =	vshll.u32 v3, $0x1  }
0x2ed: {  	v3 =	vand.u32 $0x7, v3;
	v4 =	vand.u32 $0xFFFFFFF0, v47  }
0x2ee: {  	v3 =	vor.u32 v3, v4  }
0x2ef: {  	v4 =	vperm.xlane v3, v0;
	_ =	sdelay $0x1  }
0x2f0: {  	v3 =	vperm.xlane v3, v2;
	v4 =	vadd.s32 v1, v4;
	_ =	sdelay $0x1  }
0x2f1: {  	v3 =	vadd.s32 v1, v3;
	_ =	sdelay $0x1  }
0x2f2: {  	s30 =	simm.s32 $0x17400  }
0x2f3: {  	[tilespmem:s30], [sflag:$0x3] =	stream.indirect_vreg.gather [hbm4b:s1+s3], $0x80, v4, vm0, $0xb8;
	[tilespmem:$0x18400] =	vst v63  }
0x2f4: {  	s31 =	simm.s32 $0x1  }
0x2f5: {  	[tilespmem:s23], [sflag:$0x3] =	stream.indirect_vreg.gather [hbm4b:s1+s3], $0x80, v3, vm0, $0xb8;
	[tilespmem:$0x18400] =	vst v63  }
0x2f6: {  	_ =	swait.ge [sflag:s31], $0x8000  }
0x2f7: {  	[sflag:s31] =	ssyncset.done $0x0  }
0x2f8: {  	s23 =	simm.s32 $0x400;
	s8 =	rddreg [dreg:$0xf];
	[sflag:s31] =	ssyncadd.s32 $0xFFFF8000  }
0x2f9: {  	[hbm4b:s8+s3] =	stream.linear.scatter [tilespmem:s23], [sflag:$0x4], $0x400, $0x38;
	[tilespmem:$0x18400] =	vst v63  }
0x2fa: {  	s30 =	simm.s32 $0xC00;
	s4 =	sadd.s32 $0x80, s8  }
0x2fb: {  	[hbm4b:s4+s3] =	stream.linear.scatter [tilespmem:s30], [sflag:$0x4], $0x400, $0x38;
	[tilespmem:$0x18400] =	vst v63  }
0x2fc: {  	s5 =	sadd.s32 $0x100, s8;
	s4 =	simm.s32 $0x1400  }
0x2fd: {  	[hbm4b:s5+s3] =	stream.linear.scatter [tilespmem:s4], [sflag:$0x4], $0x400, $0x38;
	[tilespmem:$0x18400] =	vst v63  }
0x2fe: {  	s29 =	simm.s32 $0x1C00;
	s6 =	sadd.s32 $0x180, s8  }
0x2ff: {  	[hbm4b:s6+s3] =	stream.linear.scatter [tilespmem:s29], [sflag:$0x4], $0x400, $0x38;
	[tilespmem:$0x18400] =	vst v63  }
0x300: {  	s7 =	sadd.s32 $0x200, s8;
	s5 =	simm.s32 $0x2400  }
0x301: {  	[hbm4b:s7+s3] =	stream.linear.scatter [tilespmem:s5], [sflag:$0x4], $0x400, $0x38;
	[tilespmem:$0x18400] =	vst v63  }
0x302: {  	s22 =	simm.s32 $0x2C00;
	s9 =	sadd.s32 $0x280, s8  }
0x303: {  	[hbm4b:s9+s3] =	stream.linear.scatter [tilespmem:s22], [sflag:$0x4], $0x400, $0x38;
	[tilespmem:$0x18400] =	vst v63  }
0x304: {  	s10 =	sadd.s32 $0x300, s8;
	s6 =	simm.s32 $0x3400  }
0x305: {  	[hbm4b:s10+s3] =	stream.linear.scatter [tilespmem:s6], [sflag:$0x4], $0x400, $0x38;
	[tilespmem:$0x18400] =	vst v63  }
0x306: {  	s25 =	simm.s32 $0x3C00;
	s20 =	sadd.s32 $0x380, s8  }
0x307: {  	[hbm4b:s20+s3] =	stream.linear.scatter [tilespmem:s25], [sflag:$0x4], $0x400, $0x38;
	[tilespmem:$0x18400] =	vst v63  }
0x308: {  	s21 =	sadd.s32 $0x400, s8;
	s7 =	simm.s32 $0x4400  }
0x309: {  	[hbm4b:s21+s3] =	stream.linear.scatter [tilespmem:s7], [sflag:$0x4], $0x400, $0x38;
	[tilespmem:$0x18400] =	vst v63  }
0x30a: {  	s2 =	simm.s32 $0x4C00;
	s26 =	sadd.s32 $0x480, s8  }
0x30b: {  	[hbm4b:s26+s3] =	stream.linear.scatter [tilespmem:s2], [sflag:$0x4], $0x400, $0x38;
	[tilespmem:$0x18400] =	vst v63  }
0x30c: {  	s28 =	sadd.s32 $0x500, s8;
	s21 =	simm.s32 $0x5400  }
0x30d: {  	[hbm4b:s28+s3] =	stream.linear.scatter [tilespmem:s21], [sflag:$0x4], $0x400, $0x38;
	[tilespmem:$0x18400] =	vst v63  }
0x30e: {  	s31 =	sadd.s32 $0x580, s8;
	s20 =	simm.s32 $0x5C00  }
0x30f: {  	[hbm4b:s31+s3] =	stream.linear.scatter [tilespmem:s20], [sflag:$0x4], $0x400, $0x38;
	[tilespmem:$0x18400] =	vst v63  }
0x310: {  	s9 =	sadd.s32 $0x600, s8;
	s28 =	simm.s32 $0x6400  }
0x311: {  	[hbm4b:s9+s3] =	stream.linear.scatter [tilespmem:s28], [sflag:$0x4], $0x400, $0x38;
	[tilespmem:$0x18400] =	vst v63  }
0x312: {  	s10 =	sadd.s32 $0x680, s8;
	s26 =	simm.s32 $0x6C00  }
0x313: {  	[hbm4b:s10+s3] =	stream.linear.scatter [tilespmem:s26], [sflag:$0x4], $0x400, $0x38;
	[tilespmem:$0x18400] =	vst v63  }
0x314: {  	s31 =	sadd.s32 $0x700, s8;
	s9 =	simm.s32 $0x7400  }
0x315: {  	[hbm4b:s31+s3] =	stream.linear.scatter [tilespmem:s9], [sflag:$0x4], $0x400, $0x38;
	[tilespmem:$0x18400] =	vst v63  }
0x316: {  	s10 =	sadd.s32 $0x780, s8;
	s8 =	simm.s32 $0x7C00  }
0x317: {  	[hbm4b:s10+s3] =	stream.linear.scatter [tilespmem:s8], [sflag:$0x4], $0x400, $0x38;
	[tilespmem:$0x18400] =	vst v63  }
0x318: {  	s31 =	simm.s32 $0x800  }
0x319: {  	[hbm4b:s11+s3] =	stream.linear.scatter [tilespmem:s31], [sflag:$0x4], $0x400, $0x38;
	[tilespmem:$0x18400] =	vst v63  }
0x31a: {  	s24 =	sadd.s32 $0x80, s11;
	s10 =	simm.s32 $0x1000  }
0x31b: {  	[hbm4b:s24+s3] =	stream.linear.scatter [tilespmem:s10], [sflag:$0x4], $0x400, $0x38;
	[tilespmem:$0x18400] =	vst v63  }
0x31c: {  	s24 =	sadd.s32 $0x100, s11;
	s10 =	simm.s32 $0x1800  }
0x31d: {  	[hbm4b:s24+s3] =	stream.linear.scatter [tilespmem:s10], [sflag:$0x4], $0x400, $0x38;
	[tilespmem:$0x18400] =	vst v63  }
0x31e: {  	s24 =	sadd.s32 $0x180, s11;
	s10 =	simm.s32 $0x2000  }
0x31f: {  	[hbm4b:s24+s3] =	stream.linear.scatter [tilespmem:s10], [sflag:$0x4], $0x400, $0x38;
	[tilespmem:$0x18400] =	vst v63  }
0x320: {  	s24 =	sadd.s32 $0x200, s11;
	s10 =	simm.s32 $0x2800  }
0x321: {  	[hbm4b:s24+s3] =	stream.linear.scatter [tilespmem:s10], [sflag:$0x4], $0x400, $0x38;
	[tilespmem:$0x18400] =	vst v63  }
0x322: {  	s24 =	sadd.s32 $0x280, s11;
	s10 =	simm.s32 $0x3000  }
0x323: {  	[hbm4b:s24+s3] =	stream.linear.scatter [tilespmem:s10], [sflag:$0x4], $0x400, $0x38;
	[tilespmem:$0x18400] =	vst v63  }
0x324: {  	s24 =	sadd.s32 $0x300, s11;
	s10 =	simm.s32 $0x3800  }
0x325: {  	[hbm4b:s24+s3] =	stream.linear.scatter [tilespmem:s10], [sflag:$0x4], $0x400, $0x38;
	[tilespmem:$0x18400] =	vst v63  }
0x326: {  	s24 =	sadd.s32 $0x380, s11;
	s10 =	simm.s32 $0x4000  }
0x327: {  	[hbm4b:s24+s3] =	stream.linear.scatter [tilespmem:s10], [sflag:$0x4], $0x400, $0x38;
	[tilespmem:$0x18400] =	vst v63  }
0x328: {  	s24 =	sadd.s32 $0x400, s11;
	s10 =	simm.s32 $0x4800  }
0x329: {  	[hbm4b:s24+s3] =	stream.linear.scatter [tilespmem:s10], [sflag:$0x4], $0x400, $0x38;
	[tilespmem:$0x18400] =	vst v63  }
0x32a: {  	s24 =	sadd.s32 $0x480, s11;
	s10 =	simm.s32 $0x5000  }
0x32b: {  	[hbm4b:s24+s3] =	stream.linear.scatter [tilespmem:s10], [sflag:$0x4], $0x400, $0x38;
	[tilespmem:$0x18400] =	vst v63  }
0x32c: {  	s24 =	sadd.s32 $0x500, s11;
	s10 =	simm.s32 $0x5800  }
0x32d: {  	[hbm4b:s24+s3] =	stream.linear.scatter [tilespmem:s10], [sflag:$0x4], $0x400, $0x38;
	[tilespmem:$0x18400] =	vst v63  }
0x32e: {  	s24 =	sadd.s32 $0x580, s11;
	s10 =	simm.s32 $0x6000  }
0x32f: {  	[hbm4b:s24+s3] =	stream.linear.scatter [tilespmem:s10], [sflag:$0x4], $0x400, $0x38;
	[tilespmem:$0x18400] =	vst v63  }
0x330: {  	s24 =	sadd.s32 $0x600, s11;
	s10 =	simm.s32 $0x6800  }
0x331: {  	[hbm4b:s24+s3] =	stream.linear.scatter [tilespmem:s10], [sflag:$0x4], $0x400, $0x38;
	[tilespmem:$0x18400] =	vst v63  }
0x332: {  	s24 =	sadd.s32 $0x680, s11;
	s10 =	simm.s32 $0x7000  }
0x333: {  	[hbm4b:s24+s3] =	stream.linear.scatter [tilespmem:s10], [sflag:$0x4], $0x400, $0x38;
	[tilespmem:$0x18400] =	vst v63  }
0x334: {  	s24 =	sadd.s32 $0x700, s11;
	s10 =	simm.s32 $0x7800  }
0x335: {  	[hbm4b:s24+s3] =	stream.linear.scatter [tilespmem:s10], [sflag:$0x4], $0x400, $0x38;
	[tilespmem:$0x18400] =	vst v63  }
0x336: {  	s31 =	simm.s32 $0x4;
	s24 =	sadd.s32 $0x780, s11;
	s10 =	simm.s32 $0x8000  }
0x337: {  	[hbm4b:s24+s3] =	stream.linear.scatter [tilespmem:s10], [sflag:$0x4], $0x400, $0x38;
	[tilespmem:$0x18400] =	vst v63  }
0x338: {  	_ =	swait.ge [sflag:s31], $0x4000  }
0x339: {  	[sflag:s31] =	ssyncset.done $0x0  }
0x33a: {  	[sflag:s31] =	ssyncadd.s32 $0xFFFFC000  }
0x33b: {  	_ =	swait.ge [sflag:s31], $0x4000  }
0x33c: {  	[sflag:s31] =	ssyncset.done $0x0  }
0x33d: {  	[sflag:s31] =	ssyncadd.s32 $0xFFFFC000  }
0x33e: {  	v3 =	vld [tilespmem:$0x300];
	_ =	sdelay $0x4  }
0x33f: {  	v48 =	vshll.u32 v3, $0x1  }
0x340: {  	v3 =	vand.u32 $0x7, v3;
	v4 =	vand.u32 $0xFFFFFFF0, v48  }
0x341: {  	v3 =	vor.u32 v3, v4  }
0x342: {  	v4 =	vperm.xlane v3, v0;
	_ =	sdelay $0x1  }
0x343: {  	v3 =	vperm.xlane v3, v2;
	v4 =	vadd.s32 v1, v4;
	_ =	sdelay $0x1  }
0x344: {  	v3 =	vadd.s32 v1, v3;
	_ =	sdelay $0x2  }
0x345: {  	[tilespmem:s23], [sflag:$0x1] =	stream.indirect_vreg.gather [hbm4b:s1+s3], $0x80, v4, vm0, $0xb8;
	[tilespmem:$0x18400] =	vst v63  }
0x346: {  	_ = 	snop  }
0x347: {  	[tilespmem:s30], [sflag:$0x1] =	stream.indirect_vreg.gather [hbm4b:s1+s3], $0x80, v3, vm0, $0xb8;
	[tilespmem:$0x18400] =	vst v63  }
0x348: {  	v3 =	vld [tilespmem:$0x310];
	_ =	sdelay $0x4  }
0x349: {  	v49 =	vshll.u32 v3, $0x1  }
0x34a: {  	v3 =	vand.u32 $0x7, v3;
	v4 =	vand.u32 $0xFFFFFFF0, v49  }
0x34b: {  	v3 =	vor.u32 v3, v4  }
0x34c: {  	v4 =	vperm.xlane v3, v0;
	_ =	sdelay $0x1  }
0x34d: {  	v3 =	vperm.xlane v3, v2;
	v4 =	vadd.s32 v1, v4;
	_ =	sdelay $0x1  }
0x34e: {  	v3 =	vadd.s32 v1, v3;
	_ =	sdelay $0x2  }
0x34f: {  	[tilespmem:s4], [sflag:$0x1] =	stream.indirect_vreg.gather [hbm4b:s1+s3], $0x80, v4, vm0, $0xb8;
	[tilespmem:$0x18400] =	vst v63  }
0x350: {  	_ = 	snop  }
0x351: {  	[tilespmem:s29], [sflag:$0x1] =	stream.indirect_vreg.gather [hbm4b:s1+s3], $0x80, v3, vm0, $0xb8;
	[tilespmem:$0x18400] =	vst v63  }
0x352: {  	v3 =	vld [tilespmem:$0x320];
	_ =	sdelay $0x4  }
0x353: {  	v50 =	vshll.u32 v3, $0x1  }
0x354: {  	v3 =	vand.u32 $0x7, v3;
	v4 =	vand.u32 $0xFFFFFFF0, v50  }
0x355: {  	v3 =	vor.u32 v3, v4  }
0x356: {  	v4 =	vperm.xlane v3, v0;
	_ =	sdelay $0x1  }
0x357: {  	v3 =	vperm.xlane v3, v2;
	v4 =	vadd.s32 v1, v4;
	_ =	sdelay $0x1  }
0x358: {  	v3 =	vadd.s32 v1, v3;
	_ =	sdelay $0x2  }
0x359: {  	[tilespmem:s5], [sflag:$0x1] =	stream.indirect_vreg.gather [hbm4b:s1+s3], $0x80, v4, vm0, $0xb8;
	[tilespmem:$0x18400] =	vst v63  }
0x35a: {  	_ = 	snop  }
0x35b: {  	[tilespmem:s22], [sflag:$0x1] =	stream.indirect_vreg.gather [hbm4b:s1+s3], $0x80, v3, vm0, $0xb8;
	[tilespmem:$0x18400] =	vst v63  }
0x35c: {  	v3 =	vld [tilespmem:$0x330];
	_ =	sdelay $0x4  }
0x35d: {  	v51 =	vshll.u32 v3, $0x1  }
0x35e: {  	v3 =	vand.u32 $0x7, v3;
	v4 =	vand.u32 $0xFFFFFFF0, v51  }
0x35f: {  	v3 =	vor.u32 v3, v4  }
0x360: {  	v4 =	vperm.xlane v3, v0;
	_ =	sdelay $0x1  }
0x361: {  	v3 =	vperm.xlane v3, v2;
	v4 =	vadd.s32 v1, v4;
	_ =	sdelay $0x1  }
0x362: {  	v3 =	vadd.s32 v1, v3;
	_ =	sdelay $0x2  }
0x363: {  	[tilespmem:s6], [sflag:$0x1] =	stream.indirect_vreg.gather [hbm4b:s1+s3], $0x80, v4, vm0, $0xb8;
	[tilespmem:$0x18400] =	vst v63  }
0x364: {  	_ = 	snop  }
0x365: {  	[tilespmem:s25], [sflag:$0x1] =	stream.indirect_vreg.gather [hbm4b:s1+s3], $0x80, v3, vm0, $0xb8;
	[tilespmem:$0x18400] =	vst v63  }
0x366: {  	v3 =	vld [tilespmem:$0x340];
	_ =	sdelay $0x4  }
0x367: {  	v52 =	vshll.u32 v3, $0x1  }
0x368: {  	v3 =	vand.u32 $0x7, v3;
	v4 =	vand.u32 $0xFFFFFFF0, v52  }
0x369: {  	v3 =	vor.u32 v3, v4  }
0x36a: {  	v4 =	vperm.xlane v3, v0;
	_ =	sdelay $0x1  }
0x36b: {  	v3 =	vperm.xlane v3, v2;
	v4 =	vadd.s32 v1, v4;
	_ =	sdelay $0x1  }
0x36c: {  	v3 =	vadd.s32 v1, v3;
	_ =	sdelay $0x2  }
0x36d: {  	[tilespmem:s7], [sflag:$0x1] =	stream.indirect_vreg.gather [hbm4b:s1+s3], $0x80, v4, vm0, $0xb8;
	[tilespmem:$0x18400] =	vst v63  }
0x36e: {  	_ = 	snop  }
0x36f: {  	[tilespmem:s2], [sflag:$0x1] =	stream.indirect_vreg.gather [hbm4b:s1+s3], $0x80, v3, vm0, $0xb8;
	[tilespmem:$0x18400] =	vst v63  }
0x370: {  	v3 =	vld [tilespmem:$0x350];
	_ =	sdelay $0x4  }
0x371: {  	v53 =	vshll.u32 v3, $0x1  }
0x372: {  	v3 =	vand.u32 $0x7, v3;
	v4 =	vand.u32 $0xFFFFFFF0, v53  }
0x373: {  	v3 =	vor.u32 v3, v4  }
0x374: {  	v4 =	vperm.xlane v3, v0;
	_ =	sdelay $0x1  }
0x375: {  	v3 =	vperm.xlane v3, v2;
	v4 =	vadd.s32 v1, v4;
	_ =	sdelay $0x1  }
0x376: {  	v3 =	vadd.s32 v1, v3;
	_ =	sdelay $0x2  }
0x377: {  	[tilespmem:s21], [sflag:$0x1] =	stream.indirect_vreg.gather [hbm4b:s1+s3], $0x80, v4, vm0, $0xb8;
	[tilespmem:$0x18400] =	vst v63  }
0x378: {  	_ = 	snop  }
0x379: {  	[tilespmem:s20], [sflag:$0x1] =	stream.indirect_vreg.gather [hbm4b:s1+s3], $0x80, v3, vm0, $0xb8;
	[tilespmem:$0x18400] =	vst v63  }
0x37a: {  	v3 =	vld [tilespmem:$0x360];
	_ =	sdelay $0x4  }
0x37b: {  	v54 =	vshll.u32 v3, $0x1  }
0x37c: {  	v3 =	vand.u32 $0x7, v3;
	v4 =	vand.u32 $0xFFFFFFF0, v54  }
0x37d: {  	v3 =	vor.u32 v3, v4  }
0x37e: {  	v4 =	vperm.xlane v3, v0;
	_ =	sdelay $0x1  }
0x37f: {  	v3 =	vperm.xlane v3, v2;
	v4 =	vadd.s32 v1, v4;
	_ =	sdelay $0x1  }
0x380: {  	v3 =	vadd.s32 v1, v3;
	_ =	sdelay $0x2  }
0x381: {  	[tilespmem:s28], [sflag:$0x1] =	stream.indirect_vreg.gather [hbm4b:s1+s3], $0x80, v4, vm0, $0xb8;
	[tilespmem:$0x18400] =	vst v63  }
0x382: {  	_ = 	snop  }
0x383: {  	[tilespmem:s26], [sflag:$0x1] =	stream.indirect_vreg.gather [hbm4b:s1+s3], $0x80, v3, vm0, $0xb8;
	[tilespmem:$0x18400] =	vst v63  }
0x384: {  	v3 =	vld [tilespmem:$0x370];
	_ =	sdelay $0x4  }
0x385: {  	v55 =	vshll.u32 v3, $0x1  }
0x386: {  	v3 =	vand.u32 $0x7, v3;
	v4 =	vand.u32 $0xFFFFFFF0, v55  }
0x387: {  	v3 =	vor.u32 v3, v4  }
0x388: {  	v4 =	vperm.xlane v3, v0;
	_ =	sdelay $0x1  }
0x389: {  	v3 =	vperm.xlane v3, v2;
	v4 =	vadd.s32 v1, v4;
	_ =	sdelay $0x1  }
0x38a: {  	v3 =	vadd.s32 v1, v3;
	_ =	sdelay $0x2  }
0x38b: {  	[tilespmem:s9], [sflag:$0x1] =	stream.indirect_vreg.gather [hbm4b:s1+s3], $0x80, v4, vm0, $0xb8;
	[tilespmem:$0x18400] =	vst v63  }
0x38c: {  	s4 =	simm.s32 $0x2  }
0x38d: {  	[tilespmem:s8], [sflag:$0x1] =	stream.indirect_vreg.gather [hbm4b:s1+s3], $0x80, v3, vm0, $0xb8;
	[tilespmem:$0x18400] =	vst v63  }
0x38e: {  	_ =	swait.ge [sflag:s4], $0x8000  }
0x38f: {  	[sflag:s4] =	ssyncset.done $0x0  }
0x390: {  	s26 =	simm.s32 $0x8400;
	[sflag:s4] =	ssyncadd.s32 $0xFFFF8000  }
0x391: {  	[hbm4b:s12+s3] =	stream.linear.scatter [tilespmem:s26], [sflag:$0x5], $0x400, $0x38;
	[tilespmem:$0x18400] =	vst v63  }
0x392: {  	s5 =	sadd.s32 $0x80, s12;
	s20 =	simm.s32 $0x8C00  }
0x393: {  	[hbm4b:s5+s3] =	stream.linear.scatter [tilespmem:s20], [sflag:$0x5], $0x400, $0x38;
	[tilespmem:$0x18400] =	vst v63  }
0x394: {  	s30 =	simm.s32 $0x9400;
	s6 =	sadd.s32 $0x100, s12  }
0x395: {  	[hbm4b:s6+s3] =	stream.linear.scatter [tilespmem:s30], [sflag:$0x5], $0x400, $0x38;
	[tilespmem:$0x18400] =	vst v63  }
0x396: {  	s7 =	sadd.s32 $0x180, s12;
	s2 =	simm.s32 $0x9C00  }
0x397: {  	[hbm4b:s7+s3] =	stream.linear.scatter [tilespmem:s2], [sflag:$0x5], $0x400, $0x38;
	[tilespmem:$0x18400] =	vst v63  }
0x398: {  	s8 =	sadd.s32 $0x200, s12;
	s6 =	simm.s32 $0xA400  }
0x399: {  	[hbm4b:s8+s3] =	stream.linear.scatter [tilespmem:s6], [sflag:$0x5], $0x400, $0x38;
	[tilespmem:$0x18400] =	vst v63  }
0x39a: {  	s9 =	sadd.s32 $0x280, s12;
	s7 =	simm.s32 $0xAC00  }
0x39b: {  	[hbm4b:s9+s3] =	stream.linear.scatter [tilespmem:s7], [sflag:$0x5], $0x400, $0x38;
	[tilespmem:$0x18400] =	vst v63  }
0x39c: {  	s10 =	sadd.s32 $0x300, s12;
	s9 =	simm.s32 $0xB400  }
0x39d: {  	[hbm4b:s10+s3] =	stream.linear.scatter [tilespmem:s9], [sflag:$0x5], $0x400, $0x38;
	[tilespmem:$0x18400] =	vst v63  }
0x39e: {  	s21 =	sadd.s32 $0x380, s12;
	s8 =	simm.s32 $0xBC00  }
0x39f: {  	[hbm4b:s21+s3] =	stream.linear.scatter [tilespmem:s8], [sflag:$0x5], $0x400, $0x38;
	[tilespmem:$0x18400] =	vst v63  }
0x3a0: {  	s22 =	sadd.s32 $0x400, s12;
	s10 =	simm.s32 $0xC400  }
0x3a1: {  	[hbm4b:s22+s3] =	stream.linear.scatter [tilespmem:s10], [sflag:$0x5], $0x400, $0x38;
	[tilespmem:$0x18400] =	vst v63  }
0x3a2: {  	s23 =	sadd.s32 $0x480, s12;
	s4 =	simm.s32 $0xCC00  }
0x3a3: {  	[hbm4b:s23+s3] =	stream.linear.scatter [tilespmem:s4], [sflag:$0x5], $0x400, $0x38;
	[tilespmem:$0x18400] =	vst v63  }
0x3a4: {  	s25 =	sadd.s32 $0x500, s12;
	s22 =	simm.s32 $0xD400  }
0x3a5: {  	[hbm4b:s25+s3] =	stream.linear.scatter [tilespmem:s22], [sflag:$0x5], $0x400, $0x38;
	[tilespmem:$0x18400] =	vst v63  }
0x3a6: {  	s28 =	sadd.s32 $0x580, s12;
	s21 =	simm.s32 $0xDC00  }
0x3a7: {  	[hbm4b:s28+s3] =	stream.linear.scatter [tilespmem:s21], [sflag:$0x5], $0x400, $0x38;
	[tilespmem:$0x18400] =	vst v63  }
0x3a8: {  	s29 =	sadd.s32 $0x600, s12;
	s25 =	simm.s32 $0xE400  }
0x3a9: {  	[hbm4b:s29+s3] =	stream.linear.scatter [tilespmem:s25], [sflag:$0x5], $0x400, $0x38;
	[tilespmem:$0x18400] =	vst v63  }
0x3aa: {  	s5 =	sadd.s32 $0x680, s12;
	s23 =	simm.s32 $0xEC00  }
0x3ab: {  	[hbm4b:s5+s3] =	stream.linear.scatter [tilespmem:s23], [sflag:$0x5], $0x400, $0x38;
	[tilespmem:$0x18400] =	vst v63  }
0x3ac: {  	s28 =	sadd.s32 $0x700, s12;
	s29 =	simm.s32 $0xF400  }
0x3ad: {  	[hbm4b:s28+s3] =	stream.linear.scatter [tilespmem:s29], [sflag:$0x5], $0x400, $0x38;
	[tilespmem:$0x18400] =	vst v63  }
0x3ae: {  	s5 =	sadd.s32 $0x780, s12;
	s28 =	simm.s32 $0xFC00  }
0x3af: {  	[hbm4b:s5+s3] =	stream.linear.scatter [tilespmem:s28], [sflag:$0x5], $0x400, $0x38;
	[tilespmem:$0x18400] =	vst v63  }
0x3b0: {  	s24 =	simm.s32 $0x8800  }
0x3b1: {  	[hbm4b:s13+s3] =	stream.linear.scatter [tilespmem:s24], [sflag:$0x5], $0x400, $0x38;
	[tilespmem:$0x18400] =	vst v63  }
0x3b2: {  	s5 =	simm.s32 $0x9000;
	s24 =	sadd.s32 $0x80, s13  }
0x3b3: {  	[hbm4b:s24+s3] =	stream.linear.scatter [tilespmem:s5], [sflag:$0x5], $0x400, $0x38;
	[tilespmem:$0x18400] =	vst v63  }
0x3b4: {  	s24 =	sadd.s32 $0x100, s13;
	s5 =	simm.s32 $0x9800  }
0x3b5: {  	[hbm4b:s24+s3] =	stream.linear.scatter [tilespmem:s5], [sflag:$0x5], $0x400, $0x38;
	[tilespmem:$0x18400] =	vst v63  }
0x3b6: {  	s24 =	sadd.s32 $0x180, s13;
	s5 =	simm.s32 $0xA000  }
0x3b7: {  	[hbm4b:s24+s3] =	stream.linear.scatter [tilespmem:s5], [sflag:$0x5], $0x400, $0x38;
	[tilespmem:$0x18400] =	vst v63  }
0x3b8: {  	s24 =	sadd.s32 $0x200, s13;
	s5 =	simm.s32 $0xA800  }
0x3b9: {  	[hbm4b:s24+s3] =	stream.linear.scatter [tilespmem:s5], [sflag:$0x5], $0x400, $0x38;
	[tilespmem:$0x18400] =	vst v63  }
0x3ba: {  	s24 =	sadd.s32 $0x280, s13;
	s5 =	simm.s32 $0xB000  }
0x3bb: {  	[hbm4b:s24+s3] =	stream.linear.scatter [tilespmem:s5], [sflag:$0x5], $0x400, $0x38;
	[tilespmem:$0x18400] =	vst v63  }
0x3bc: {  	s24 =	sadd.s32 $0x300, s13;
	s5 =	simm.s32 $0xB800  }
0x3bd: {  	[hbm4b:s24+s3] =	stream.linear.scatter [tilespmem:s5], [sflag:$0x5], $0x400, $0x38;
	[tilespmem:$0x18400] =	vst v63  }
0x3be: {  	s24 =	sadd.s32 $0x380, s13;
	s5 =	simm.s32 $0xC000  }
0x3bf: {  	[hbm4b:s24+s3] =	stream.linear.scatter [tilespmem:s5], [sflag:$0x5], $0x400, $0x38;
	[tilespmem:$0x18400] =	vst v63  }
0x3c0: {  	s24 =	sadd.s32 $0x400, s13;
	s5 =	simm.s32 $0xC800  }
0x3c1: {  	[hbm4b:s24+s3] =	stream.linear.scatter [tilespmem:s5], [sflag:$0x5], $0x400, $0x38;
	[tilespmem:$0x18400] =	vst v63  }
0x3c2: {  	s24 =	sadd.s32 $0x480, s13;
	s5 =	simm.s32 $0xD000  }
0x3c3: {  	[hbm4b:s24+s3] =	stream.linear.scatter [tilespmem:s5], [sflag:$0x5], $0x400, $0x38;
	[tilespmem:$0x18400] =	vst v63  }
0x3c4: {  	s24 =	sadd.s32 $0x500, s13;
	s5 =	simm.s32 $0xD800  }
0x3c5: {  	[hbm4b:s24+s3] =	stream.linear.scatter [tilespmem:s5], [sflag:$0x5], $0x400, $0x38;
	[tilespmem:$0x18400] =	vst v63  }
0x3c6: {  	s24 =	sadd.s32 $0x580, s13;
	s5 =	simm.s32 $0xE000  }
0x3c7: {  	[hbm4b:s24+s3] =	stream.linear.scatter [tilespmem:s5], [sflag:$0x5], $0x400, $0x38;
	[tilespmem:$0x18400] =	vst v63  }
0x3c8: {  	s24 =	sadd.s32 $0x600, s13;
	s5 =	simm.s32 $0xE800  }
0x3c9: {  	[hbm4b:s24+s3] =	stream.linear.scatter [tilespmem:s5], [sflag:$0x5], $0x400, $0x38;
	[tilespmem:$0x18400] =	vst v63  }
0x3ca: {  	s24 =	sadd.s32 $0x680, s13;
	s5 =	simm.s32 $0xF000  }
0x3cb: {  	[hbm4b:s24+s3] =	stream.linear.scatter [tilespmem:s5], [sflag:$0x5], $0x400, $0x38;
	[tilespmem:$0x18400] =	vst v63  }
0x3cc: {  	s24 =	sadd.s32 $0x700, s13;
	s5 =	simm.s32 $0xF800  }
0x3cd: {  	[hbm4b:s24+s3] =	stream.linear.scatter [tilespmem:s5], [sflag:$0x5], $0x400, $0x38;
	[tilespmem:$0x18400] =	vst v63  }
0x3ce: {  	s24 =	sadd.s32 $0x780, s13;
	s5 =	simm.s32 $0x10000  }
0x3cf: {  	[hbm4b:s24+s3] =	stream.linear.scatter [tilespmem:s5], [sflag:$0x5], $0x400, $0x38;
	[tilespmem:$0x18400] =	vst v63  }
0x3d0: {  	_ =	swait.ge [sflag:s0], $0x4000  }
0x3d1: {  	[sflag:s0] =	ssyncset.done $0x0  }
0x3d2: {  	[sflag:s0] =	ssyncadd.s32 $0xFFFFC000  }
0x3d3: {  	_ =	swait.ge [sflag:s0], $0x4000  }
0x3d4: {  	[sflag:s0] =	ssyncset.done $0x0  }
0x3d5: {  	[sflag:s0] =	ssyncadd.s32 $0xFFFFC000  }
0x3d6: {  	v3 =	vld [tilespmem:$0x380];
	_ =	sdelay $0x4  }
0x3d7: {  	v56 =	vshll.u32 v3, $0x1  }
0x3d8: {  	v3 =	vand.u32 $0x7, v3;
	v4 =	vand.u32 $0xFFFFFFF0, v56  }
0x3d9: {  	v3 =	vor.u32 v3, v4  }
0x3da: {  	v4 =	vperm.xlane v3, v0;
	_ =	sdelay $0x1  }
0x3db: {  	v3 =	vperm.xlane v3, v2;
	v4 =	vadd.s32 v1, v4;
	_ =	sdelay $0x1  }
0x3dc: {  	v3 =	vadd.s32 v1, v3;
	_ =	sdelay $0x2  }
0x3dd: {  	[tilespmem:s26], [sflag:$0x2] =	stream.indirect_vreg.gather [hbm4b:s1+s3], $0x80, v4, vm0, $0xb8;
	[tilespmem:$0x18400] =	vst v63  }
0x3de: {  	_ = 	snop  }
0x3df: {  	[tilespmem:s20], [sflag:$0x2] =	stream.indirect_vreg.gather [hbm4b:s1+s3], $0x80, v3, vm0, $0xb8;
	[tilespmem:$0x18400] =	vst v63  }
0x3e0: {  	v3 =	vld [tilespmem:$0x390];
	_ =	sdelay $0x4  }
0x3e1: {  	v57 =	vshll.u32 v3, $0x1  }
0x3e2: {  	v3 =	vand.u32 $0x7, v3;
	v4 =	vand.u32 $0xFFFFFFF0, v57  }
0x3e3: {  	v3 =	vor.u32 v3, v4  }
0x3e4: {  	v4 =	vperm.xlane v3, v0;
	_ =	sdelay $0x1  }
0x3e5: {  	v3 =	vperm.xlane v3, v2;
	v4 =	vadd.s32 v1, v4;
	_ =	sdelay $0x1  }
0x3e6: {  	v3 =	vadd.s32 v1, v3;
	_ =	sdelay $0x2  }
0x3e7: {  	[tilespmem:s30], [sflag:$0x2] =	stream.indirect_vreg.gather [hbm4b:s1+s3], $0x80, v4, vm0, $0xb8;
	[tilespmem:$0x18400] =	vst v63  }
0x3e8: {  	_ = 	snop  }
0x3e9: {  	[tilespmem:s2], [sflag:$0x2] =	stream.indirect_vreg.gather [hbm4b:s1+s3], $0x80, v3, vm0, $0xb8;
	[tilespmem:$0x18400] =	vst v63  }
0x3ea: {  	v3 =	vld [tilespmem:$0x3A0];
	_ =	sdelay $0x4  }
0x3eb: {  	v58 =	vshll.u32 v3, $0x1  }
0x3ec: {  	v3 =	vand.u32 $0x7, v3;
	v4 =	vand.u32 $0xFFFFFFF0, v58  }
0x3ed: {  	v3 =	vor.u32 v3, v4  }
0x3ee: {  	v4 =	vperm.xlane v3, v0;
	_ =	sdelay $0x1  }
0x3ef: {  	v3 =	vperm.xlane v3, v2;
	v4 =	vadd.s32 v1, v4;
	_ =	sdelay $0x1  }
0x3f0: {  	v3 =	vadd.s32 v1, v3;
	_ =	sdelay $0x2  }
0x3f1: {  	[tilespmem:s6], [sflag:$0x2] =	stream.indirect_vreg.gather [hbm4b:s1+s3], $0x80, v4, vm0, $0xb8;
	[tilespmem:$0x18400] =	vst v63  }
0x3f2: {  	_ = 	snop  }
0x3f3: {  	[tilespmem:s7], [sflag:$0x2] =	stream.indirect_vreg.gather [hbm4b:s1+s3], $0x80, v3, vm0, $0xb8;
	[tilespmem:$0x18400] =	vst v63  }
0x3f4: {  	v3 =	vld [tilespmem:$0x3B0];
	_ =	sdelay $0x4  }
0x3f5: {  	v59 =	vshll.u32 v3, $0x1  }
0x3f6: {  	v3 =	vand.u32 $0x7, v3;
	v4 =	vand.u32 $0xFFFFFFF0, v59  }
0x3f7: {  	v3 =	vor.u32 v3, v4  }
0x3f8: {  	v4 =	vperm.xlane v3, v0;
	_ =	sdelay $0x1  }
0x3f9: {  	v3 =	vperm.xlane v3, v2;
	v4 =	vadd.s32 v1, v4;
	_ =	sdelay $0x1  }
0x3fa: {  	v3 =	vadd.s32 v1, v3;
	_ =	sdelay $0x2  }
0x3fb: {  	[tilespmem:s9], [sflag:$0x2] =	stream.indirect_vreg.gather [hbm4b:s1+s3], $0x80, v4, vm0, $0xb8;
	[tilespmem:$0x18400] =	vst v63  }
0x3fc: {  	_ = 	snop  }
0x3fd: {  	[tilespmem:s8], [sflag:$0x2] =	stream.indirect_vreg.gather [hbm4b:s1+s3], $0x80, v3, vm0, $0xb8;
	[tilespmem:$0x18400] =	vst v63  }
0x3fe: {  	v3 =	vld [tilespmem:$0x3C0];
	_ =	sdelay $0x4  }
0x3ff: {  	v60 =	vshll.u32 v3, $0x1  }
0x400: {  	v3 =	vand.u32 $0x7, v3;
	v4 =	vand.u32 $0xFFFFFFF0, v60  }
0x401: {  	v3 =	vor.u32 v3, v4  }
0x402: {  	v4 =	vperm.xlane v3, v0;
	_ =	sdelay $0x1  }
0x403: {  	v3 =	vperm.xlane v3, v2;
	v4 =	vadd.s32 v1, v4;
	_ =	sdelay $0x1  }
0x404: {  	v3 =	vadd.s32 v1, v3;
	_ =	sdelay $0x2  }
0x405: {  	[tilespmem:s10], [sflag:$0x2] =	stream.indirect_vreg.gather [hbm4b:s1+s3], $0x80, v4, vm0, $0xb8;
	[tilespmem:$0x18400] =	vst v63  }
0x406: {  	_ = 	snop  }
0x407: {  	[tilespmem:s4], [sflag:$0x2] =	stream.indirect_vreg.gather [hbm4b:s1+s3], $0x80, v3, vm0, $0xb8;
	[tilespmem:$0x18400] =	vst v63  }
0x408: {  	v3 =	vld [tilespmem:$0x3D0];
	_ =	sdelay $0x4  }
0x409: {  	v61 =	vshll.u32 v3, $0x1  }
0x40a: {  	v3 =	vand.u32 $0x7, v3;
	v4 =	vand.u32 $0xFFFFFFF0, v61  }
0x40b: {  	v3 =	vor.u32 v3, v4  }
0x40c: {  	v4 =	vperm.xlane v3, v0;
	_ =	sdelay $0x1  }
0x40d: {  	v3 =	vperm.xlane v3, v2;
	v4 =	vadd.s32 v1, v4;
	_ =	sdelay $0x1  }
0x40e: {  	v3 =	vadd.s32 v1, v3;
	_ =	sdelay $0x2  }
0x40f: {  	[tilespmem:s22], [sflag:$0x2] =	stream.indirect_vreg.gather [hbm4b:s1+s3], $0x80, v4, vm0, $0xb8;
	[tilespmem:$0x18400] =	vst v63  }
0x410: {  	_ = 	snop  }
0x411: {  	[tilespmem:s21], [sflag:$0x2] =	stream.indirect_vreg.gather [hbm4b:s1+s3], $0x80, v3, vm0, $0xb8;
	[tilespmem:$0x18400] =	vst v63  }
0x412: {  	v3 =	vld [tilespmem:$0x3E0];
	_ =	sdelay $0x4  }
0x413: {  	v62 =	vshll.u32 v3, $0x1  }
0x414: {  	v3 =	vand.u32 $0x7, v3;
	v4 =	vand.u32 $0xFFFFFFF0, v62  }
0x415: {  	v3 =	vor.u32 v3, v4  }
0x416: {  	v4 =	vperm.xlane v3, v0;
	_ =	sdelay $0x1  }
0x417: {  	v3 =	vperm.xlane v3, v2;
	v4 =	vadd.s32 v1, v4;
	_ =	sdelay $0x1  }
0x418: {  	v3 =	vadd.s32 v1, v3;
	_ =	sdelay $0x2  }
0x419: {  	[tilespmem:s25], [sflag:$0x2] =	stream.indirect_vreg.gather [hbm4b:s1+s3], $0x80, v4, vm0, $0xb8;
	[tilespmem:$0x18400] =	vst v63  }
0x41a: {  	_ = 	snop  }
0x41b: {  	[tilespmem:s23], [sflag:$0x2] =	stream.indirect_vreg.gather [hbm4b:s1+s3], $0x80, v3, vm0, $0xb8;
	[tilespmem:$0x18400] =	vst v63  }
0x41c: {  	v3 =	vld [tilespmem:$0x3F0];
	_ =	sdelay $0x4  }
0x41d: {  	v63 =	vshll.u32 v3, $0x1  }
0x41e: {  	v3 =	vand.u32 $0x7, v3;
	v4 =	vand.u32 $0xFFFFFFF0, v63  }
0x41f: {  	v3 =	vor.u32 v3, v4  }
0x420: {  	v4 =	vperm.xlane v3, v0;
	_ =	sdelay $0x1  }
0x421: {  	v3 =	vperm.xlane v3, v2;
	v4 =	vadd.s32 v1, v4;
	_ =	sdelay $0x1  }
0x422: {  	v3 =	vadd.s32 v1, v3;
	_ =	sdelay $0x2  }
0x423: {  	[tilespmem:s29], [sflag:$0x2] =	stream.indirect_vreg.gather [hbm4b:s1+s3], $0x80, v4, vm0, $0xb8;
	[tilespmem:$0x18400] =	vst v63  }
0x424: {  	s24 =	simm.s32 $0x3  }
0x425: {  	[tilespmem:s28], [sflag:$0x2] =	stream.indirect_vreg.gather [hbm4b:s1+s3], $0x80, v3, vm0, $0xb8;
	[tilespmem:$0x18400] =	vst v63  }
0x426: {  	_ =	swait.ge [sflag:s24], $0x8000  }
0x427: {  	[sflag:s24] =	ssyncset.done $0x0  }
0x428: {  	s25 =	simm.s32 $0x10400;
	[sflag:s24] =	ssyncadd.s32 $0xFFFF8000  }
0x429: {  	[hbm4b:s14+s3] =	stream.linear.scatter [tilespmem:s25], [sflag:$0x6], $0x400, $0x38;
	[tilespmem:$0x18400] =	vst v63  }
0x42a: {  	s29 =	simm.s32 $0x10C00;
	s28 =	sadd.s32 $0x80, s14  }
0x42b: {  	[hbm4b:s28+s3] =	stream.linear.scatter [tilespmem:s29], [sflag:$0x6], $0x400, $0x38;
	[tilespmem:$0x18400] =	vst v63  }
0x42c: {  	s22 =	sadd.s32 $0x100, s14;
	s25 =	simm.s32 $0x11400  }
0x42d: {  	[hbm4b:s22+s3] =	stream.linear.scatter [tilespmem:s25], [sflag:$0x6], $0x400, $0x38;
	[tilespmem:$0x18400] =	vst v63  }
0x42e: {  	s28 =	sadd.s32 $0x180, s14;
	s29 =	simm.s32 $0x11C00  }
0x42f: {  	[hbm4b:s28+s3] =	stream.linear.scatter [tilespmem:s29], [sflag:$0x6], $0x400, $0x38;
	[tilespmem:$0x18400] =	vst v63  }
0x430: {  	s22 =	sadd.s32 $0x200, s14;
	s25 =	simm.s32 $0x12400  }
0x431: {  	[hbm4b:s22+s3] =	stream.linear.scatter [tilespmem:s25], [sflag:$0x6], $0x400, $0x38;
	[tilespmem:$0x18400] =	vst v63  }
0x432: {  	s28 =	sadd.s32 $0x280, s14;
	s29 =	simm.s32 $0x12C00  }
0x433: {  	[hbm4b:s28+s3] =	stream.linear.scatter [tilespmem:s29], [sflag:$0x6], $0x400, $0x38;
	[tilespmem:$0x18400] =	vst v63  }
0x434: {  	s22 =	sadd.s32 $0x300, s14;
	s25 =	simm.s32 $0x13400  }
0x435: {  	[hbm4b:s22+s3] =	stream.linear.scatter [tilespmem:s25], [sflag:$0x6], $0x400, $0x38;
	[tilespmem:$0x18400] =	vst v63  }
0x436: {  	s28 =	sadd.s32 $0x380, s14;
	s29 =	simm.s32 $0x13C00  }
0x437: {  	[hbm4b:s28+s3] =	stream.linear.scatter [tilespmem:s29], [sflag:$0x6], $0x400, $0x38;
	[tilespmem:$0x18400] =	vst v63  }
0x438: {  	s22 =	sadd.s32 $0x400, s14;
	s25 =	simm.s32 $0x14400  }
0x439: {  	[hbm4b:s22+s3] =	stream.linear.scatter [tilespmem:s25], [sflag:$0x6], $0x400, $0x38;
	[tilespmem:$0x18400] =	vst v63  }
0x43a: {  	s28 =	sadd.s32 $0x480, s14;
	s29 =	simm.s32 $0x14C00  }
0x43b: {  	[hbm4b:s28+s3] =	stream.linear.scatter [tilespmem:s29], [sflag:$0x6], $0x400, $0x38;
	[tilespmem:$0x18400] =	vst v63  }
0x43c: {  	s22 =	sadd.s32 $0x500, s14;
	s25 =	simm.s32 $0x15400  }
0x43d: {  	[hbm4b:s22+s3] =	stream.linear.scatter [tilespmem:s25], [sflag:$0x6], $0x400, $0x38;
	[tilespmem:$0x18400] =	vst v63  }
0x43e: {  	s28 =	sadd.s32 $0x580, s14;
	s29 =	simm.s32 $0x15C00  }
0x43f: {  	[hbm4b:s28+s3] =	stream.linear.scatter [tilespmem:s29], [sflag:$0x6], $0x400, $0x38;
	[tilespmem:$0x18400] =	vst v63  }
0x440: {  	s22 =	sadd.s32 $0x600, s14;
	s25 =	simm.s32 $0x16400  }
0x441: {  	[hbm4b:s22+s3] =	stream.linear.scatter [tilespmem:s25], [sflag:$0x6], $0x400, $0x38;
	[tilespmem:$0x18400] =	vst v63  }
0x442: {  	s28 =	sadd.s32 $0x680, s14;
	s29 =	simm.s32 $0x16C00  }
0x443: {  	[hbm4b:s28+s3] =	stream.linear.scatter [tilespmem:s29], [sflag:$0x6], $0x400, $0x38;
	[tilespmem:$0x18400] =	vst v63  }
0x444: {  	s2 =	sadd.s32 $0x700, s14;
	s22 =	simm.s32 $0x17400  }
0x445: {  	[hbm4b:s2+s3] =	stream.linear.scatter [tilespmem:s22], [sflag:$0x6], $0x400, $0x38;
	[tilespmem:$0x18400] =	vst v63  }
0x446: {  	s25 =	sadd.s32 $0x780, s14;
	s28 =	simm.s32 $0x17C00  }
0x447: {  	[hbm4b:s25+s3] =	stream.linear.scatter [tilespmem:s28], [sflag:$0x6], $0x400, $0x38;
	[tilespmem:$0x18400] =	vst v63  }
0x448: {  	s29 =	simm.s32 $0x10800  }
0x449: {  	[hbm4b:s15+s3] =	stream.linear.scatter [tilespmem:s29], [sflag:$0x6], $0x400, $0x38;
	[tilespmem:$0x18400] =	vst v63  }
0x44a: {  	s22 =	sadd.s32 $0x80, s15;
	s25 =	simm.s32 $0x11000  }
0x44b: {  	[hbm4b:s22+s3] =	stream.linear.scatter [tilespmem:s25], [sflag:$0x6], $0x400, $0x38;
	[tilespmem:$0x18400] =	vst v63  }
0x44c: {  	s28 =	sadd.s32 $0x100, s15;
	s29 =	simm.s32 $0x11800  }
0x44d: {  	[hbm4b:s28+s3] =	stream.linear.scatter [tilespmem:s29], [sflag:$0x6], $0x400, $0x38;
	[tilespmem:$0x18400] =	vst v63  }
0x44e: {  	s22 =	sadd.s32 $0x180, s15;
	s25 =	simm.s32 $0x12000  }
0x44f: {  	[hbm4b:s22+s3] =	stream.linear.scatter [tilespmem:s25], [sflag:$0x6], $0x400, $0x38;
	[tilespmem:$0x18400] =	vst v63  }
0x450: {  	s28 =	sadd.s32 $0x200, s15;
	s29 =	simm.s32 $0x12800  }
0x451: {  	[hbm4b:s28+s3] =	stream.linear.scatter [tilespmem:s29], [sflag:$0x6], $0x400, $0x38;
	[tilespmem:$0x18400] =	vst v63  }
0x452: {  	s22 =	sadd.s32 $0x280, s15;
	s25 =	simm.s32 $0x13000  }
0x453: {  	[hbm4b:s22+s3] =	stream.linear.scatter [tilespmem:s25], [sflag:$0x6], $0x400, $0x38;
	[tilespmem:$0x18400] =	vst v63  }
0x454: {  	s28 =	sadd.s32 $0x300, s15;
	s29 =	simm.s32 $0x13800  }
0x455: {  	[hbm4b:s28+s3] =	stream.linear.scatter [tilespmem:s29], [sflag:$0x6], $0x400, $0x38;
	[tilespmem:$0x18400] =	vst v63  }
0x456: {  	s22 =	sadd.s32 $0x380, s15;
	s25 =	simm.s32 $0x14000  }
0x457: {  	[hbm4b:s22+s3] =	stream.linear.scatter [tilespmem:s25], [sflag:$0x6], $0x400, $0x38;
	[tilespmem:$0x18400] =	vst v63  }
0x458: {  	s28 =	sadd.s32 $0x400, s15;
	s29 =	simm.s32 $0x14800  }
0x459: {  	[hbm4b:s28+s3] =	stream.linear.scatter [tilespmem:s29], [sflag:$0x6], $0x400, $0x38;
	[tilespmem:$0x18400] =	vst v63  }
0x45a: {  	s22 =	sadd.s32 $0x480, s15;
	s25 =	simm.s32 $0x15000  }
0x45b: {  	[hbm4b:s22+s3] =	stream.linear.scatter [tilespmem:s25], [sflag:$0x6], $0x400, $0x38;
	[tilespmem:$0x18400] =	vst v63  }
0x45c: {  	s28 =	sadd.s32 $0x500, s15;
	s29 =	simm.s32 $0x15800  }
0x45d: {  	[hbm4b:s28+s3] =	stream.linear.scatter [tilespmem:s29], [sflag:$0x6], $0x400, $0x38;
	[tilespmem:$0x18400] =	vst v63  }
0x45e: {  	s22 =	sadd.s32 $0x580, s15;
	s25 =	simm.s32 $0x16000  }
0x45f: {  	[hbm4b:s22+s3] =	stream.linear.scatter [tilespmem:s25], [sflag:$0x6], $0x400, $0x38;
	[tilespmem:$0x18400] =	vst v63  }
0x460: {  	s28 =	sadd.s32 $0x600, s15;
	s29 =	simm.s32 $0x16800  }
0x461: {  	[hbm4b:s28+s3] =	stream.linear.scatter [tilespmem:s29], [sflag:$0x6], $0x400, $0x38;
	[tilespmem:$0x18400] =	vst v63  }
0x462: {  	s22 =	sadd.s32 $0x680, s15;
	s25 =	simm.s32 $0x17000  }
0x463: {  	[hbm4b:s22+s3] =	stream.linear.scatter [tilespmem:s25], [sflag:$0x6], $0x400, $0x38;
	[tilespmem:$0x18400] =	vst v63  }
0x464: {  	s28 =	sadd.s32 $0x700, s15;
	s29 =	simm.s32 $0x17800  }
0x465: {  	[hbm4b:s28+s3] =	stream.linear.scatter [tilespmem:s29], [sflag:$0x6], $0x400, $0x38;
	[tilespmem:$0x18400] =	vst v63  }
0x466: {  	s24 =	simm.s32 $0x1;
	s2 =	sadd.s32 $0x780, s15;
	s22 =	simm.s32 $0x18000  }
0x467: {  	[hbm4b:s2+s3] =	stream.linear.scatter [tilespmem:s22], [sflag:$0x6], $0x400, $0x38;
	[tilespmem:$0x18400] =	vst v63  }
0x468: {  	_ =	swait.ge [sflag:s24], $0x8000  }
0x469: {  	[sflag:s24] =	ssyncset.done $0x0  }
0x46a: {  	s25 =	simm.s32 $0x400;
	[sflag:s24] =	ssyncadd.s32 $0xFFFF8000  }
0x46b: {  	[hbm4b:s16+s3] =	stream.linear.scatter [tilespmem:s25], [sflag:$0x4], $0x400, $0x38;
	[tilespmem:$0x18400] =	vst v63  }
0x46c: {  	s28 =	sadd.s32 $0x80, s16;
	s29 =	simm.s32 $0xC00  }
0x46d: {  	[hbm4b:s28+s3] =	stream.linear.scatter [tilespmem:s29], [sflag:$0x4], $0x400, $0x38;
	[tilespmem:$0x18400] =	vst v63  }
0x46e: {  	s22 =	sadd.s32 $0x100, s16;
	s25 =	simm.s32 $0x1400  }
0x46f: {  	[hbm4b:s22+s3] =	stream.linear.scatter [tilespmem:s25], [sflag:$0x4], $0x400, $0x38;
	[tilespmem:$0x18400] =	vst v63  }
0x470: {  	s28 =	sadd.s32 $0x180, s16;
	s29 =	simm.s32 $0x1C00  }
0x471: {  	[hbm4b:s28+s3] =	stream.linear.scatter [tilespmem:s29], [sflag:$0x4], $0x400, $0x38;
	[tilespmem:$0x18400] =	vst v63  }
0x472: {  	s22 =	sadd.s32 $0x200, s16;
	s25 =	simm.s32 $0x2400  }
0x473: {  	[hbm4b:s22+s3] =	stream.linear.scatter [tilespmem:s25], [sflag:$0x4], $0x400, $0x38;
	[tilespmem:$0x18400] =	vst v63  }
0x474: {  	s28 =	sadd.s32 $0x280, s16;
	s29 =	simm.s32 $0x2C00  }
0x475: {  	[hbm4b:s28+s3] =	stream.linear.scatter [tilespmem:s29], [sflag:$0x4], $0x400, $0x38;
	[tilespmem:$0x18400] =	vst v63  }
0x476: {  	s22 =	sadd.s32 $0x300, s16;
	s25 =	simm.s32 $0x3400  }
0x477: {  	[hbm4b:s22+s3] =	stream.linear.scatter [tilespmem:s25], [sflag:$0x4], $0x400, $0x38;
	[tilespmem:$0x18400] =	vst v63  }
0x478: {  	s28 =	sadd.s32 $0x380, s16;
	s29 =	simm.s32 $0x3C00  }
0x479: {  	[hbm4b:s28+s3] =	stream.linear.scatter [tilespmem:s29], [sflag:$0x4], $0x400, $0x38;
	[tilespmem:$0x18400] =	vst v63  }
0x47a: {  	s22 =	sadd.s32 $0x400, s16;
	s25 =	simm.s32 $0x4400  }
0x47b: {  	[hbm4b:s22+s3] =	stream.linear.scatter [tilespmem:s25], [sflag:$0x4], $0x400, $0x38;
	[tilespmem:$0x18400] =	vst v63  }
0x47c: {  	s28 =	sadd.s32 $0x480, s16;
	s29 =	simm.s32 $0x4C00  }
0x47d: {  	[hbm4b:s28+s3] =	stream.linear.scatter [tilespmem:s29], [sflag:$0x4], $0x400, $0x38;
	[tilespmem:$0x18400] =	vst v63  }
0x47e: {  	s22 =	sadd.s32 $0x500, s16;
	s25 =	simm.s32 $0x5400  }
0x47f: {  	[hbm4b:s22+s3] =	stream.linear.scatter [tilespmem:s25], [sflag:$0x4], $0x400, $0x38;
	[tilespmem:$0x18400] =	vst v63  }
0x480: {  	s28 =	sadd.s32 $0x580, s16;
	s29 =	simm.s32 $0x5C00  }
0x481: {  	[hbm4b:s28+s3] =	stream.linear.scatter [tilespmem:s29], [sflag:$0x4], $0x400, $0x38;
	[tilespmem:$0x18400] =	vst v63  }
0x482: {  	s22 =	sadd.s32 $0x600, s16;
	s25 =	simm.s32 $0x6400  }
0x483: {  	[hbm4b:s22+s3] =	stream.linear.scatter [tilespmem:s25], [sflag:$0x4], $0x400, $0x38;
	[tilespmem:$0x18400] =	vst v63  }
0x484: {  	s28 =	sadd.s32 $0x680, s16;
	s29 =	simm.s32 $0x6C00  }
0x485: {  	[hbm4b:s28+s3] =	stream.linear.scatter [tilespmem:s29], [sflag:$0x4], $0x400, $0x38;
	[tilespmem:$0x18400] =	vst v63  }
0x486: {  	s22 =	sadd.s32 $0x700, s16;
	s25 =	simm.s32 $0x7400  }
0x487: {  	[hbm4b:s22+s3] =	stream.linear.scatter [tilespmem:s25], [sflag:$0x4], $0x400, $0x38;
	[tilespmem:$0x18400] =	vst v63  }
0x488: {  	s28 =	sadd.s32 $0x780, s16;
	s29 =	simm.s32 $0x7C00  }
0x489: {  	[hbm4b:s28+s3] =	stream.linear.scatter [tilespmem:s29], [sflag:$0x4], $0x400, $0x38;
	[tilespmem:$0x18400] =	vst v63  }
0x48a: {  	s25 =	simm.s32 $0x800  }
0x48b: {  	[hbm4b:s17+s3] =	stream.linear.scatter [tilespmem:s25], [sflag:$0x4], $0x400, $0x38;
	[tilespmem:$0x18400] =	vst v63  }
0x48c: {  	s28 =	sadd.s32 $0x80, s17;
	s29 =	simm.s32 $0x1000  }
0x48d: {  	[hbm4b:s28+s3] =	stream.linear.scatter [tilespmem:s29], [sflag:$0x4], $0x400, $0x38;
	[tilespmem:$0x18400] =	vst v63  }
0x48e: {  	s22 =	sadd.s32 $0x100, s17;
	s25 =	simm.s32 $0x1800  }
0x48f: {  	[hbm4b:s22+s3] =	stream.linear.scatter [tilespmem:s25], [sflag:$0x4], $0x400, $0x38;
	[tilespmem:$0x18400] =	vst v63  }
0x490: {  	s28 =	sadd.s32 $0x180, s17;
	s29 =	simm.s32 $0x2000  }
0x491: {  	[hbm4b:s28+s3] =	stream.linear.scatter [tilespmem:s29], [sflag:$0x4], $0x400, $0x38;
	[tilespmem:$0x18400] =	vst v63  }
0x492: {  	s22 =	sadd.s32 $0x200, s17;
	s25 =	simm.s32 $0x2800  }
0x493: {  	[hbm4b:s22+s3] =	stream.linear.scatter [tilespmem:s25], [sflag:$0x4], $0x400, $0x38;
	[tilespmem:$0x18400] =	vst v63  }
0x494: {  	s28 =	sadd.s32 $0x280, s17;
	s29 =	simm.s32 $0x3000  }
0x495: {  	[hbm4b:s28+s3] =	stream.linear.scatter [tilespmem:s29], [sflag:$0x4], $0x400, $0x38;
	[tilespmem:$0x18400] =	vst v63  }
0x496: {  	s22 =	sadd.s32 $0x300, s17;
	s25 =	simm.s32 $0x3800  }
0x497: {  	[hbm4b:s22+s3] =	stream.linear.scatter [tilespmem:s25], [sflag:$0x4], $0x400, $0x38;
	[tilespmem:$0x18400] =	vst v63  }
0x498: {  	s28 =	sadd.s32 $0x380, s17;
	s29 =	simm.s32 $0x4000  }
0x499: {  	[hbm4b:s28+s3] =	stream.linear.scatter [tilespmem:s29], [sflag:$0x4], $0x400, $0x38;
	[tilespmem:$0x18400] =	vst v63  }
0x49a: {  	s22 =	sadd.s32 $0x400, s17;
	s25 =	simm.s32 $0x4800  }
0x49b: {  	[hbm4b:s22+s3] =	stream.linear.scatter [tilespmem:s25], [sflag:$0x4], $0x400, $0x38;
	[tilespmem:$0x18400] =	vst v63  }
0x49c: {  	s28 =	sadd.s32 $0x480, s17;
	s29 =	simm.s32 $0x5000  }
0x49d: {  	[hbm4b:s28+s3] =	stream.linear.scatter [tilespmem:s29], [sflag:$0x4], $0x400, $0x38;
	[tilespmem:$0x18400] =	vst v63  }
0x49e: {  	s22 =	sadd.s32 $0x500, s17;
	s25 =	simm.s32 $0x5800  }
0x49f: {  	[hbm4b:s22+s3] =	stream.linear.scatter [tilespmem:s25], [sflag:$0x4], $0x400, $0x38;
	[tilespmem:$0x18400] =	vst v63  }
0x4a0: {  	s28 =	sadd.s32 $0x580, s17;
	s29 =	simm.s32 $0x6000  }
0x4a1: {  	[hbm4b:s28+s3] =	stream.linear.scatter [tilespmem:s29], [sflag:$0x4], $0x400, $0x38;
	[tilespmem:$0x18400] =	vst v63  }
0x4a2: {  	s22 =	sadd.s32 $0x600, s17;
	s25 =	simm.s32 $0x6800  }
0x4a3: {  	[hbm4b:s22+s3] =	stream.linear.scatter [tilespmem:s25], [sflag:$0x4], $0x400, $0x38;
	[tilespmem:$0x18400] =	vst v63  }
0x4a4: {  	s28 =	sadd.s32 $0x680, s17;
	s29 =	simm.s32 $0x7000  }
0x4a5: {  	[hbm4b:s28+s3] =	stream.linear.scatter [tilespmem:s29], [sflag:$0x4], $0x400, $0x38;
	[tilespmem:$0x18400] =	vst v63  }
0x4a6: {  	s22 =	sadd.s32 $0x700, s17;
	s25 =	simm.s32 $0x7800  }
0x4a7: {  	[hbm4b:s22+s3] =	stream.linear.scatter [tilespmem:s25], [sflag:$0x4], $0x400, $0x38;
	[tilespmem:$0x18400] =	vst v63  }
0x4a8: {  	s24 =	simm.s32 $0x2;
	s28 =	sadd.s32 $0x780, s17;
	s29 =	simm.s32 $0x8000  }
0x4a9: {  	[hbm4b:s28+s3] =	stream.linear.scatter [tilespmem:s29], [sflag:$0x4], $0x400, $0x38;
	[tilespmem:$0x18400] =	vst v63  }
0x4aa: {  	s2 =	rddreg [dreg:$0x8];
	_ =	swait.ge [sflag:s24], $0x8000  }
0x4ab: {  	[sflag:s24] =	ssyncset.done $0x0  }
0x4ac: {  	s25 =	simm.s32 $0x8400;
	[sflag:s24] =	ssyncadd.s32 $0xFFFF8000  }
0x4ad: {  	[hbm4b:s18+s3] =	stream.linear.scatter [tilespmem:s25], [sflag:$0x5], $0x400, $0x38;
	[tilespmem:$0x18400] =	vst v63  }
0x4ae: {  	s28 =	sadd.s32 $0x80, s18;
	s29 =	simm.s32 $0x8C00  }
0x4af: {  	[hbm4b:s28+s3] =	stream.linear.scatter [tilespmem:s29], [sflag:$0x5], $0x400, $0x38;
	[tilespmem:$0x18400] =	vst v63  }
0x4b0: {  	s22 =	sadd.s32 $0x100, s18;
	s25 =	simm.s32 $0x9400  }
0x4b1: {  	[hbm4b:s22+s3] =	stream.linear.scatter [tilespmem:s25], [sflag:$0x5], $0x400, $0x38;
	[tilespmem:$0x18400] =	vst v63  }
0x4b2: {  	s28 =	sadd.s32 $0x180, s18;
	s29 =	simm.s32 $0x9C00  }
0x4b3: {  	[hbm4b:s28+s3] =	stream.linear.scatter [tilespmem:s29], [sflag:$0x5], $0x400, $0x38;
	[tilespmem:$0x18400] =	vst v63  }
0x4b4: {  	s26 =	simm.s32 $0xA400;
	s25 =	sadd.s32 $0x200, s18  }
0x4b5: {  	[hbm4b:s25+s3] =	stream.linear.scatter [tilespmem:s26], [sflag:$0x5], $0x400, $0x38;
	[tilespmem:$0x18400] =	vst v63  }
0x4b6: {  	s30 =	simm.s32 $0xAC00;
	s28 =	sadd.s32 $0x280, s18  }
0x4b7: {  	[hbm4b:s28+s3] =	stream.linear.scatter [tilespmem:s30], [sflag:$0x5], $0x400, $0x38;
	[tilespmem:$0x18400] =	vst v63  }
0x4b8: {  	s7 =	simm.s32 $0xB400;
	s29 =	sadd.s32 $0x300, s18  }
0x4b9: {  	[hbm4b:s29+s3] =	stream.linear.scatter [tilespmem:s7], [sflag:$0x5], $0x400, $0x38;
	[tilespmem:$0x18400] =	vst v63  }
0x4ba: {  	s8 =	simm.s32 $0xBC00;
	s30 =	sadd.s32 $0x380, s18  }
0x4bb: {  	[hbm4b:s30+s3] =	stream.linear.scatter [tilespmem:s8], [sflag:$0x5], $0x400, $0x38;
	[tilespmem:$0x18400] =	vst v63  }
0x4bc: {  	s6 =	simm.s32 $0xC400;
	s7 =	sadd.s32 $0x400, s18  }
0x4bd: {  	[hbm4b:s7+s3] =	stream.linear.scatter [tilespmem:s6], [sflag:$0x5], $0x400, $0x38;
	[tilespmem:$0x18400] =	vst v63  }
0x4be: {  	s9 =	simm.s32 $0xCC00;
	s8 =	sadd.s32 $0x480, s18  }
0x4bf: {  	[hbm4b:s8+s3] =	stream.linear.scatter [tilespmem:s9], [sflag:$0x5], $0x400, $0x38;
	[tilespmem:$0x18400] =	vst v63  }
0x4c0: {  	s10 =	simm.s32 $0xD400;
	s9 =	sadd.s32 $0x500, s18  }
0x4c1: {  	[hbm4b:s9+s3] =	stream.linear.scatter [tilespmem:s10], [sflag:$0x5], $0x400, $0x38;
	[tilespmem:$0x18400] =	vst v63  }
0x4c2: {  	s5 =	simm.s32 $0xDC00;
	s22 =	sadd.s32 $0x580, s18  }
0x4c3: {  	[hbm4b:s22+s3] =	stream.linear.scatter [tilespmem:s5], [sflag:$0x5], $0x400, $0x38;
	[tilespmem:$0x18400] =	vst v63  }
0x4c4: {  	s4 =	simm.s32 $0xE400;
	s25 =	sadd.s32 $0x600, s18  }
0x4c5: {  	[hbm4b:s25+s3] =	stream.linear.scatter [tilespmem:s4], [sflag:$0x5], $0x400, $0x38;
	[tilespmem:$0x18400] =	vst v63  }
0x4c6: {  	s23 =	simm.s32 $0xEC00;
	s26 =	sadd.s32 $0x680, s18  }
0x4c7: {  	[hbm4b:s26+s3] =	stream.linear.scatter [tilespmem:s23], [sflag:$0x5], $0x400, $0x38;
	[tilespmem:$0x18400] =	vst v63  }
0x4c8: {  	s20 =	simm.s32 $0xF400;
	s28 =	sadd.s32 $0x700, s18  }
0x4c9: {  	[hbm4b:s28+s3] =	stream.linear.scatter [tilespmem:s20], [sflag:$0x5], $0x400, $0x38;
	[tilespmem:$0x18400] =	vst v63  }
0x4ca: {  	s21 =	simm.s32 $0xFC00;
	s29 =	sadd.s32 $0x780, s18  }
0x4cb: {  	[hbm4b:s29+s3] =	stream.linear.scatter [tilespmem:s21], [sflag:$0x5], $0x400, $0x38;
	[tilespmem:$0x18400] =	vst v63  }
0x4cc: {  	s30 =	simm.s32 $0x8800  }
0x4cd: {  	[hbm4b:s19+s3] =	stream.linear.scatter [tilespmem:s30], [sflag:$0x5], $0x400, $0x38;
	[tilespmem:$0x18400] =	vst v63  }
0x4ce: {  	s5 =	simm.s32 $0x9000;
	s4 =	sadd.s32 $0x80, s19  }
0x4cf: {  	[hbm4b:s4+s3] =	stream.linear.scatter [tilespmem:s5], [sflag:$0x5], $0x400, $0x38;
	[tilespmem:$0x18400] =	vst v63  }
0x4d0: {  	s6 =	sadd.s32 $0x100, s19;
	s7 =	simm.s32 $0x9800  }
0x4d1: {  	[hbm4b:s6+s3] =	stream.linear.scatter [tilespmem:s7], [sflag:$0x5], $0x400, $0x38;
	[tilespmem:$0x18400] =	vst v63  }
0x4d2: {  	s8 =	sadd.s32 $0x180, s19;
	s9 =	simm.s32 $0xA000  }
0x4d3: {  	[hbm4b:s8+s3] =	stream.linear.scatter [tilespmem:s9], [sflag:$0x5], $0x400, $0x38;
	[tilespmem:$0x18400] =	vst v63  }
0x4d4: {  	s10 =	sadd.s32 $0x200, s19;
	s20 =	simm.s32 $0xA800  }
0x4d5: {  	[hbm4b:s10+s3] =	stream.linear.scatter [tilespmem:s20], [sflag:$0x5], $0x400, $0x38;
	[tilespmem:$0x18400] =	vst v63  }
0x4d6: {  	s22 =	simm.s32 $0xB000;
	s21 =	sadd.s32 $0x280, s19  }
0x4d7: {  	[hbm4b:s21+s3] =	stream.linear.scatter [tilespmem:s22], [sflag:$0x5], $0x400, $0x38;
	[tilespmem:$0x18400] =	vst v63  }
0x4d8: {  	s25 =	simm.s32 $0xB800;
	s23 =	sadd.s32 $0x300, s19  }
0x4d9: {  	[hbm4b:s23+s3] =	stream.linear.scatter [tilespmem:s25], [sflag:$0x5], $0x400, $0x38;
	[tilespmem:$0x18400] =	vst v63  }
0x4da: {  	s26 =	sadd.s32 $0x380, s19;
	s28 =	simm.s32 $0xC000  }
0x4db: {  	[hbm4b:s26+s3] =	stream.linear.scatter [tilespmem:s28], [sflag:$0x5], $0x400, $0x38;
	[tilespmem:$0x18400] =	vst v63  }
0x4dc: {  	s29 =	sadd.s32 $0x400, s19;
	s30 =	simm.s32 $0xC800  }
0x4dd: {  	[hbm4b:s29+s3] =	stream.linear.scatter [tilespmem:s30], [sflag:$0x5], $0x400, $0x38;
	[tilespmem:$0x18400] =	vst v63  }
0x4de: {  	s5 =	sadd.s32 $0x480, s19;
	s6 =	simm.s32 $0xD000  }
0x4df: {  	[hbm4b:s5+s3] =	stream.linear.scatter [tilespmem:s6], [sflag:$0x5], $0x400, $0x38;
	[tilespmem:$0x18400] =	vst v63  }
0x4e0: {  	s7 =	sadd.s32 $0x500, s19;
	s8 =	simm.s32 $0xD800  }
0x4e1: {  	[hbm4b:s7+s3] =	stream.linear.scatter [tilespmem:s8], [sflag:$0x5], $0x400, $0x38;
	[tilespmem:$0x18400] =	vst v63  }
0x4e2: {  	s9 =	sadd.s32 $0x580, s19;
	s10 =	simm.s32 $0xE000  }
0x4e3: {  	[hbm4b:s9+s3] =	stream.linear.scatter [tilespmem:s10], [sflag:$0x5], $0x400, $0x38;
	[tilespmem:$0x18400] =	vst v63  }
0x4e4: {  	s20 =	sadd.s32 $0x600, s19;
	s21 =	simm.s32 $0xE800  }
0x4e5: {  	[hbm4b:s20+s3] =	stream.linear.scatter [tilespmem:s21], [sflag:$0x5], $0x400, $0x38;
	[tilespmem:$0x18400] =	vst v63  }
0x4e6: {  	s22 =	sadd.s32 $0x680, s19;
	s23 =	simm.s32 $0xF000  }
0x4e7: {  	[hbm4b:s22+s3] =	stream.linear.scatter [tilespmem:s23], [sflag:$0x5], $0x400, $0x38;
	[tilespmem:$0x18400] =	vst v63  }
0x4e8: {  	s25 =	sadd.s32 $0x700, s19;
	s26 =	simm.s32 $0xF800  }
0x4e9: {  	[hbm4b:s25+s3] =	stream.linear.scatter [tilespmem:s26], [sflag:$0x5], $0x400, $0x38;
	[tilespmem:$0x18400] =	vst v63  }
0x4ea: {  	s31 =	simm.s32 $0x4;
	s28 =	sadd.s32 $0x780, s19;
	s29 =	simm.s32 $0x10000  }
0x4eb: {  	[hbm4b:s28+s3] =	stream.linear.scatter [tilespmem:s29], [sflag:$0x5], $0x400, $0x38;
	[tilespmem:$0x18400] =	vst v63  }
0x4ec: {  	_ =	swait.ge [sflag:s31], $0x4000  }
0x4ed: {  	[sflag:s31] =	ssyncset.done $0x0  }
0x4ee: {  	[sflag:s31] =	ssyncadd.s32 $0xFFFFC000  }
0x4ef: {  	_ =	swait.ge [sflag:s31], $0x4000  }
0x4f0: {  	[sflag:s31] =	ssyncset.done $0x0  }
0x4f1: {  	[sflag:s31] =	ssyncadd.s32 $0xFFFFC000  }
0x4f2: {  	_ =	swait.ge [sflag:s0], $0x4000  }
0x4f3: {  	[sflag:s0] =	ssyncset.done $0x0  }
0x4f4: {  	[sflag:s0] =	ssyncadd.s32 $0xFFFFC000  }
0x4f5: {  	_ =	swait.ge [sflag:s0], $0x4000  }
0x4f6: {  	[sflag:s0] =	ssyncset.done $0x0  }
0x4f7: {  	s30 =	simm.s32 $0x6;
	[sflag:s0] =	ssyncadd.s32 $0xFFFFC000  }
0x4f8: {  	p0 =	sne.s32 s2, $0x1;
	_ =	swait.ge [sflag:s30], $0x4000  }
.Ltmp0:
0x4f9: {  	[sflag:s30] =	ssyncset.done $0x0;
	(pc) =	sbr.rel @p0 .LBB2_1-.Ltmp0, $4  }
0x4fa: {  	[sflag:s30] =	ssyncadd.s32 $0xFFFFC000  }
0x4fb: {  	_ =	swait.ge [sflag:s30], $0x4000  }
0x4fc: {  	s31 =	simm.s32 $0x6;
	[sflag:s30] =	ssyncset.done $0x0  }
0x4fd: {  	s2 =	sadd.s32 $0xFFFFFFFF, s2;
	[sflag:s31] =	ssyncadd.s32 $0xFFFFC000  }
0x4fe: {  	_ =	sfence.sel $0x180000  }
0x4ff: {  	[bflag:$0x0] =	sbarrier.arrive $0xFFFF  }
0x500: {  	_ =	strace $0x90000047  }
0x501: {  	s0 =	stileid.u32;
	[bflag:$0x2] =	sbarrier.arrive $0xFFFF  }
0x502: {  	p0 =	sne.s32 s0, $0x0;
	s0 =	rddreg [dreg:$0x4]  }
0x503: {  	s0 =	sadd.s32 @!p0 $0x100000, s0  }
0x504: {  	[sflag:s0] =	ssyncadd.tile.s32 @!p0 $0x1;
	_ =	shalt  }
.Lfunc_end2:
_tile_overlayer_lowered:
.L_overlay_start_2:
0x505: {  	(tag) =	ssettag $0x2  }
0x506: {  	s0 =	rddreg [dreg:$0x0];
	s2 =	stileid.u32  }
0x507: {  	s1 =	rddreg [dreg:$0x1];
	p0 =	sne.s32 s2, $0x0  }
0x508: {  	s3 =	rddreg [dreg:$0x2];
	[bflag:$0x3] =	sbarrier.arrive $0xFFFF;
	s2 =	simm.s32 @!p0 $0x1C07  }
0x509: {  	[timem:s3], [sflag:s2] =	dma.local @!p0 [hbm:s0], s1  }
0x50a: {  	s0 =	simm.s32 @!p0 $0x7  }
0x50b: {  	_ =	swait.ge @!p0 [sflag:s0], s1  }
0x50c: {  	s1 =	ssub.s32 @!p0 $0x0, s1;
	[sflag:s0] =	ssyncset.done @!p0 $0x0  }
0x50d: {  	[sflag:s0] =	ssyncadd.s32 @!p0 s1  }
0x50e: {  	[bflag:$0x3] =	sbarrier.arrive $0xFFFF  }
0x50f: {  	_ =	shalt  }

</sc_bundles>
